<compile_context>
chip_gen: v7x
topology: tpu7x:2x2x1
jax: 0.10.2.dev20260603
libtpu: 0.0.44.dev20260713+nightly
codegen_flags: <defaults>
</compile_context>

<pallas_src>
import jax
import jax.numpy as jnp
from jax import lax
from jax.experimental import pallas as pl
from jax.experimental.pallas import tpu as pltpu
from jax.experimental.pallas import tpu_sc as plsc

N = 10000
E = 320000
D = 128
NC = 2
NS = 16
NW = NC * NS
K = 64
CHUNKS = 160
EPT = CHUNKS * K
E_PAD = EPT * NW
NPAD = 640 * NS
RPT = NPAD // NS

_MESH = plsc.VectorSubcoreMesh(core_axis_name="c", subcore_axis_name="s")


def _fill_1d(ref, n, value):
    v = jnp.full((16,), value, jnp.float32)

    def body(i, carry):
        ref[pl.ds(i * 16, 16)] = v
        return carry

    lax.fori_loop(0, n // 16, body, 0)


def _fill_2d(ref, nrows, ncols, value):
    v = jnp.full((16,), value, jnp.float32)
    nv = ncols // 16

    def body(i, carry):
        ref[i // nv, pl.ds((i % nv) * 16, 16)] = v
        return carry

    lax.fori_loop(0, nrows * nv, body, 0)


DEG_DEPTH = 8
DEG_K = 128
DEG_CHUNKS = EPT // DEG_K


def _deg_body(cols_hbm, deg_out, cols_v, ones_v, zb_v, acc_sh, dsem):
    c = lax.axis_index("c")
    s = lax.axis_index("s")
    _fill_1d(ones_v, DEG_K, 1.0)
    _fill_1d(zb_v, 640, 0.0)
    pltpu.sync_copy(zb_v, acc_sh.at[pl.ds(s * 640, 640)])
    plsc.subcore_barrier()
    pltpu.sync_copy(cols_hbm.at[c, s], cols_v)

    def issue(j):
        pltpu.async_copy(ones_v, acc_sh.at[cols_v.at[j]], dsem, add=True)

    def wait_d():
        pltpu.make_async_copy(deg_out.at[0, pl.ds(0, DEG_K)],
                              ones_v, dsem).wait()

    for j in range(DEG_DEPTH):
        issue(j)

    def body(j, carry):
        wait_d()
        issue(j + DEG_DEPTH)
        return carry

    lax.fori_loop(0, DEG_CHUNKS - DEG_DEPTH, body, 0)
    for _ in range(DEG_DEPTH):
        wait_d()
    plsc.subcore_barrier()
    pltpu.sync_copy(acc_sh.at[pl.ds(s * 640, 640)],
                    deg_out.at[c, pl.ds(s * 640, 640)])


_deg_call = pl.kernel(
    _deg_body,
    out_type=jax.ShapeDtypeStruct((NC, NPAD), jnp.float32),
    mesh=_MESH,
    scratch_types=[
        pltpu.VMEM((DEG_CHUNKS, DEG_K), jnp.int32),
        pltpu.VMEM((DEG_K,), jnp.float32),
        pltpu.VMEM((640,), jnp.float32),
        pltpu.VMEM_SHARED((NPAD,), jnp.float32),
        pltpu.SemaphoreType.DMA,
    ],
)


SPAN = 32
NSPANS = CHUNKS // SPAN


def _agg_body(xw_hbm, rows_hbm, cols_hbm, out_hbm,
              idx_v, gbuf, acc_sh, gsem, ssem):
    c = lax.axis_index("c")
    s = lax.axis_index("s")

    def stage(off, ib):
        pltpu.sync_copy(rows_hbm.at[c, s, pl.ds(off, SPAN)],
                        idx_v.at[ib, pl.ds(0, SPAN)])
        pltpu.sync_copy(cols_hbm.at[c, s, pl.ds(off, SPAN)],
                        idx_v.at[ib, pl.ds(SPAN, SPAN)])

    def gather(t, b):
        ib = lax.rem(lax.div(t, SPAN), 2)
        pltpu.async_copy(xw_hbm.at[idx_v.at[ib, lax.rem(t, SPAN)]],
                         gbuf.at[b], gsem)

    def scatter(t, b):
        ib = lax.rem(lax.div(t, SPAN), 2)
        pltpu.async_copy(gbuf.at[b],
                         acc_sh.at[idx_v.at[ib, SPAN + lax.rem(t, SPAN)]],
                         ssem, add=True)

    def wait_g():
        pltpu.make_async_copy(xw_hbm.at[pl.ds(0, K)], gbuf.at[0], gsem).wait()

    def wait_s():
        pltpu.make_async_copy(xw_hbm.at[pl.ds(0, K)], gbuf.at[0], ssem).wait()

    n = CHUNKS
    stage(0, 0)
    gather(0, 0)
    gather(1, 1)
    _fill_2d(gbuf.at[2], K, D, 0.0)
    for t in range(RPT // K):
        pltpu.sync_copy(gbuf.at[2], acc_sh.at[pl.ds(s * RPT + t * K, K)])
    plsc.subcore_barrier()
    wait_g()
    scatter(0, 0)
    gather(2, 2)
    wait_g()
    scatter(1, 1)

    def body(t, carry):
        @pl.when(jnp.logical_and(lax.rem(t, SPAN) == 4,
                                 t < (NSPANS - 1) * SPAN))
        def _():
            sp_next = lax.div(t, SPAN) + 1
            stage(sp_next * SPAN, lax.rem(sp_next, 2))

        wait_s()
        gather(t + 1, lax.rem(t + 1, 3))
        wait_g()
        scatter(t, lax.rem(t, 3))
        return carry

    lax.fori_loop(2, n - 1, body, 0)
    wait_s()
    wait_g()
    scatter(n - 1, (n - 1) % 3)
    wait_s()
    wait_s()
    plsc.subcore_barrier()
    pltpu.sync_copy(acc_sh.at[pl.ds(s * RPT, RPT)],
                    out_hbm.at[c, pl.ds(s * RPT, RPT)])


_agg_call = pl.kernel(
    _agg_body,
    out_type=jax.ShapeDtypeStruct((NC, NPAD, D), jnp.float32),
    mesh=_MESH,
    scratch_types=[
        pltpu.VMEM((2, 2 * SPAN, K), jnp.int32),
        pltpu.VMEM((3, K, D), jnp.float32),
        pltpu.VMEM_SHARED((NPAD, D), jnp.float32),
        pltpu.SemaphoreType.DMA,
        pltpu.SemaphoreType.DMA,
    ],
)


RB = 2048
GRID = (NPAD // RB,)


def _dis_of(deg_ref):
    deg = deg_ref[0, :] + deg_ref[1, :]
    return jnp.where(deg > 0, lax.rsqrt(deg), 0.0)


def _mm1_body(x_ref, w_ref, deg_ref, o_ref):
    dis = _dis_of(deg_ref)
    xw = jnp.dot(x_ref[...], w_ref[...],
                 preferred_element_type=jnp.float32,
                 precision=lax.Precision.HIGHEST)
    o_ref[...] = xw * dis[:, None]


_mm1_call = pl.pallas_call(
    _mm1_body,
    grid=GRID,
    in_specs=[
        pl.BlockSpec((RB, D), lambda i: (i, 0)),
        pl.BlockSpec((D, D), lambda i: (0, 0)),
        pl.BlockSpec((NC, RB), lambda i: (0, i)),
    ],
    out_specs=pl.BlockSpec((RB, D), lambda i: (i, 0)),
    out_shape=jax.ShapeDtypeStruct((N, D), jnp.float32),
)


def _mm2_body(agg_ref, deg_ref, w_ref, b_ref, o_ref):
    dis = _dis_of(deg_ref)
    agg = agg_ref[0] + agg_ref[1]
    h = jnp.maximum(agg * dis[:, None] + b_ref[...], 0.0)
    hw = jnp.dot(h, w_ref[...],
                 preferred_element_type=jnp.float32,
                 precision=lax.Precision.HIGHEST)
    o_ref[...] = hw * dis[:, None]


_mm2_call = pl.pallas_call(
    _mm2_body,
    grid=GRID,
    in_specs=[
        pl.BlockSpec((NC, RB, D), lambda i: (0, i, 0)),
        pl.BlockSpec((NC, RB), lambda i: (0, i)),
        pl.BlockSpec((D, D), lambda i: (0, 0)),
        pl.BlockSpec((1, D), lambda i: (0, 0)),
    ],
    out_specs=pl.BlockSpec((RB, D), lambda i: (i, 0)),
    out_shape=jax.ShapeDtypeStruct((N, D), jnp.float32),
)


def _final_body(agg_ref, deg_ref, b_ref, o_ref):
    dis = _dis_of(deg_ref)
    agg = agg_ref[0] + agg_ref[1]
    o_ref[...] = agg * dis[:, None] + b_ref[...]


_final_call = pl.pallas_call(
    _final_body,
    grid=GRID,
    in_specs=[
        pl.BlockSpec((NC, RB, D), lambda i: (0, i, 0)),
        pl.BlockSpec((NC, RB), lambda i: (0, i)),
        pl.BlockSpec((1, D), lambda i: (0, 0)),
    ],
    out_specs=pl.BlockSpec((RB, D), lambda i: (i, 0)),
    out_shape=jax.ShapeDtypeStruct((N, D), jnp.float32),
)


@jax.jit
def kernel(x, edgeIndex, W1, b1, W2, b2):
    P = E_PAD - E
    pad_rows = jnp.arange(P, dtype=jnp.int32) % N
    pad_cols = N + jnp.arange(P, dtype=jnp.int32) % (NPAD - N)
    rows = jnp.concatenate([edgeIndex[0], pad_rows]).reshape(NC, NS, CHUNKS, K)
    cols = jnp.concatenate([edgeIndex[1], pad_cols]).reshape(NC, NS, CHUNKS, K)
    deg2 = _deg_call(cols.reshape(NC, NS, DEG_CHUNKS, DEG_K))
    xw1 = _mm1_call(x, W1, deg2)
    agg1 = _agg_call(xw1, rows, cols)
    xw2 = _mm2_call(agg1, deg2, W2, b1.reshape(1, D))
    agg2 = _agg_call(xw2, rows, cols)
    return _final_call(agg2, deg2, b2.reshape(1, D))

# --- scband reference (transcript-rebuilt; emitter-appended) ---
"""Pipeline reference for scband-gcn-6657199309576 (READ-ONLY COPY).

The authoritative reference and input builder live on the scoring server;
editing this copy changes nothing except your own understanding.
"""

import jax, jax.numpy as jnp
import numpy as np

N = 10000
E = 320000
D = 128
H = 128


def gcn_conv(x, edge_index, W, b):
    # PyG GCNConv with add_self_loops=False, normalize=True
    row = edge_index[0]
    col = edge_index[1]
    n = x.shape[0]
    ones = jnp.ones((edge_index.shape[1],), dtype=x.dtype)
    deg = jnp.zeros((n,), dtype=x.dtype).at[col].add(ones)
    deg_inv_sqrt = jnp.where(deg > 0, deg ** -0.5, 0.0)
    norm = deg_inv_sqrt[row] * deg_inv_sqrt[col]
    xw = x @ W
    msg = norm[:, None] * jnp.take(xw, row, axis=0)
    out = jnp.zeros((n, W.shape[1]), dtype=x.dtype).at[col].add(msg)
    return out + b


def setup_inputs(seed: int = 0) -> dict:
    key = jax.random.key(seed)
    k1, k2, k3, k4 = jax.random.split(key, 4)
    x = jax.random.normal(k1, (N, D), dtype=jnp.float32)
    edgeIndex = jax.random.randint(k2, (2, E), 0, N, dtype=jnp.int32)
    W1 = jax.random.normal(k3, (D, H), dtype=jnp.float32) * (1.0 / np.sqrt(D))
    b1 = jnp.zeros((H,), dtype=jnp.float32)
    W2 = jax.random.normal(k4, (H, H), dtype=jnp.float32) * (1.0 / np.sqrt(H))
    b2 = jnp.zeros((H,), dtype=jnp.float32)
    return {"x": x, "edgeIndex": edgeIndex, "W1": W1, "b1": b1, "W2": W2, "b2": b2}


def reference(x, edgeIndex, W1, b1, W2, b2):
    # 2-layer PyG GCN model: conv -> relu -> (dropout=identity in eval) -> conv
    h = gcn_conv(x, edgeIndex, W1, b1)
    h = jax.nn.relu(h)
    out = gcn_conv(h, edgeIndex, W2, b2)
    return out

if __name__ == "__main__":
    import jax
    _d = setup_inputs()
    print(jax.jit(kernel)(*tuple(_d.values())))

</pallas_src>

<mosaic_0001>
#map = affine_map<(d0, d1) -> (0, 0)>
#map1 = affine_map<(d0, d1) -> (0, 0, 0, 0)>
#map2 = affine_map<(d0, d1) -> (0, 0, 0)>
module attributes {stable_mosaic.version = 14 : i64} {
  func.func @_agg_body(%arg0: i32, %arg1: i32, %arg2: memref<10000x128xf32, #tpu.memory_space<hbm>>, %arg3: memref<2x16x160x64xi32, #tpu.memory_space<hbm>>, %arg4: memref<2x16x160x64xi32, #tpu.memory_space<hbm>>, %arg5: memref<2x10240x128xf32, #tpu.memory_space<hbm>>, %arg6: memref<2x64x64xi32, #tpu.memory_space<vmem>>, %arg7: memref<3x64x128xf32, #tpu.memory_space<vmem>>, %arg8: memref<10240x128xf32, #tpu.memory_space<vmem_shared>>, %arg9: memref<!tpu.dma_semaphore, #tpu.memory_space<semaphore_mem>>, %arg10: memref<!tpu.dma_semaphore, #tpu.memory_space<semaphore_mem>>) attributes {dimension_semantics = [#tpu.dimension_semantics<core_parallel>, #tpu.dimension_semantics<subcore_parallel>], iteration_bounds = array<i64: 2, 16>, scalar_prefetch = 0 : i64, scratch_operands = 5 : i64, tpu.core_type = #tpu.core_type<sc_vector_subcore>, window_params = [{transform_indices = #map}, {transform_indices = #map1}, {transform_indices = #map1}, {transform_indices = #map2}]} {
    %run_scoped3A = arith.constant 0 : i32
    "tpu.region"() ({
      %run_scoped3A_273 = tpu.sem_alloc : memref<!tpu.dma_semaphore, #tpu.memory_space<semaphore_mem>>
      %dma_start3A_274 = arith.constant 0 : i32
      %dma_start3A_275 = arith.constant 0 : i32
      %dma_start3A_276 = tpu.memref_slice %arg6[%run_scoped3A, %dma_start3A_274, %dma_start3A_275] : memref<2x64x64xi32, #tpu.memory_space<vmem>> -> memref<1x32x64xi32, #tpu.memory_space<vmem>>
      %dma_start3A_277 = tpu.memref_squeeze %dma_start3A_276 : memref<1x32x64xi32, #tpu.memory_space<vmem>> -> memref<32x64xi32, #tpu.memory_space<vmem>>
      %dma_start3A_278 = arith.constant 0 : i32
      %dma_start3A_279 = arith.constant 0 : i32
      %dma_start3A_280 = tpu.memref_slice %arg3[%arg0, %arg1, %dma_start3A_278, %dma_start3A_279] : memref<2x16x160x64xi32, #tpu.memory_space<hbm>> -> memref<1x1x32x64xi32, #tpu.memory_space<hbm>>
      %dma_start3A_281 = tpu.memref_squeeze %dma_start3A_280 : memref<1x1x32x64xi32, #tpu.memory_space<hbm>> -> memref<32x64xi32, #tpu.memory_space<hbm>>
      %dma_start3A_282 = arith.constant 0 : i32
      %dma_start3A_283 = arith.constant 0 : i32
      %dma_start3A_284 = tpu.memref_slice %arg6[%run_scoped3A, %dma_start3A_282, %dma_start3A_283] : memref<2x64x64xi32, #tpu.memory_space<vmem>> -> memref<1x32x64xi32, #tpu.memory_space<vmem>>
      %dma_start3A_285 = tpu.memref_squeeze %dma_start3A_284 : memref<1x32x64xi32, #tpu.memory_space<vmem>> -> memref<32x64xi32, #tpu.memory_space<vmem>>
      %dma_start3A_286 = arith.constant 0 : i32
      %dma_start3A_287 = arith.constant 0 : i32
      %dma_start3A_288 = tpu.memref_slice %arg3[%arg0, %arg1, %dma_start3A_286, %dma_start3A_287] : memref<2x16x160x64xi32, #tpu.memory_space<hbm>> -> memref<1x1x32x64xi32, #tpu.memory_space<hbm>>
      %dma_start3A_289 = tpu.memref_squeeze %dma_start3A_288 : memref<1x1x32x64xi32, #tpu.memory_space<hbm>> -> memref<32x64xi32, #tpu.memory_space<hbm>>
      tpu.enqueue_dma source(%dma_start3A_289 : memref<32x64xi32, #tpu.memory_space<hbm>>) target(%dma_start3A_285 : memref<32x64xi32, #tpu.memory_space<vmem>>) target_semaphore(%run_scoped3A_273 : memref<!tpu.dma_semaphore, #tpu.memory_space<semaphore_mem>>)
      %dma_wait3A_290 = arith.constant 0 : i32
      %dma_wait3A_291 = arith.constant 0 : i32
      %dma_wait3A_292 = tpu.memref_slice %arg6[%run_scoped3A, %dma_wait3A_290, %dma_wait3A_291] : memref<2x64x64xi32, #tpu.memory_space<vmem>> -> memref<1x32x64xi32, #tpu.memory_space<vmem>>
      %dma_wait3A_293 = tpu.memref_squeeze %dma_wait3A_292 : memref<1x32x64xi32, #tpu.memory_space<vmem>> -> memref<32x64xi32, #tpu.memory_space<vmem>>
      %dma_wait3A_294 = arith.constant 0 : i32
      %dma_wait3A_295 = arith.constant 0 : i32
      %dma_wait3A_296 = tpu.memref_slice %arg3[%arg0, %arg1, %dma_wait3A_294, %dma_wait3A_295] : memref<2x16x160x64xi32, #tpu.memory_space<hbm>> -> memref<1x1x32x64xi32, #tpu.memory_space<hbm>>
      %dma_wait3A_297 = tpu.memref_squeeze %dma_wait3A_296 : memref<1x1x32x64xi32, #tpu.memory_space<hbm>> -> memref<32x64xi32, #tpu.memory_space<hbm>>
      %dma_wait3A_298 = arith.constant 0 : i32
      %dma_wait3A_299 = arith.constant 0 : i32
      %dma_wait3A_300 = tpu.memref_slice %arg6[%run_scoped3A, %dma_wait3A_298, %dma_wait3A_299] : memref<2x64x64xi32, #tpu.memory_space<vmem>> -> memref<1x32x64xi32, #tpu.memory_space<vmem>>
      %dma_wait3A_301 = tpu.memref_squeeze %dma_wait3A_300 : memref<1x32x64xi32, #tpu.memory_space<vmem>> -> memref<32x64xi32, #tpu.memory_space<vmem>>
      %dma_wait3A_302 = arith.constant 0 : i32
      %dma_wait3A_303 = arith.constant 0 : i32
      %dma_wait3A_304 = tpu.memref_slice %arg3[%arg0, %arg1, %dma_wait3A_302, %dma_wait3A_303] : memref<2x16x160x64xi32, #tpu.memory_space<hbm>> -> memref<1x1x32x64xi32, #tpu.memory_space<hbm>>
      %dma_wait3A_305 = tpu.memref_squeeze %dma_wait3A_304 : memref<1x1x32x64xi32, #tpu.memory_space<hbm>> -> memref<32x64xi32, #tpu.memory_space<hbm>>
      tpu.wait_dma2 semaphore(%run_scoped3A_273 : memref<!tpu.dma_semaphore, #tpu.memory_space<semaphore_mem>>) src(%dma_wait3A_305 : memref<32x64xi32, #tpu.memory_space<hbm>>) dst(%dma_wait3A_301 : memref<32x64xi32, #tpu.memory_space<vmem>>)
      tpu.yield
    }) : () -> ()
    %run_scoped3A_0 = arith.constant 0 : i32
    "tpu.region"() ({
      %run_scoped3A_273 = tpu.sem_alloc : memref<!tpu.dma_semaphore, #tpu.memory_space<semaphore_mem>>
      %dma_start3A_274 = arith.constant 32 : i32
      %dma_start3A_275 = arith.constant 0 : i32
      %dma_start3A_276 = tpu.memref_slice %arg6[%run_scoped3A_0, %dma_start3A_274, %dma_start3A_275] : memref<2x64x64xi32, #tpu.memory_space<vmem>> -> memref<1x32x64xi32, #tpu.memory_space<vmem>>
      %dma_start3A_277 = tpu.memref_squeeze %dma_start3A_276 : memref<1x32x64xi32, #tpu.memory_space<vmem>> -> memref<32x64xi32, #tpu.memory_space<vmem>>
      %dma_start3A_278 = arith.constant 0 : i32
      %dma_start3A_279 = arith.constant 0 : i32
      %dma_start3A_280 = tpu.memref_slice %arg4[%arg0, %arg1, %dma_start3A_278, %dma_start3A_279] : memref<2x16x160x64xi32, #tpu.memory_space<hbm>> -> memref<1x1x32x64xi32, #tpu.memory_space<hbm>>
      %dma_start3A_281 = tpu.memref_squeeze %dma_start3A_280 : memref<1x1x32x64xi32, #tpu.memory_space<hbm>> -> memref<32x64xi32, #tpu.memory_space<hbm>>
      %dma_start3A_282 = arith.constant 32 : i32
      %dma_start3A_283 = arith.constant 0 : i32
      %dma_start3A_284 = tpu.memref_slice %arg6[%run_scoped3A_0, %dma_start3A_282, %dma_start3A_283] : memref<2x64x64xi32, #tpu.memory_space<vmem>> -> memref<1x32x64xi32, #tpu.memory_space<vmem>>
      %dma_start3A_285 = tpu.memref_squeeze %dma_start3A_284 : memref<1x32x64xi32, #tpu.memory_space<vmem>> -> memref<32x64xi32, #tpu.memory_space<vmem>>
      %dma_start3A_286 = arith.constant 0 : i32
      %dma_start3A_287 = arith.constant 0 : i32
      %dma_start3A_288 = tpu.memref_slice %arg4[%arg0, %arg1, %dma_start3A_286, %dma_start3A_287] : memref<2x16x160x64xi32, #tpu.memory_space<hbm>> -> memref<1x1x32x64xi32, #tpu.memory_space<hbm>>
      %dma_start3A_289 = tpu.memref_squeeze %dma_start3A_288 : memref<1x1x32x64xi32, #tpu.memory_space<hbm>> -> memref<32x64xi32, #tpu.memory_space<hbm>>
      tpu.enqueue_dma source(%dma_start3A_289 : memref<32x64xi32, #tpu.memory_space<hbm>>) target(%dma_start3A_285 : memref<32x64xi32, #tpu.memory_space<vmem>>) target_semaphore(%run_scoped3A_273 : memref<!tpu.dma_semaphore, #tpu.memory_space<semaphore_mem>>)
      %dma_wait3A_290 = arith.constant 32 : i32
      %dma_wait3A_291 = arith.constant 0 : i32
      %dma_wait3A_292 = tpu.memref_slice %arg6[%run_scoped3A_0, %dma_wait3A_290, %dma_wait3A_291] : memref<2x64x64xi32, #tpu.memory_space<vmem>> -> memref<1x32x64xi32, #tpu.memory_space<vmem>>
      %dma_wait3A_293 = tpu.memref_squeeze %dma_wait3A_292 : memref<1x32x64xi32, #tpu.memory_space<vmem>> -> memref<32x64xi32, #tpu.memory_space<vmem>>
      %dma_wait3A_294 = arith.constant 0 : i32
      %dma_wait3A_295 = arith.constant 0 : i32
      %dma_wait3A_296 = tpu.memref_slice %arg4[%arg0, %arg1, %dma_wait3A_294, %dma_wait3A_295] : memref<2x16x160x64xi32, #tpu.memory_space<hbm>> -> memref<1x1x32x64xi32, #tpu.memory_space<hbm>>
      %dma_wait3A_297 = tpu.memref_squeeze %dma_wait3A_296 : memref<1x1x32x64xi32, #tpu.memory_space<hbm>> -> memref<32x64xi32, #tpu.memory_space<hbm>>
      %dma_wait3A_298 = arith.constant 32 : i32
      %dma_wait3A_299 = arith.constant 0 : i32
      %dma_wait3A_300 = tpu.memref_slice %arg6[%run_scoped3A_0, %dma_wait3A_298, %dma_wait3A_299] : memref<2x64x64xi32, #tpu.memory_space<vmem>> -> memref<1x32x64xi32, #tpu.memory_space<vmem>>
      %dma_wait3A_301 = tpu.memref_squeeze %dma_wait3A_300 : memref<1x32x64xi32, #tpu.memory_space<vmem>> -> memref<32x64xi32, #tpu.memory_space<vmem>>
      %dma_wait3A_302 = arith.constant 0 : i32
      %dma_wait3A_303 = arith.constant 0 : i32
      %dma_wait3A_304 = tpu.memref_slice %arg4[%arg0, %arg1, %dma_wait3A_302, %dma_wait3A_303] : memref<2x16x160x64xi32, #tpu.memory_space<hbm>> -> memref<1x1x32x64xi32, #tpu.memory_space<hbm>>
      %dma_wait3A_305 = tpu.memref_squeeze %dma_wait3A_304 : memref<1x1x32x64xi32, #tpu.memory_space<hbm>> -> memref<32x64xi32, #tpu.memory_space<hbm>>
      tpu.wait_dma2 semaphore(%run_scoped3A_273 : memref<!tpu.dma_semaphore, #tpu.memory_space<semaphore_mem>>) src(%dma_wait3A_305 : memref<32x64xi32, #tpu.memory_space<hbm>>) dst(%dma_wait3A_301 : memref<32x64xi32, #tpu.memory_space<vmem>>)
      tpu.yield
    }) : () -> ()
    %div3A = arith.constant 0 : i32
    %div3A_1 = arith.constant 32 : i32
    %div3A_2 = arith.divsi %div3A, %div3A_1 : i32
    %rem3A = arith.constant 2 : i32
    %rem3A_3 = arith.remsi %div3A_2, %rem3A : i32
    %rem3A_4 = arith.constant 0 : i32
    %rem3A_5 = arith.constant 32 : i32
    %rem3A_6 = arith.remsi %rem3A_4, %rem3A_5 : i32
    %dma_start3A = arith.constant 0 : i32
    %dma_start3A_7 = arith.constant 0 : i32
    %dma_start3A_8 = arith.constant 0 : i32
    %dma_start3A_9 = tpu.memref_slice %arg7[%dma_start3A, %dma_start3A_7, %dma_start3A_8] : memref<3x64x128xf32, #tpu.memory_space<vmem>> -> memref<1x64x128xf32, #tpu.memory_space<vmem>>
    %dma_start3A_10 = tpu.memref_squeeze %dma_start3A_9 : memref<1x64x128xf32, #tpu.memory_space<vmem>> -> memref<64x128xf32, #tpu.memory_space<vmem>>
    %dma_start3A_11 = arith.constant 0 : i32
    %dma_start3A_12 = tpu.memref_slice %arg6[%rem3A_3, %rem3A_6, %dma_start3A_11] : memref<2x64x64xi32, #tpu.memory_space<vmem>> -> memref<1x1x64xi32, #tpu.memory_space<vmem>>
    %dma_start3A_13 = tpu.memref_squeeze %dma_start3A_12 : memref<1x1x64xi32, #tpu.memory_space<vmem>> -> memref<64xi32, #tpu.memory_space<vmem>>
    %dma_start3A_14 = arith.constant 0 : i32
    %dma_start3A_15 = arith.constant 0 : i32
    %dma_start3A_16 = tpu.memref_slice %arg2[%dma_start3A_14, %dma_start3A_15] : memref<10000x128xf32, #tpu.memory_space<hbm>> -> memref<10000x128xf32, #tpu.memory_space<hbm>>
    tpu.enqueue_indirect_dma source(%dma_start3A_16 : memref<10000x128xf32, #tpu.memory_space<hbm>>) target(%dma_start3A_10 : memref<64x128xf32, #tpu.memory_space<vmem>>) offsets(%dma_start3A_13 : memref<64xi32, #tpu.memory_space<vmem>>) semaphore(%arg9 : memref<!tpu.dma_semaphore, #tpu.memory_space<semaphore_mem>>)
    %div3A_17 = arith.constant 1 : i32
    %div3A_18 = arith.constant 32 : i32
    %div3A_19 = arith.divsi %div3A_17, %div3A_18 : i32
    %rem3A_20 = arith.constant 2 : i32
    %rem3A_21 = arith.remsi %div3A_19, %rem3A_20 : i32
    %rem3A_22 = arith.constant 1 : i32
    %rem3A_23 = arith.constant 32 : i32
    %rem3A_24 = arith.remsi %rem3A_22, %rem3A_23 : i32
    %dma_start3A_25 = arith.constant 1 : i32
    %dma_start3A_26 = arith.constant 0 : i32
    %dma_start3A_27 = arith.constant 0 : i32
    %dma_start3A_28 = tpu.memref_slice %arg7[%dma_start3A_25, %dma_start3A_26, %dma_start3A_27] : memref<3x64x128xf32, #tpu.memory_space<vmem>> -> memref<1x64x128xf32, #tpu.memory_space<vmem>>
    %dma_start3A_29 = tpu.memref_squeeze %dma_start3A_28 : memref<1x64x128xf32, #tpu.memory_space<vmem>> -> memref<64x128xf32, #tpu.memory_space<vmem>>
    %dma_start3A_30 = arith.constant 0 : i32
    %dma_start3A_31 = tpu.memref_slice %arg6[%rem3A_21, %rem3A_24, %dma_start3A_30] : memref<2x64x64xi32, #tpu.memory_space<vmem>> -> memref<1x1x64xi32, #tpu.memory_space<vmem>>
    %dma_start3A_32 = tpu.memref_squeeze %dma_start3A_31 : memref<1x1x64xi32, #tpu.memory_space<vmem>> -> memref<64xi32, #tpu.memory_space<vmem>>
    %dma_start3A_33 = arith.constant 0 : i32
    %dma_start3A_34 = arith.constant 0 : i32
    %dma_start3A_35 = tpu.memref_slice %arg2[%dma_start3A_33, %dma_start3A_34] : memref<10000x128xf32, #tpu.memory_space<hbm>> -> memref<10000x128xf32, #tpu.memory_space<hbm>>
    tpu.enqueue_indirect_dma source(%dma_start3A_35 : memref<10000x128xf32, #tpu.memory_space<hbm>>) target(%dma_start3A_29 : memref<64x128xf32, #tpu.memory_space<vmem>>) offsets(%dma_start3A_32 : memref<64xi32, #tpu.memory_space<vmem>>) semaphore(%arg9 : memref<!tpu.dma_semaphore, #tpu.memory_space<semaphore_mem>>)
    %broadcast_in_dim3A = arith.constant 0.000000e+00 : f32
    %broadcast_in_dim3A_36 = vector.broadcast %broadcast_in_dim3A : f32 to vector<16xf32>
    %scan3A = arith.constant 0 : i32
    %scan3A_37 = arith.constant 2 : i32
    %scan3A_38 = arith.constant 0 : i32
    %scan3A_39 = arith.constant 512 : i32
    %scan3A_40 = arith.addi %scan3A_38, %scan3A_39 : i32
    %scan3A_41 = arith.constant 1 : i32
    scf.for %scan3A_273 = %scan3A_38 to %scan3A_40 step %scan3A_41  : i32 {
      %jit3A = arith.constant 8 : i32
      %div3A_274 = arith.divsi %scan3A_273, %jit3A : i32
      %sign3A = arith.constant 0 : i32
      %sign3A_275 = arith.cmpi sgt, %scan3A_273, %sign3A : i32
      %sign3A_276 = arith.extui %sign3A_275 : i1 to i32
      %sign3A_277 = arith.constant 0 : i32
      %sign3A_278 = arith.cmpi slt, %scan3A_273, %sign3A_277 : i32
      %sign3A_279 = arith.extui %sign3A_278 : i1 to i32
      %sign3A_280 = arith.subi %sign3A_276, %sign3A_279 : i32
      %sign3A_281 = arith.constant 0 : i32
      %sign3A_282 = arith.cmpi sgt, %jit3A, %sign3A_281 : i32
      %sign3A_283 = arith.extui %sign3A_282 : i1 to i32
      %sign3A_284 = arith.constant 0 : i32
      %sign3A_285 = arith.cmpi slt, %jit3A, %sign3A_284 : i32
      %sign3A_286 = arith.extui %sign3A_285 : i1 to i32
      %sign3A_287 = arith.subi %sign3A_283, %sign3A_286 : i32
      %ne3A = arith.cmpi ne, %sign3A_280, %sign3A_287 : i32
      %rem3A_288 = arith.remsi %scan3A_273, %jit3A : i32
      %ne3A_289 = arith.constant 0 : i32
      %ne3A_290 = arith.cmpi ne, %rem3A_288, %ne3A_289 : i32
      %and3A = arith.andi %ne3A, %ne3A_290 : i1
      %sub3A = arith.constant 1 : i32
      %sub3A_291 = arith.subi %div3A_274, %sub3A : i32
      %select_n3A = arith.select %and3A, %sub3A_291, %div3A_274 : i32
      %jit3A_292 = arith.constant 8 : i32
      %eq3A = arith.constant 0 : i32
      %eq3A_293 = arith.cmpi eq, %jit3A_292, %eq3A : i32
      %jit3A_294 = arith.constant 1 : i32
      %select_n3A_295 = arith.select %eq3A_293, %jit3A_294, %jit3A_292 : i32
      %rem3A_296 = arith.remsi %scan3A_273, %select_n3A_295 : i32
      %ne3A_297 = arith.constant 0 : i32
      %ne3A_298 = arith.cmpi ne, %rem3A_296, %ne3A_297 : i32
      %lt3A = arith.constant 0 : i32
      %lt3A_299 = arith.cmpi slt, %rem3A_296, %lt3A : i32
      %lt3A_300 = arith.constant 0 : i32
      %lt3A_301 = arith.cmpi slt, %select_n3A_295, %lt3A_300 : i32
      %ne3A_302 = arith.xori %lt3A_299, %lt3A_301 : i1
      %and3A_303 = arith.andi %ne3A_302, %ne3A_298 : i1
      %add3A_304 = arith.addi %rem3A_296, %select_n3A_295 : i32
      %select_n3A_305 = arith.select %and3A_303, %add3A_304, %rem3A_296 : i32
      %mul3A_306 = arith.constant 16 : i32
      %mul3A_307 = arith.muli %select_n3A_305, %mul3A_306 : i32
      %swap3A = arith.constant 0 : i32
      %swap3A_308 = arith.constant 0 : i32
      %swap3A_309 = tpu.memref_slice %arg7[%scan3A_37, %swap3A, %swap3A_308] : memref<3x64x128xf32, #tpu.memory_space<vmem>> -> memref<1x64x128xf32, #tpu.memory_space<vmem>>
      %swap3A_310 = tpu.memref_squeeze %swap3A_309 : memref<1x64x128xf32, #tpu.memory_space<vmem>> -> memref<64x128xf32, #tpu.memory_space<vmem>>
      %swap3A_311 = arith.index_cast %select_n3A : i32 to index
      %swap3A_312 = arith.index_cast %mul3A_307 : i32 to index
      %swap3A_313 = tpu.vector_load %swap3A_310[%swap3A_311, %swap3A_312] {strides = array<i32>} : memref<64x128xf32, #tpu.memory_space<vmem>>, vector<1x16xf32>,
      %swap3A_314 = vector.shape_cast %swap3A_313 : vector<1x16xf32> to vector<16xf32>
      %swap3A_315 = vector.shape_cast %broadcast_in_dim3A_36 : vector<16xf32> to vector<1x16xf32>
      tpu.vector_store %swap3A_310[%swap3A_311, %swap3A_312], %swap3A_315 {strides = array<i32>} : memref<64x128xf32, #tpu.memory_space<vmem>>, vector<1x16xf32>,
    }
    %scan3A_42 = arith.constant 512 : i32
    %mul3A = arith.constant 640 : i32
    %mul3A_43 = arith.muli %arg1, %mul3A : i32
    %add3A = arith.constant 0 : i32
    %add3A_44 = arith.addi %mul3A_43, %add3A : i32
    %run_scoped3A_45 = arith.constant 2 : i32
    "tpu.region"() ({
      %run_scoped3A_273 = tpu.sem_alloc : memref<!tpu.dma_semaphore, #tpu.memory_space<semaphore_mem>>
      %dma_start3A_274 = arith.constant 0 : i32
      %dma_start3A_275 = arith.constant 0 : i32
      %dma_start3A_276 = tpu.memref_slice %arg7[%run_scoped3A_45, %dma_start3A_274, %dma_start3A_275] : memref<3x64x128xf32, #tpu.memory_space<vmem>> -> memref<1x64x128xf32, #tpu.memory_space<vmem>>
      %dma_start3A_277 = tpu.memref_squeeze %dma_start3A_276 : memref<1x64x128xf32, #tpu.memory_space<vmem>> -> memref<64x128xf32, #tpu.memory_space<vmem>>
      %dma_start3A_278 = arith.constant 0 : i32
      %dma_start3A_279 = tpu.memref_slice %arg8[%add3A_44, %dma_start3A_278] : memref<10240x128xf32, #tpu.memory_space<vmem_shared>> -> memref<64x128xf32, #tpu.memory_space<vmem_shared>>
      %dma_start3A_280 = arith.constant 0 : i32
      %dma_start3A_281 = tpu.memref_slice %arg8[%add3A_44, %dma_start3A_280] : memref<10240x128xf32, #tpu.memory_space<vmem_shared>> -> memref<64x128xf32, #tpu.memory_space<vmem_shared>>
      %dma_start3A_282 = arith.constant 0 : i32
      %dma_start3A_283 = arith.constant 0 : i32
      %dma_start3A_284 = tpu.memref_slice %arg7[%run_scoped3A_45, %dma_start3A_282, %dma_start3A_283] : memref<3x64x128xf32, #tpu.memory_space<vmem>> -> memref<1x64x128xf32, #tpu.memory_space<vmem>>
      %dma_start3A_285 = tpu.memref_squeeze %dma_start3A_284 : memref<1x64x128xf32, #tpu.memory_space<vmem>> -> memref<64x128xf32, #tpu.memory_space<vmem>>
      tpu.enqueue_dma source(%dma_start3A_285 : memref<64x128xf32, #tpu.memory_space<vmem>>) target(%dma_start3A_281 : memref<64x128xf32, #tpu.memory_space<vmem_shared>>) target_semaphore(%run_scoped3A_273 : memref<!tpu.dma_semaphore, #tpu.memory_space<semaphore_mem>>)
      %dma_wait3A_286 = arith.constant 0 : i32
      %dma_wait3A_287 = arith.constant 0 : i32
      %dma_wait3A_288 = tpu.memref_slice %arg7[%run_scoped3A_45, %dma_wait3A_286, %dma_wait3A_287] : memref<3x64x128xf32, #tpu.memory_space<vmem>> -> memref<1x64x128xf32, #tpu.memory_space<vmem>>
      %dma_wait3A_289 = tpu.memref_squeeze %dma_wait3A_288 : memref<1x64x128xf32, #tpu.memory_space<vmem>> -> memref<64x128xf32, #tpu.memory_space<vmem>>
      %dma_wait3A_290 = arith.constant 0 : i32
      %dma_wait3A_291 = tpu.memref_slice %arg8[%add3A_44, %dma_wait3A_290] : memref<10240x128xf32, #tpu.memory_space<vmem_shared>> -> memref<64x128xf32, #tpu.memory_space<vmem_shared>>
      %dma_wait3A_292 = arith.constant 0 : i32
      %dma_wait3A_293 = tpu.memref_slice %arg8[%add3A_44, %dma_wait3A_292] : memref<10240x128xf32, #tpu.memory_space<vmem_shared>> -> memref<64x128xf32, #tpu.memory_space<vmem_shared>>
      %dma_wait3A_294 = arith.constant 0 : i32
      %dma_wait3A_295 = arith.constant 0 : i32
      %dma_wait3A_296 = tpu.memref_slice %arg7[%run_scoped3A_45, %dma_wait3A_294, %dma_wait3A_295] : memref<3x64x128xf32, #tpu.memory_space<vmem>> -> memref<1x64x128xf32, #tpu.memory_space<vmem>>
      %dma_wait3A_297 = tpu.memref_squeeze %dma_wait3A_296 : memref<1x64x128xf32, #tpu.memory_space<vmem>> -> memref<64x128xf32, #tpu.memory_space<vmem>>
      tpu.wait_dma2 semaphore(%run_scoped3A_273 : memref<!tpu.dma_semaphore, #tpu.memory_space<semaphore_mem>>) src(%dma_wait3A_297 : memref<64x128xf32, #tpu.memory_space<vmem>>) dst(%dma_wait3A_293 : memref<64x128xf32, #tpu.memory_space<vmem_shared>>)
      tpu.yield
    }) : () -> ()
    %mul3A_46 = arith.constant 640 : i32
    %mul3A_47 = arith.muli %arg1, %mul3A_46 : i32
    %add3A_48 = arith.constant 64 : i32
    %add3A_49 = arith.addi %mul3A_47, %add3A_48 : i32
    %run_scoped3A_50 = arith.constant 2 : i32
    "tpu.region"() ({
      %run_scoped3A_273 = tpu.sem_alloc : memref<!tpu.dma_semaphore, #tpu.memory_space<semaphore_mem>>
      %dma_start3A_274 = arith.constant 0 : i32
      %dma_start3A_275 = arith.constant 0 : i32
      %dma_start3A_276 = tpu.memref_slice %arg7[%run_scoped3A_50, %dma_start3A_274, %dma_start3A_275] : memref<3x64x128xf32, #tpu.memory_space<vmem>> -> memref<1x64x128xf32, #tpu.memory_space<vmem>>
      %dma_start3A_277 = tpu.memref_squeeze %dma_start3A_276 : memref<1x64x128xf32, #tpu.memory_space<vmem>> -> memref<64x128xf32, #tpu.memory_space<vmem>>
      %dma_start3A_278 = arith.constant 0 : i32
      %dma_start3A_279 = tpu.memref_slice %arg8[%add3A_49, %dma_start3A_278] : memref<10240x128xf32, #tpu.memory_space<vmem_shared>> -> memref<64x128xf32, #tpu.memory_space<vmem_shared>>
      %dma_start3A_280 = arith.constant 0 : i32
      %dma_start3A_281 = tpu.memref_slice %arg8[%add3A_49, %dma_start3A_280] : memref<10240x128xf32, #tpu.memory_space<vmem_shared>> -> memref<64x128xf32, #tpu.memory_space<vmem_shared>>
      %dma_start3A_282 = arith.constant 0 : i32
      %dma_start3A_283 = arith.constant 0 : i32
      %dma_start3A_284 = tpu.memref_slice %arg7[%run_scoped3A_50, %dma_start3A_282, %dma_start3A_283] : memref<3x64x128xf32, #tpu.memory_space<vmem>> -> memref<1x64x128xf32, #tpu.memory_space<vmem>>
      %dma_start3A_285 = tpu.memref_squeeze %dma_start3A_284 : memref<1x64x128xf32, #tpu.memory_space<vmem>> -> memref<64x128xf32, #tpu.memory_space<vmem>>
      tpu.enqueue_dma source(%dma_start3A_285 : memref<64x128xf32, #tpu.memory_space<vmem>>) target(%dma_start3A_281 : memref<64x128xf32, #tpu.memory_space<vmem_shared>>) target_semaphore(%run_scoped3A_273 : memref<!tpu.dma_semaphore, #tpu.memory_space<semaphore_mem>>)
      %dma_wait3A_286 = arith.constant 0 : i32
      %dma_wait3A_287 = arith.constant 0 : i32
      %dma_wait3A_288 = tpu.memref_slice %arg7[%run_scoped3A_50, %dma_wait3A_286, %dma_wait3A_287] : memref<3x64x128xf32, #tpu.memory_space<vmem>> -> memref<1x64x128xf32, #tpu.memory_space<vmem>>
      %dma_wait3A_289 = tpu.memref_squeeze %dma_wait3A_288 : memref<1x64x128xf32, #tpu.memory_space<vmem>> -> memref<64x128xf32, #tpu.memory_space<vmem>>
      %dma_wait3A_290 = arith.constant 0 : i32
      %dma_wait3A_291 = tpu.memref_slice %arg8[%add3A_49, %dma_wait3A_290] : memref<10240x128xf32, #tpu.memory_space<vmem_shared>> -> memref<64x128xf32, #tpu.memory_space<vmem_shared>>
      %dma_wait3A_292 = arith.constant 0 : i32
      %dma_wait3A_293 = tpu.memref_slice %arg8[%add3A_49, %dma_wait3A_292] : memref<10240x128xf32, #tpu.memory_space<vmem_shared>> -> memref<64x128xf32, #tpu.memory_space<vmem_shared>>
      %dma_wait3A_294 = arith.constant 0 : i32
      %dma_wait3A_295 = arith.constant 0 : i32
      %dma_wait3A_296 = tpu.memref_slice %arg7[%run_scoped3A_50, %dma_wait3A_294, %dma_wait3A_295] : memref<3x64x128xf32, #tpu.memory_space<vmem>> -> memref<1x64x128xf32, #tpu.memory_space<vmem>>
      %dma_wait3A_297 = tpu.memref_squeeze %dma_wait3A_296 : memref<1x64x128xf32, #tpu.memory_space<vmem>> -> memref<64x128xf32, #tpu.memory_space<vmem>>
      tpu.wait_dma2 semaphore(%run_scoped3A_273 : memref<!tpu.dma_semaphore, #tpu.memory_space<semaphore_mem>>) src(%dma_wait3A_297 : memref<64x128xf32, #tpu.memory_space<vmem>>) dst(%dma_wait3A_293 : memref<64x128xf32, #tpu.memory_space<vmem_shared>>)
      tpu.yield
    }) : () -> ()
    %mul3A_51 = arith.constant 640 : i32
    %mul3A_52 = arith.muli %arg1, %mul3A_51 : i32
    %add3A_53 = arith.constant 128 : i32
    %add3A_54 = arith.addi %mul3A_52, %add3A_53 : i32
    %run_scoped3A_55 = arith.constant 2 : i32
    "tpu.region"() ({
      %run_scoped3A_273 = tpu.sem_alloc : memref<!tpu.dma_semaphore, #tpu.memory_space<semaphore_mem>>
      %dma_start3A_274 = arith.constant 0 : i32
      %dma_start3A_275 = arith.constant 0 : i32
      %dma_start3A_276 = tpu.memref_slice %arg7[%run_scoped3A_55, %dma_start3A_274, %dma_start3A_275] : memref<3x64x128xf32, #tpu.memory_space<vmem>> -> memref<1x64x128xf32, #tpu.memory_space<vmem>>
      %dma_start3A_277 = tpu.memref_squeeze %dma_start3A_276 : memref<1x64x128xf32, #tpu.memory_space<vmem>> -> memref<64x128xf32, #tpu.memory_space<vmem>>
      %dma_start3A_278 = arith.constant 0 : i32
      %dma_start3A_279 = tpu.memref_slice %arg8[%add3A_54, %dma_start3A_278] : memref<10240x128xf32, #tpu.memory_space<vmem_shared>> -> memref<64x128xf32, #tpu.memory_space<vmem_shared>>
      %dma_start3A_280 = arith.constant 0 : i32
      %dma_start3A_281 = tpu.memref_slice %arg8[%add3A_54, %dma_start3A_280] : memref<10240x128xf32, #tpu.memory_space<vmem_shared>> -> memref<64x128xf32, #tpu.memory_space<vmem_shared>>
      %dma_start3A_282 = arith.constant 0 : i32
      %dma_start3A_283 = arith.constant 0 : i32
      %dma_start3A_284 = tpu.memref_slice %arg7[%run_scoped3A_55, %dma_start3A_282, %dma_start3A_283] : memref<3x64x128xf32, #tpu.memory_space<vmem>> -> memref<1x64x128xf32, #tpu.memory_space<vmem>>
      %dma_start3A_285 = tpu.memref_squeeze %dma_start3A_284 : memref<1x64x128xf32, #tpu.memory_space<vmem>> -> memref<64x128xf32, #tpu.memory_space<vmem>>
      tpu.enqueue_dma source(%dma_start3A_285 : memref<64x128xf32, #tpu.memory_space<vmem>>) target(%dma_start3A_281 : memref<64x128xf32, #tpu.memory_space<vmem_shared>>) target_semaphore(%run_scoped3A_273 : memref<!tpu.dma_semaphore, #tpu.memory_space<semaphore_mem>>)
      %dma_wait3A_286 = arith.constant 0 : i32
      %dma_wait3A_287 = arith.constant 0 : i32
      %dma_wait3A_288 = tpu.memref_slice %arg7[%run_scoped3A_55, %dma_wait3A_286, %dma_wait3A_287] : memref<3x64x128xf32, #tpu.memory_space<vmem>> -> memref<1x64x128xf32, #tpu.memory_space<vmem>>
      %dma_wait3A_289 = tpu.memref_squeeze %dma_wait3A_288 : memref<1x64x128xf32, #tpu.memory_space<vmem>> -> memref<64x128xf32, #tpu.memory_space<vmem>>
      %dma_wait3A_290 = arith.constant 0 : i32
      %dma_wait3A_291 = tpu.memref_slice %arg8[%add3A_54, %dma_wait3A_290] : memref<10240x128xf32, #tpu.memory_space<vmem_shared>> -> memref<64x128xf32, #tpu.memory_space<vmem_shared>>
      %dma_wait3A_292 = arith.constant 0 : i32
      %dma_wait3A_293 = tpu.memref_slice %arg8[%add3A_54, %dma_wait3A_292] : memref<10240x128xf32, #tpu.memory_space<vmem_shared>> -> memref<64x128xf32, #tpu.memory_space<vmem_shared>>
      %dma_wait3A_294 = arith.constant 0 : i32
      %dma_wait3A_295 = arith.constant 0 : i32
      %dma_wait3A_296 = tpu.memref_slice %arg7[%run_scoped3A_55, %dma_wait3A_294, %dma_wait3A_295] : memref<3x64x128xf32, #tpu.memory_space<vmem>> -> memref<1x64x128xf32, #tpu.memory_space<vmem>>
      %dma_wait3A_297 = tpu.memref_squeeze %dma_wait3A_296 : memref<1x64x128xf32, #tpu.memory_space<vmem>> -> memref<64x128xf32, #tpu.memory_space<vmem>>
      tpu.wait_dma2 semaphore(%run_scoped3A_273 : memref<!tpu.dma_semaphore, #tpu.memory_space<semaphore_mem>>) src(%dma_wait3A_297 : memref<64x128xf32, #tpu.memory_space<vmem>>) dst(%dma_wait3A_293 : memref<64x128xf32, #tpu.memory_space<vmem_shared>>)
      tpu.yield
    }) : () -> ()
    %mul3A_56 = arith.constant 640 : i32
    %mul3A_57 = arith.muli %arg1, %mul3A_56 : i32
    %add3A_58 = arith.constant 192 : i32
    %add3A_59 = arith.addi %mul3A_57, %add3A_58 : i32
    %run_scoped3A_60 = arith.constant 2 : i32
    "tpu.region"() ({
      %run_scoped3A_273 = tpu.sem_alloc : memref<!tpu.dma_semaphore, #tpu.memory_space<semaphore_mem>>
      %dma_start3A_274 = arith.constant 0 : i32
      %dma_start3A_275 = arith.constant 0 : i32
      %dma_start3A_276 = tpu.memref_slice %arg7[%run_scoped3A_60, %dma_start3A_274, %dma_start3A_275] : memref<3x64x128xf32, #tpu.memory_space<vmem>> -> memref<1x64x128xf32, #tpu.memory_space<vmem>>
      %dma_start3A_277 = tpu.memref_squeeze %dma_start3A_276 : memref<1x64x128xf32, #tpu.memory_space<vmem>> -> memref<64x128xf32, #tpu.memory_space<vmem>>
      %dma_start3A_278 = arith.constant 0 : i32
      %dma_start3A_279 = tpu.memref_slice %arg8[%add3A_59, %dma_start3A_278] : memref<10240x128xf32, #tpu.memory_space<vmem_shared>> -> memref<64x128xf32, #tpu.memory_space<vmem_shared>>
      %dma_start3A_280 = arith.constant 0 : i32
      %dma_start3A_281 = tpu.memref_slice %arg8[%add3A_59, %dma_start3A_280] : memref<10240x128xf32, #tpu.memory_space<vmem_shared>> -> memref<64x128xf32, #tpu.memory_space<vmem_shared>>
      %dma_start3A_282 = arith.constant 0 : i32
      %dma_start3A_283 = arith.constant 0 : i32
      %dma_start3A_284 = tpu.memref_slice %arg7[%run_scoped3A_60, %dma_start3A_282, %dma_start3A_283] : memref<3x64x128xf32, #tpu.memory_space<vmem>> -> memref<1x64x128xf32, #tpu.memory_space<vmem>>
      %dma_start3A_285 = tpu.memref_squeeze %dma_start3A_284 : memref<1x64x128xf32, #tpu.memory_space<vmem>> -> memref<64x128xf32, #tpu.memory_space<vmem>>
      tpu.enqueue_dma source(%dma_start3A_285 : memref<64x128xf32, #tpu.memory_space<vmem>>) target(%dma_start3A_281 : memref<64x128xf32, #tpu.memory_space<vmem_shared>>) target_semaphore(%run_scoped3A_273 : memref<!tpu.dma_semaphore, #tpu.memory_space<semaphore_mem>>)
      %dma_wait3A_286 = arith.constant 0 : i32
      %dma_wait3A_287 = arith.constant 0 : i32
      %dma_wait3A_288 = tpu.memref_slice %arg7[%run_scoped3A_60, %dma_wait3A_286, %dma_wait3A_287] : memref<3x64x128xf32, #tpu.memory_space<vmem>> -> memref<1x64x128xf32, #tpu.memory_space<vmem>>
      %dma_wait3A_289 = tpu.memref_squeeze %dma_wait3A_288 : memref<1x64x128xf32, #tpu.memory_space<vmem>> -> memref<64x128xf32, #tpu.memory_space<vmem>>
      %dma_wait3A_290 = arith.constant 0 : i32
      %dma_wait3A_291 = tpu.memref_slice %arg8[%add3A_59, %dma_wait3A_290] : memref<10240x128xf32, #tpu.memory_space<vmem_shared>> -> memref<64x128xf32, #tpu.memory_space<vmem_shared>>
      %dma_wait3A_292 = arith.constant 0 : i32
      %dma_wait3A_293 = tpu.memref_slice %arg8[%add3A_59, %dma_wait3A_292] : memref<10240x128xf32, #tpu.memory_space<vmem_shared>> -> memref<64x128xf32, #tpu.memory_space<vmem_shared>>
      %dma_wait3A_294 = arith.constant 0 : i32
      %dma_wait3A_295 = arith.constant 0 : i32
      %dma_wait3A_296 = tpu.memref_slice %arg7[%run_scoped3A_60, %dma_wait3A_294, %dma_wait3A_295] : memref<3x64x128xf32, #tpu.memory_space<vmem>> -> memref<1x64x128xf32, #tpu.memory_space<vmem>>
      %dma_wait3A_297 = tpu.memref_squeeze %dma_wait3A_296 : memref<1x64x128xf32, #tpu.memory_space<vmem>> -> memref<64x128xf32, #tpu.memory_space<vmem>>
      tpu.wait_dma2 semaphore(%run_scoped3A_273 : memref<!tpu.dma_semaphore, #tpu.memory_space<semaphore_mem>>) src(%dma_wait3A_297 : memref<64x128xf32, #tpu.memory_space<vmem>>) dst(%dma_wait3A_293 : memref<64x128xf32, #tpu.memory_space<vmem_shared>>)
      tpu.yield
    }) : () -> ()
    %mul3A_61 = arith.constant 640 : i32
    %mul3A_62 = arith.muli %arg1, %mul3A_61 : i32
    %add3A_63 = arith.constant 256 : i32
    %add3A_64 = arith.addi %mul3A_62, %add3A_63 : i32
    %run_scoped3A_65 = arith.constant 2 : i32
    "tpu.region"() ({
      %run_scoped3A_273 = tpu.sem_alloc : memref<!tpu.dma_semaphore, #tpu.memory_space<semaphore_mem>>
      %dma_start3A_274 = arith.constant 0 : i32
      %dma_start3A_275 = arith.constant 0 : i32
      %dma_start3A_276 = tpu.memref_slice %arg7[%run_scoped3A_65, %dma_start3A_274, %dma_start3A_275] : memref<3x64x128xf32, #tpu.memory_space<vmem>> -> memref<1x64x128xf32, #tpu.memory_space<vmem>>
      %dma_start3A_277 = tpu.memref_squeeze %dma_start3A_276 : memref<1x64x128xf32, #tpu.memory_space<vmem>> -> memref<64x128xf32, #tpu.memory_space<vmem>>
      %dma_start3A_278 = arith.constant 0 : i32
      %dma_start3A_279 = tpu.memref_slice %arg8[%add3A_64, %dma_start3A_278] : memref<10240x128xf32, #tpu.memory_space<vmem_shared>> -> memref<64x128xf32, #tpu.memory_space<vmem_shared>>
      %dma_start3A_280 = arith.constant 0 : i32
      %dma_start3A_281 = tpu.memref_slice %arg8[%add3A_64, %dma_start3A_280] : memref<10240x128xf32, #tpu.memory_space<vmem_shared>> -> memref<64x128xf32, #tpu.memory_space<vmem_shared>>
      %dma_start3A_282 = arith.constant 0 : i32
      %dma_start3A_283 = arith.constant 0 : i32
      %dma_start3A_284 = tpu.memref_slice %arg7[%run_scoped3A_65, %dma_start3A_282, %dma_start3A_283] : memref<3x64x128xf32, #tpu.memory_space<vmem>> -> memref<1x64x128xf32, #tpu.memory_space<vmem>>
      %dma_start3A_285 = tpu.memref_squeeze %dma_start3A_284 : memref<1x64x128xf32, #tpu.memory_space<vmem>> -> memref<64x128xf32, #tpu.memory_space<vmem>>
      tpu.enqueue_dma source(%dma_start3A_285 : memref<64x128xf32, #tpu.memory_space<vmem>>) target(%dma_start3A_281 : memref<64x128xf32, #tpu.memory_space<vmem_shared>>) target_semaphore(%run_scoped3A_273 : memref<!tpu.dma_semaphore, #tpu.memory_space<semaphore_mem>>)
      %dma_wait3A_286 = arith.constant 0 : i32
      %dma_wait3A_287 = arith.constant 0 : i32
      %dma_wait3A_288 = tpu.memref_slice %arg7[%run_scoped3A_65, %dma_wait3A_286, %dma_wait3A_287] : memref<3x64x128xf32, #tpu.memory_space<vmem>> -> memref<1x64x128xf32, #tpu.memory_space<vmem>>
      %dma_wait3A_289 = tpu.memref_squeeze %dma_wait3A_288 : memref<1x64x128xf32, #tpu.memory_space<vmem>> -> memref<64x128xf32, #tpu.memory_space<vmem>>
      %dma_wait3A_290 = arith.constant 0 : i32
      %dma_wait3A_291 = tpu.memref_slice %arg8[%add3A_64, %dma_wait3A_290] : memref<10240x128xf32, #tpu.memory_space<vmem_shared>> -> memref<64x128xf32, #tpu.memory_space<vmem_shared>>
      %dma_wait3A_292 = arith.constant 0 : i32
      %dma_wait3A_293 = tpu.memref_slice %arg8[%add3A_64, %dma_wait3A_292] : memref<10240x128xf32, #tpu.memory_space<vmem_shared>> -> memref<64x128xf32, #tpu.memory_space<vmem_shared>>
      %dma_wait3A_294 = arith.constant 0 : i32
      %dma_wait3A_295 = arith.constant 0 : i32
      %dma_wait3A_296 = tpu.memref_slice %arg7[%run_scoped3A_65, %dma_wait3A_294, %dma_wait3A_295] : memref<3x64x128xf32, #tpu.memory_space<vmem>> -> memref<1x64x128xf32, #tpu.memory_space<vmem>>
      %dma_wait3A_297 = tpu.memref_squeeze %dma_wait3A_296 : memref<1x64x128xf32, #tpu.memory_space<vmem>> -> memref<64x128xf32, #tpu.memory_space<vmem>>
      tpu.wait_dma2 semaphore(%run_scoped3A_273 : memref<!tpu.dma_semaphore, #tpu.memory_space<semaphore_mem>>) src(%dma_wait3A_297 : memref<64x128xf32, #tpu.memory_space<vmem>>) dst(%dma_wait3A_293 : memref<64x128xf32, #tpu.memory_space<vmem_shared>>)
      tpu.yield
    }) : () -> ()
    %mul3A_66 = arith.constant 640 : i32
    %mul3A_67 = arith.muli %arg1, %mul3A_66 : i32
    %add3A_68 = arith.constant 320 : i32
    %add3A_69 = arith.addi %mul3A_67, %add3A_68 : i32
    %run_scoped3A_70 = arith.constant 2 : i32
    "tpu.region"() ({
      %run_scoped3A_273 = tpu.sem_alloc : memref<!tpu.dma_semaphore, #tpu.memory_space<semaphore_mem>>
      %dma_start3A_274 = arith.constant 0 : i32
      %dma_start3A_275 = arith.constant 0 : i32
      %dma_start3A_276 = tpu.memref_slice %arg7[%run_scoped3A_70, %dma_start3A_274, %dma_start3A_275] : memref<3x64x128xf32, #tpu.memory_space<vmem>> -> memref<1x64x128xf32, #tpu.memory_space<vmem>>
      %dma_start3A_277 = tpu.memref_squeeze %dma_start3A_276 : memref<1x64x128xf32, #tpu.memory_space<vmem>> -> memref<64x128xf32, #tpu.memory_space<vmem>>
      %dma_start3A_278 = arith.constant 0 : i32
      %dma_start3A_279 = tpu.memref_slice %arg8[%add3A_69, %dma_start3A_278] : memref<10240x128xf32, #tpu.memory_space<vmem_shared>> -> memref<64x128xf32, #tpu.memory_space<vmem_shared>>
      %dma_start3A_280 = arith.constant 0 : i32
      %dma_start3A_281 = tpu.memref_slice %arg8[%add3A_69, %dma_start3A_280] : memref<10240x128xf32, #tpu.memory_space<vmem_shared>> -> memref<64x128xf32, #tpu.memory_space<vmem_shared>>
      %dma_start3A_282 = arith.constant 0 : i32
      %dma_start3A_283 = arith.constant 0 : i32
      %dma_start3A_284 = tpu.memref_slice %arg7[%run_scoped3A_70, %dma_start3A_282, %dma_start3A_283] : memref<3x64x128xf32, #tpu.memory_space<vmem>> -> memref<1x64x128xf32, #tpu.memory_space<vmem>>
      %dma_start3A_285 = tpu.memref_squeeze %dma_start3A_284 : memref<1x64x128xf32, #tpu.memory_space<vmem>> -> memref<64x128xf32, #tpu.memory_space<vmem>>
      tpu.enqueue_dma source(%dma_start3A_285 : memref<64x128xf32, #tpu.memory_space<vmem>>) target(%dma_start3A_281 : memref<64x128xf32, #tpu.memory_space<vmem_shared>>) target_semaphore(%run_scoped3A_273 : memref<!tpu.dma_semaphore, #tpu.memory_space<semaphore_mem>>)
      %dma_wait3A_286 = arith.constant 0 : i32
      %dma_wait3A_287 = arith.constant 0 : i32
      %dma_wait3A_288 = tpu.memref_slice %arg7[%run_scoped3A_70, %dma_wait3A_286, %dma_wait3A_287] : memref<3x64x128xf32, #tpu.memory_space<vmem>> -> memref<1x64x128xf32, #tpu.memory_space<vmem>>
      %dma_wait3A_289 = tpu.memref_squeeze %dma_wait3A_288 : memref<1x64x128xf32, #tpu.memory_space<vmem>> -> memref<64x128xf32, #tpu.memory_space<vmem>>
      %dma_wait3A_290 = arith.constant 0 : i32
      %dma_wait3A_291 = tpu.memref_slice %arg8[%add3A_69, %dma_wait3A_290] : memref<10240x128xf32, #tpu.memory_space<vmem_shared>> -> memref<64x128xf32, #tpu.memory_space<vmem_shared>>
      %dma_wait3A_292 = arith.constant 0 : i32
      %dma_wait3A_293 = tpu.memref_slice %arg8[%add3A_69, %dma_wait3A_292] : memref<10240x128xf32, #tpu.memory_space<vmem_shared>> -> memref<64x128xf32, #tpu.memory_space<vmem_shared>>
      %dma_wait3A_294 = arith.constant 0 : i32
      %dma_wait3A_295 = arith.constant 0 : i32
      %dma_wait3A_296 = tpu.memref_slice %arg7[%run_scoped3A_70, %dma_wait3A_294, %dma_wait3A_295] : memref<3x64x128xf32, #tpu.memory_space<vmem>> -> memref<1x64x128xf32, #tpu.memory_space<vmem>>
      %dma_wait3A_297 = tpu.memref_squeeze %dma_wait3A_296 : memref<1x64x128xf32, #tpu.memory_space<vmem>> -> memref<64x128xf32, #tpu.memory_space<vmem>>
      tpu.wait_dma2 semaphore(%run_scoped3A_273 : memref<!tpu.dma_semaphore, #tpu.memory_space<semaphore_mem>>) src(%dma_wait3A_297 : memref<64x128xf32, #tpu.memory_space<vmem>>) dst(%dma_wait3A_293 : memref<64x128xf32, #tpu.memory_space<vmem_shared>>)
      tpu.yield
    }) : () -> ()
    %mul3A_71 = arith.constant 640 : i32
    %mul3A_72 = arith.muli %arg1, %mul3A_71 : i32
    %add3A_73 = arith.constant 384 : i32
    %add3A_74 = arith.addi %mul3A_72, %add3A_73 : i32
    %run_scoped3A_75 = arith.constant 2 : i32
    "tpu.region"() ({
      %run_scoped3A_273 = tpu.sem_alloc : memref<!tpu.dma_semaphore, #tpu.memory_space<semaphore_mem>>
      %dma_start3A_274 = arith.constant 0 : i32
      %dma_start3A_275 = arith.constant 0 : i32
      %dma_start3A_276 = tpu.memref_slice %arg7[%run_scoped3A_75, %dma_start3A_274, %dma_start3A_275] : memref<3x64x128xf32, #tpu.memory_space<vmem>> -> memref<1x64x128xf32, #tpu.memory_space<vmem>>
      %dma_start3A_277 = tpu.memref_squeeze %dma_start3A_276 : memref<1x64x128xf32, #tpu.memory_space<vmem>> -> memref<64x128xf32, #tpu.memory_space<vmem>>
      %dma_start3A_278 = arith.constant 0 : i32
      %dma_start3A_279 = tpu.memref_slice %arg8[%add3A_74, %dma_start3A_278] : memref<10240x128xf32, #tpu.memory_space<vmem_shared>> -> memref<64x128xf32, #tpu.memory_space<vmem_shared>>
      %dma_start3A_280 = arith.constant 0 : i32
      %dma_start3A_281 = tpu.memref_slice %arg8[%add3A_74, %dma_start3A_280] : memref<10240x128xf32, #tpu.memory_space<vmem_shared>> -> memref<64x128xf32, #tpu.memory_space<vmem_shared>>
      %dma_start3A_282 = arith.constant 0 : i32
      %dma_start3A_283 = arith.constant 0 : i32
      %dma_start3A_284 = tpu.memref_slice %arg7[%run_scoped3A_75, %dma_start3A_282, %dma_start3A_283] : memref<3x64x128xf32, #tpu.memory_space<vmem>> -> memref<1x64x128xf32, #tpu.memory_space<vmem>>
      %dma_start3A_285 = tpu.memref_squeeze %dma_start3A_284 : memref<1x64x128xf32, #tpu.memory_space<vmem>> -> memref<64x128xf32, #tpu.memory_space<vmem>>
      tpu.enqueue_dma source(%dma_start3A_285 : memref<64x128xf32, #tpu.memory_space<vmem>>) target(%dma_start3A_281 : memref<64x128xf32, #tpu.memory_space<vmem_shared>>) target_semaphore(%run_scoped3A_273 : memref<!tpu.dma_semaphore, #tpu.memory_space<semaphore_mem>>)
      %dma_wait3A_286 = arith.constant 0 : i32
      %dma_wait3A_287 = arith.constant 0 : i32
      %dma_wait3A_288 = tpu.memref_slice %arg7[%run_scoped3A_75, %dma_wait3A_286, %dma_wait3A_287] : memref<3x64x128xf32, #tpu.memory_space<vmem>> -> memref<1x64x128xf32, #tpu.memory_space<vmem>>
      %dma_wait3A_289 = tpu.memref_squeeze %dma_wait3A_288 : memref<1x64x128xf32, #tpu.memory_space<vmem>> -> memref<64x128xf32, #tpu.memory_space<vmem>>
      %dma_wait3A_290 = arith.constant 0 : i32
      %dma_wait3A_291 = tpu.memref_slice %arg8[%add3A_74, %dma_wait3A_290] : memref<10240x128xf32, #tpu.memory_space<vmem_shared>> -> memref<64x128xf32, #tpu.memory_space<vmem_shared>>
      %dma_wait3A_292 = arith.constant 0 : i32
      %dma_wait3A_293 = tpu.memref_slice %arg8[%add3A_74, %dma_wait3A_292] : memref<10240x128xf32, #tpu.memory_space<vmem_shared>> -> memref<64x128xf32, #tpu.memory_space<vmem_shared>>
      %dma_wait3A_294 = arith.constant 0 : i32
      %dma_wait3A_295 = arith.constant 0 : i32
      %dma_wait3A_296 = tpu.memref_slice %arg7[%run_scoped3A_75, %dma_wait3A_294, %dma_wait3A_295] : memref<3x64x128xf32, #tpu.memory_space<vmem>> -> memref<1x64x128xf32, #tpu.memory_space<vmem>>
      %dma_wait3A_297 = tpu.memref_squeeze %dma_wait3A_296 : memref<1x64x128xf32, #tpu.memory_space<vmem>> -> memref<64x128xf32, #tpu.memory_space<vmem>>
      tpu.wait_dma2 semaphore(%run_scoped3A_273 : memref<!tpu.dma_semaphore, #tpu.memory_space<semaphore_mem>>) src(%dma_wait3A_297 : memref<64x128xf32, #tpu.memory_space<vmem>>) dst(%dma_wait3A_293 : memref<64x128xf32, #tpu.memory_space<vmem_shared>>)
      tpu.yield
    }) : () -> ()
    %mul3A_76 = arith.constant 640 : i32
    %mul3A_77 = arith.muli %arg1, %mul3A_76 : i32
    %add3A_78 = arith.constant 448 : i32
    %add3A_79 = arith.addi %mul3A_77, %add3A_78 : i32
    %run_scoped3A_80 = arith.constant 2 : i32
    "tpu.region"() ({
      %run_scoped3A_273 = tpu.sem_alloc : memref<!tpu.dma_semaphore, #tpu.memory_space<semaphore_mem>>
      %dma_start3A_274 = arith.constant 0 : i32
      %dma_start3A_275 = arith.constant 0 : i32
      %dma_start3A_276 = tpu.memref_slice %arg7[%run_scoped3A_80, %dma_start3A_274, %dma_start3A_275] : memref<3x64x128xf32, #tpu.memory_space<vmem>> -> memref<1x64x128xf32, #tpu.memory_space<vmem>>
      %dma_start3A_277 = tpu.memref_squeeze %dma_start3A_276 : memref<1x64x128xf32, #tpu.memory_space<vmem>> -> memref<64x128xf32, #tpu.memory_space<vmem>>
      %dma_start3A_278 = arith.constant 0 : i32
      %dma_start3A_279 = tpu.memref_slice %arg8[%add3A_79, %dma_start3A_278] : memref<10240x128xf32, #tpu.memory_space<vmem_shared>> -> memref<64x128xf32, #tpu.memory_space<vmem_shared>>
      %dma_start3A_280 = arith.constant 0 : i32
      %dma_start3A_281 = tpu.memref_slice %arg8[%add3A_79, %dma_start3A_280] : memref<10240x128xf32, #tpu.memory_space<vmem_shared>> -> memref<64x128xf32, #tpu.memory_space<vmem_shared>>
      %dma_start3A_282 = arith.constant 0 : i32
      %dma_start3A_283 = arith.constant 0 : i32
      %dma_start3A_284 = tpu.memref_slice %arg7[%run_scoped3A_80, %dma_start3A_282, %dma_start3A_283] : memref<3x64x128xf32, #tpu.memory_space<vmem>> -> memref<1x64x128xf32, #tpu.memory_space<vmem>>
      %dma_start3A_285 = tpu.memref_squeeze %dma_start3A_284 : memref<1x64x128xf32, #tpu.memory_space<vmem>> -> memref<64x128xf32, #tpu.memory_space<vmem>>
      tpu.enqueue_dma source(%dma_start3A_285 : memref<64x128xf32, #tpu.memory_space<vmem>>) target(%dma_start3A_281 : memref<64x128xf32, #tpu.memory_space<vmem_shared>>) target_semaphore(%run_scoped3A_273 : memref<!tpu.dma_semaphore, #tpu.memory_space<semaphore_mem>>)
      %dma_wait3A_286 = arith.constant 0 : i32
      %dma_wait3A_287 = arith.constant 0 : i32
      %dma_wait3A_288 = tpu.memref_slice %arg7[%run_scoped3A_80, %dma_wait3A_286, %dma_wait3A_287] : memref<3x64x128xf32, #tpu.memory_space<vmem>> -> memref<1x64x128xf32, #tpu.memory_space<vmem>>
      %dma_wait3A_289 = tpu.memref_squeeze %dma_wait3A_288 : memref<1x64x128xf32, #tpu.memory_space<vmem>> -> memref<64x128xf32, #tpu.memory_space<vmem>>
      %dma_wait3A_290 = arith.constant 0 : i32
      %dma_wait3A_291 = tpu.memref_slice %arg8[%add3A_79, %dma_wait3A_290] : memref<10240x128xf32, #tpu.memory_space<vmem_shared>> -> memref<64x128xf32, #tpu.memory_space<vmem_shared>>
      %dma_wait3A_292 = arith.constant 0 : i32
      %dma_wait3A_293 = tpu.memref_slice %arg8[%add3A_79, %dma_wait3A_292] : memref<10240x128xf32, #tpu.memory_space<vmem_shared>> -> memref<64x128xf32, #tpu.memory_space<vmem_shared>>
      %dma_wait3A_294 = arith.constant 0 : i32
      %dma_wait3A_295 = arith.constant 0 : i32
      %dma_wait3A_296 = tpu.memref_slice %arg7[%run_scoped3A_80, %dma_wait3A_294, %dma_wait3A_295] : memref<3x64x128xf32, #tpu.memory_space<vmem>> -> memref<1x64x128xf32, #tpu.memory_space<vmem>>
      %dma_wait3A_297 = tpu.memref_squeeze %dma_wait3A_296 : memref<1x64x128xf32, #tpu.memory_space<vmem>> -> memref<64x128xf32, #tpu.memory_space<vmem>>
      tpu.wait_dma2 semaphore(%run_scoped3A_273 : memref<!tpu.dma_semaphore, #tpu.memory_space<semaphore_mem>>) src(%dma_wait3A_297 : memref<64x128xf32, #tpu.memory_space<vmem>>) dst(%dma_wait3A_293 : memref<64x128xf32, #tpu.memory_space<vmem_shared>>)
      tpu.yield
    }) : () -> ()
    %mul3A_81 = arith.constant 640 : i32
    %mul3A_82 = arith.muli %arg1, %mul3A_81 : i32
    %add3A_83 = arith.constant 512 : i32
    %add3A_84 = arith.addi %mul3A_82, %add3A_83 : i32
    %run_scoped3A_85 = arith.constant 2 : i32
    "tpu.region"() ({
      %run_scoped3A_273 = tpu.sem_alloc : memref<!tpu.dma_semaphore, #tpu.memory_space<semaphore_mem>>
      %dma_start3A_274 = arith.constant 0 : i32
      %dma_start3A_275 = arith.constant 0 : i32
      %dma_start3A_276 = tpu.memref_slice %arg7[%run_scoped3A_85, %dma_start3A_274, %dma_start3A_275] : memref<3x64x128xf32, #tpu.memory_space<vmem>> -> memref<1x64x128xf32, #tpu.memory_space<vmem>>
      %dma_start3A_277 = tpu.memref_squeeze %dma_start3A_276 : memref<1x64x128xf32, #tpu.memory_space<vmem>> -> memref<64x128xf32, #tpu.memory_space<vmem>>
      %dma_start3A_278 = arith.constant 0 : i32
      %dma_start3A_279 = tpu.memref_slice %arg8[%add3A_84, %dma_start3A_278] : memref<10240x128xf32, #tpu.memory_space<vmem_shared>> -> memref<64x128xf32, #tpu.memory_space<vmem_shared>>
      %dma_start3A_280 = arith.constant 0 : i32
      %dma_start3A_281 = tpu.memref_slice %arg8[%add3A_84, %dma_start3A_280] : memref<10240x128xf32, #tpu.memory_space<vmem_shared>> -> memref<64x128xf32, #tpu.memory_space<vmem_shared>>
      %dma_start3A_282 = arith.constant 0 : i32
      %dma_start3A_283 = arith.constant 0 : i32
      %dma_start3A_284 = tpu.memref_slice %arg7[%run_scoped3A_85, %dma_start3A_282, %dma_start3A_283] : memref<3x64x128xf32, #tpu.memory_space<vmem>> -> memref<1x64x128xf32, #tpu.memory_space<vmem>>
      %dma_start3A_285 = tpu.memref_squeeze %dma_start3A_284 : memref<1x64x128xf32, #tpu.memory_space<vmem>> -> memref<64x128xf32, #tpu.memory_space<vmem>>
      tpu.enqueue_dma source(%dma_start3A_285 : memref<64x128xf32, #tpu.memory_space<vmem>>) target(%dma_start3A_281 : memref<64x128xf32, #tpu.memory_space<vmem_shared>>) target_semaphore(%run_scoped3A_273 : memref<!tpu.dma_semaphore, #tpu.memory_space<semaphore_mem>>)
      %dma_wait3A_286 = arith.constant 0 : i32
      %dma_wait3A_287 = arith.constant 0 : i32
      %dma_wait3A_288 = tpu.memref_slice %arg7[%run_scoped3A_85, %dma_wait3A_286, %dma_wait3A_287] : memref<3x64x128xf32, #tpu.memory_space<vmem>> -> memref<1x64x128xf32, #tpu.memory_space<vmem>>
      %dma_wait3A_289 = tpu.memref_squeeze %dma_wait3A_288 : memref<1x64x128xf32, #tpu.memory_space<vmem>> -> memref<64x128xf32, #tpu.memory_space<vmem>>
      %dma_wait3A_290 = arith.constant 0 : i32
      %dma_wait3A_291 = tpu.memref_slice %arg8[%add3A_84, %dma_wait3A_290] : memref<10240x128xf32, #tpu.memory_space<vmem_shared>> -> memref<64x128xf32, #tpu.memory_space<vmem_shared>>
      %dma_wait3A_292 = arith.constant 0 : i32
      %dma_wait3A_293 = tpu.memref_slice %arg8[%add3A_84, %dma_wait3A_292] : memref<10240x128xf32, #tpu.memory_space<vmem_shared>> -> memref<64x128xf32, #tpu.memory_space<vmem_shared>>
      %dma_wait3A_294 = arith.constant 0 : i32
      %dma_wait3A_295 = arith.constant 0 : i32
      %dma_wait3A_296 = tpu.memref_slice %arg7[%run_scoped3A_85, %dma_wait3A_294, %dma_wait3A_295] : memref<3x64x128xf32, #tpu.memory_space<vmem>> -> memref<1x64x128xf32, #tpu.memory_space<vmem>>
      %dma_wait3A_297 = tpu.memref_squeeze %dma_wait3A_296 : memref<1x64x128xf32, #tpu.memory_space<vmem>> -> memref<64x128xf32, #tpu.memory_space<vmem>>
      tpu.wait_dma2 semaphore(%run_scoped3A_273 : memref<!tpu.dma_semaphore, #tpu.memory_space<semaphore_mem>>) src(%dma_wait3A_297 : memref<64x128xf32, #tpu.memory_space<vmem>>) dst(%dma_wait3A_293 : memref<64x128xf32, #tpu.memory_space<vmem_shared>>)
      tpu.yield
    }) : () -> ()
    %mul3A_86 = arith.constant 640 : i32
    %mul3A_87 = arith.muli %arg1, %mul3A_86 : i32
    %add3A_88 = arith.constant 576 : i32
    %add3A_89 = arith.addi %mul3A_87, %add3A_88 : i32
    %run_scoped3A_90 = arith.constant 2 : i32
    "tpu.region"() ({
      %run_scoped3A_273 = tpu.sem_alloc : memref<!tpu.dma_semaphore, #tpu.memory_space<semaphore_mem>>
      %dma_start3A_274 = arith.constant 0 : i32
      %dma_start3A_275 = arith.constant 0 : i32
      %dma_start3A_276 = tpu.memref_slice %arg7[%run_scoped3A_90, %dma_start3A_274, %dma_start3A_275] : memref<3x64x128xf32, #tpu.memory_space<vmem>> -> memref<1x64x128xf32, #tpu.memory_space<vmem>>
      %dma_start3A_277 = tpu.memref_squeeze %dma_start3A_276 : memref<1x64x128xf32, #tpu.memory_space<vmem>> -> memref<64x128xf32, #tpu.memory_space<vmem>>
      %dma_start3A_278 = arith.constant 0 : i32
      %dma_start3A_279 = tpu.memref_slice %arg8[%add3A_89, %dma_start3A_278] : memref<10240x128xf32, #tpu.memory_space<vmem_shared>> -> memref<64x128xf32, #tpu.memory_space<vmem_shared>>
      %dma_start3A_280 = arith.constant 0 : i32
      %dma_start3A_281 = tpu.memref_slice %arg8[%add3A_89, %dma_start3A_280] : memref<10240x128xf32, #tpu.memory_space<vmem_shared>> -> memref<64x128xf32, #tpu.memory_space<vmem_shared>>
      %dma_start3A_282 = arith.constant 0 : i32
      %dma_start3A_283 = arith.constant 0 : i32
      %dma_start3A_284 = tpu.memref_slice %arg7[%run_scoped3A_90, %dma_start3A_282, %dma_start3A_283] : memref<3x64x128xf32, #tpu.memory_space<vmem>> -> memref<1x64x128xf32, #tpu.memory_space<vmem>>
      %dma_start3A_285 = tpu.memref_squeeze %dma_start3A_284 : memref<1x64x128xf32, #tpu.memory_space<vmem>> -> memref<64x128xf32, #tpu.memory_space<vmem>>
      tpu.enqueue_dma source(%dma_start3A_285 : memref<64x128xf32, #tpu.memory_space<vmem>>) target(%dma_start3A_281 : memref<64x128xf32, #tpu.memory_space<vmem_shared>>) target_semaphore(%run_scoped3A_273 : memref<!tpu.dma_semaphore, #tpu.memory_space<semaphore_mem>>)
      %dma_wait3A_286 = arith.constant 0 : i32
      %dma_wait3A_287 = arith.constant 0 : i32
      %dma_wait3A_288 = tpu.memref_slice %arg7[%run_scoped3A_90, %dma_wait3A_286, %dma_wait3A_287] : memref<3x64x128xf32, #tpu.memory_space<vmem>> -> memref<1x64x128xf32, #tpu.memory_space<vmem>>
      %dma_wait3A_289 = tpu.memref_squeeze %dma_wait3A_288 : memref<1x64x128xf32, #tpu.memory_space<vmem>> -> memref<64x128xf32, #tpu.memory_space<vmem>>
      %dma_wait3A_290 = arith.constant 0 : i32
      %dma_wait3A_291 = tpu.memref_slice %arg8[%add3A_89, %dma_wait3A_290] : memref<10240x128xf32, #tpu.memory_space<vmem_shared>> -> memref<64x128xf32, #tpu.memory_space<vmem_shared>>
      %dma_wait3A_292 = arith.constant 0 : i32
      %dma_wait3A_293 = tpu.memref_slice %arg8[%add3A_89, %dma_wait3A_292] : memref<10240x128xf32, #tpu.memory_space<vmem_shared>> -> memref<64x128xf32, #tpu.memory_space<vmem_shared>>
      %dma_wait3A_294 = arith.constant 0 : i32
      %dma_wait3A_295 = arith.constant 0 : i32
      %dma_wait3A_296 = tpu.memref_slice %arg7[%run_scoped3A_90, %dma_wait3A_294, %dma_wait3A_295] : memref<3x64x128xf32, #tpu.memory_space<vmem>> -> memref<1x64x128xf32, #tpu.memory_space<vmem>>
      %dma_wait3A_297 = tpu.memref_squeeze %dma_wait3A_296 : memref<1x64x128xf32, #tpu.memory_space<vmem>> -> memref<64x128xf32, #tpu.memory_space<vmem>>
      tpu.wait_dma2 semaphore(%run_scoped3A_273 : memref<!tpu.dma_semaphore, #tpu.memory_space<semaphore_mem>>) src(%dma_wait3A_297 : memref<64x128xf32, #tpu.memory_space<vmem>>) dst(%dma_wait3A_293 : memref<64x128xf32, #tpu.memory_space<vmem_shared>>)
      tpu.yield
    }) : () -> ()
    %barrier3A = arith.constant 0 : index
    tpu.barrier barrier_id(%barrier3A)
    %dma_wait3A = arith.constant 0 : i32
    %dma_wait3A_91 = arith.constant 0 : i32
    %dma_wait3A_92 = arith.constant 0 : i32
    %dma_wait3A_93 = tpu.memref_slice %arg7[%dma_wait3A, %dma_wait3A_91, %dma_wait3A_92] : memref<3x64x128xf32, #tpu.memory_space<vmem>> -> memref<1x64x128xf32, #tpu.memory_space<vmem>>
    %dma_wait3A_94 = tpu.memref_squeeze %dma_wait3A_93 : memref<1x64x128xf32, #tpu.memory_space<vmem>> -> memref<64x128xf32, #tpu.memory_space<vmem>>
    %dma_wait3A_95 = arith.constant 0 : i32
    %dma_wait3A_96 = arith.constant 0 : i32
    %dma_wait3A_97 = tpu.memref_slice %arg2[%dma_wait3A_95, %dma_wait3A_96] : memref<10000x128xf32, #tpu.memory_space<hbm>> -> memref<64x128xf32, #tpu.memory_space<hbm>>
    %dma_wait3A_98 = arith.constant 0 : i32
    %dma_wait3A_99 = arith.constant 0 : i32
    %dma_wait3A_100 = tpu.memref_slice %arg7[%dma_wait3A, %dma_wait3A_98, %dma_wait3A_99] : memref<3x64x128xf32, #tpu.memory_space<vmem>> -> memref<1x64x128xf32, #tpu.memory_space<vmem>>
    %dma_wait3A_101 = tpu.memref_squeeze %dma_wait3A_100 : memref<1x64x128xf32, #tpu.memory_space<vmem>> -> memref<64x128xf32, #tpu.memory_space<vmem>>
    %dma_wait3A_102 = arith.constant 0 : i32
    %dma_wait3A_103 = arith.constant 0 : i32
    %dma_wait3A_104 = tpu.memref_slice %arg2[%dma_wait3A_102, %dma_wait3A_103] : memref<10000x128xf32, #tpu.memory_space<hbm>> -> memref<64x128xf32, #tpu.memory_space<hbm>>
    tpu.wait_dma2 semaphore(%arg9 : memref<!tpu.dma_semaphore, #tpu.memory_space<semaphore_mem>>) src(%dma_wait3A_104 : memref<64x128xf32, #tpu.memory_space<hbm>>) dst(%dma_wait3A_101 : memref<64x128xf32, #tpu.memory_space<vmem>>)
    %div3A_105 = arith.constant 0 : i32
    %div3A_106 = arith.constant 32 : i32
    %div3A_107 = arith.divsi %div3A_105, %div3A_106 : i32
    %rem3A_108 = arith.constant 2 : i32
    %rem3A_109 = arith.remsi %div3A_107, %rem3A_108 : i32
    %rem3A_110 = arith.constant 0 : i32
    %rem3A_111 = arith.constant 32 : i32
    %rem3A_112 = arith.remsi %rem3A_110, %rem3A_111 : i32
    %add3A_113 = arith.constant 32 : i32
    %add3A_114 = arith.addi %add3A_113, %rem3A_112 : i32
    %dma_start3A_115 = arith.constant 0 : i32
    %dma_start3A_116 = arith.constant 0 : i32
    %dma_start3A_117 = arith.constant 0 : i32
    %dma_start3A_118 = tpu.memref_slice %arg7[%dma_start3A_115, %dma_start3A_116, %dma_start3A_117] : memref<3x64x128xf32, #tpu.memory_space<vmem>> -> memref<1x64x128xf32, #tpu.memory_space<vmem>>
    %dma_start3A_119 = tpu.memref_squeeze %dma_start3A_118 : memref<1x64x128xf32, #tpu.memory_space<vmem>> -> memref<64x128xf32, #tpu.memory_space<vmem>>
    %dma_start3A_120 = arith.constant 0 : i32
    %dma_start3A_121 = tpu.memref_slice %arg6[%rem3A_109, %add3A_114, %dma_start3A_120] : memref<2x64x64xi32, #tpu.memory_space<vmem>> -> memref<1x1x64xi32, #tpu.memory_space<vmem>>
    %dma_start3A_122 = tpu.memref_squeeze %dma_start3A_121 : memref<1x1x64xi32, #tpu.memory_space<vmem>> -> memref<64xi32, #tpu.memory_space<vmem>>
    %dma_start3A_123 = arith.constant 0 : i32
    %dma_start3A_124 = arith.constant 0 : i32
    %dma_start3A_125 = tpu.memref_slice %arg8[%dma_start3A_123, %dma_start3A_124] : memref<10240x128xf32, #tpu.memory_space<vmem_shared>> -> memref<10240x128xf32, #tpu.memory_space<vmem_shared>>
    tpu.enqueue_indirect_dma source(%dma_start3A_119 : memref<64x128xf32, #tpu.memory_space<vmem>>) target(%dma_start3A_125 : memref<10240x128xf32, #tpu.memory_space<vmem_shared>>) offsets(%dma_start3A_122 : memref<64xi32, #tpu.memory_space<vmem>>) semaphore(%arg10 : memref<!tpu.dma_semaphore, #tpu.memory_space<semaphore_mem>>) {add = true}
    %div3A_126 = arith.constant 2 : i32
    %div3A_127 = arith.constant 32 : i32
    %div3A_128 = arith.divsi %div3A_126, %div3A_127 : i32
    %rem3A_129 = arith.constant 2 : i32
    %rem3A_130 = arith.remsi %div3A_128, %rem3A_129 : i32
    %rem3A_131 = arith.constant 2 : i32
    %rem3A_132 = arith.constant 32 : i32
    %rem3A_133 = arith.remsi %rem3A_131, %rem3A_132 : i32
    %dma_start3A_134 = arith.constant 2 : i32
    %dma_start3A_135 = arith.constant 0 : i32
    %dma_start3A_136 = arith.constant 0 : i32
    %dma_start3A_137 = tpu.memref_slice %arg7[%dma_start3A_134, %dma_start3A_135, %dma_start3A_136] : memref<3x64x128xf32, #tpu.memory_space<vmem>> -> memref<1x64x128xf32, #tpu.memory_space<vmem>>
    %dma_start3A_138 = tpu.memref_squeeze %dma_start3A_137 : memref<1x64x128xf32, #tpu.memory_space<vmem>> -> memref<64x128xf32, #tpu.memory_space<vmem>>
    %dma_start3A_139 = arith.constant 0 : i32
    %dma_start3A_140 = tpu.memref_slice %arg6[%rem3A_130, %rem3A_133, %dma_start3A_139] : memref<2x64x64xi32, #tpu.memory_space<vmem>> -> memref<1x1x64xi32, #tpu.memory_space<vmem>>
    %dma_start3A_141 = tpu.memref_squeeze %dma_start3A_140 : memref<1x1x64xi32, #tpu.memory_space<vmem>> -> memref<64xi32, #tpu.memory_space<vmem>>
    %dma_start3A_142 = arith.constant 0 : i32
    %dma_start3A_143 = arith.constant 0 : i32
    %dma_start3A_144 = tpu.memref_slice %arg2[%dma_start3A_142, %dma_start3A_143] : memref<10000x128xf32, #tpu.memory_space<hbm>> -> memref<10000x128xf32, #tpu.memory_space<hbm>>
    tpu.enqueue_indirect_dma source(%dma_start3A_144 : memref<10000x128xf32, #tpu.memory_space<hbm>>) target(%dma_start3A_138 : memref<64x128xf32, #tpu.memory_space<vmem>>) offsets(%dma_start3A_141 : memref<64xi32, #tpu.memory_space<vmem>>) semaphore(%arg9 : memref<!tpu.dma_semaphore, #tpu.memory_space<semaphore_mem>>)
    %dma_wait3A_145 = arith.constant 0 : i32
    %dma_wait3A_146 = arith.constant 0 : i32
    %dma_wait3A_147 = arith.constant 0 : i32
    %dma_wait3A_148 = tpu.memref_slice %arg7[%dma_wait3A_145, %dma_wait3A_146, %dma_wait3A_147] : memref<3x64x128xf32, #tpu.memory_space<vmem>> -> memref<1x64x128xf32, #tpu.memory_space<vmem>>
    %dma_wait3A_149 = tpu.memref_squeeze %dma_wait3A_148 : memref<1x64x128xf32, #tpu.memory_space<vmem>> -> memref<64x128xf32, #tpu.memory_space<vmem>>
    %dma_wait3A_150 = arith.constant 0 : i32
    %dma_wait3A_151 = arith.constant 0 : i32
    %dma_wait3A_152 = tpu.memref_slice %arg2[%dma_wait3A_150, %dma_wait3A_151] : memref<10000x128xf32, #tpu.memory_space<hbm>> -> memref<64x128xf32, #tpu.memory_space<hbm>>
    %dma_wait3A_153 = arith.constant 0 : i32
    %dma_wait3A_154 = arith.constant 0 : i32
    %dma_wait3A_155 = tpu.memref_slice %arg7[%dma_wait3A_145, %dma_wait3A_153, %dma_wait3A_154] : memref<3x64x128xf32, #tpu.memory_space<vmem>> -> memref<1x64x128xf32, #tpu.memory_space<vmem>>
    %dma_wait3A_156 = tpu.memref_squeeze %dma_wait3A_155 : memref<1x64x128xf32, #tpu.memory_space<vmem>> -> memref<64x128xf32, #tpu.memory_space<vmem>>
    %dma_wait3A_157 = arith.constant 0 : i32
    %dma_wait3A_158 = arith.constant 0 : i32
    %dma_wait3A_159 = tpu.memref_slice %arg2[%dma_wait3A_157, %dma_wait3A_158] : memref<10000x128xf32, #tpu.memory_space<hbm>> -> memref<64x128xf32, #tpu.memory_space<hbm>>
    tpu.wait_dma2 semaphore(%arg9 : memref<!tpu.dma_semaphore, #tpu.memory_space<semaphore_mem>>) src(%dma_wait3A_159 : memref<64x128xf32, #tpu.memory_space<hbm>>) dst(%dma_wait3A_156 : memref<64x128xf32, #tpu.memory_space<vmem>>)
    %div3A_160 = arith.constant 1 : i32
    %div3A_161 = arith.constant 32 : i32
    %div3A_162 = arith.divsi %div3A_160, %div3A_161 : i32
    %rem3A_163 = arith.constant 2 : i32
    %rem3A_164 = arith.remsi %div3A_162, %rem3A_163 : i32
    %rem3A_165 = arith.constant 1 : i32
    %rem3A_166 = arith.constant 32 : i32
    %rem3A_167 = arith.remsi %rem3A_165, %rem3A_166 : i32
    %add3A_168 = arith.constant 32 : i32
    %add3A_169 = arith.addi %add3A_168, %rem3A_167 : i32
    %dma_start3A_170 = arith.constant 1 : i32
    %dma_start3A_171 = arith.constant 0 : i32
    %dma_start3A_172 = arith.constant 0 : i32
    %dma_start3A_173 = tpu.memref_slice %arg7[%dma_start3A_170, %dma_start3A_171, %dma_start3A_172] : memref<3x64x128xf32, #tpu.memory_space<vmem>> -> memref<1x64x128xf32, #tpu.memory_space<vmem>>
    %dma_start3A_174 = tpu.memref_squeeze %dma_start3A_173 : memref<1x64x128xf32, #tpu.memory_space<vmem>> -> memref<64x128xf32, #tpu.memory_space<vmem>>
    %dma_start3A_175 = arith.constant 0 : i32
    %dma_start3A_176 = tpu.memref_slice %arg6[%rem3A_164, %add3A_169, %dma_start3A_175] : memref<2x64x64xi32, #tpu.memory_space<vmem>> -> memref<1x1x64xi32, #tpu.memory_space<vmem>>
    %dma_start3A_177 = tpu.memref_squeeze %dma_start3A_176 : memref<1x1x64xi32, #tpu.memory_space<vmem>> -> memref<64xi32, #tpu.memory_space<vmem>>
    %dma_start3A_178 = arith.constant 0 : i32
    %dma_start3A_179 = arith.constant 0 : i32
    %dma_start3A_180 = tpu.memref_slice %arg8[%dma_start3A_178, %dma_start3A_179] : memref<10240x128xf32, #tpu.memory_space<vmem_shared>> -> memref<10240x128xf32, #tpu.memory_space<vmem_shared>>
    tpu.enqueue_indirect_dma source(%dma_start3A_174 : memref<64x128xf32, #tpu.memory_space<vmem>>) target(%dma_start3A_180 : memref<10240x128xf32, #tpu.memory_space<vmem_shared>>) offsets(%dma_start3A_177 : memref<64xi32, #tpu.memory_space<vmem>>) semaphore(%arg10 : memref<!tpu.dma_semaphore, #tpu.memory_space<semaphore_mem>>) {add = true}
    %scan3A_181 = arith.constant 0 : i32
    %scan3A_182 = arith.constant 2 : i32
    %scan3A_183 = arith.constant 157 : i32
    %scan3A_184 = arith.addi %scan3A_182, %scan3A_183 : i32
    %scan3A_185 = arith.constant 1 : i32
    scf.for %scan3A_273 = %scan3A_182 to %scan3A_184 step %scan3A_185  : i32 {
      %rem3A_274 = arith.constant 32 : i32
      %rem3A_275 = arith.remsi %scan3A_273, %rem3A_274 : i32
      %eq3A = arith.constant 4 : i32
      %eq3A_276 = arith.cmpi eq, %rem3A_275, %eq3A : i32
      %lt3A = arith.constant 128 : i32
      %lt3A_277 = arith.cmpi slt, %scan3A_273, %lt3A : i32
      %and3A = arith.andi %eq3A_276, %lt3A_277 : i1
      %convert_element_type3A = arith.extui %and3A : i1 to i32
      %cond3A = arith.constant 0 : i32
      %cond3A_278 = arith.cmpi ne, %convert_element_type3A, %cond3A : i32
      scf.if %cond3A_278 {
        %div3A_351 = arith.constant 32 : i32
        %div3A_352 = arith.divsi %scan3A_273, %div3A_351 : i32
        %add3A_353 = arith.constant 1 : i32
        %add3A_354 = arith.addi %div3A_352, %add3A_353 : i32
        %mul3A_355 = arith.constant 32 : i32
        %mul3A_356 = arith.muli %add3A_354, %mul3A_355 : i32
        %rem3A_357 = arith.constant 2 : i32
        %rem3A_358 = arith.remsi %add3A_354, %rem3A_357 : i32
        "tpu.region"() ({
          %run_scoped3A_359 = tpu.sem_alloc : memref<!tpu.dma_semaphore, #tpu.memory_space<semaphore_mem>>
          %dma_start3A_360 = arith.constant 0 : i32
          %dma_start3A_361 = arith.constant 0 : i32
          %dma_start3A_362 = tpu.memref_slice %arg6[%rem3A_358, %dma_start3A_360, %dma_start3A_361] : memref<2x64x64xi32, #tpu.memory_space<vmem>> -> memref<1x32x64xi32, #tpu.memory_space<vmem>>
          %dma_start3A_363 = tpu.memref_squeeze %dma_start3A_362 : memref<1x32x64xi32, #tpu.memory_space<vmem>> -> memref<32x64xi32, #tpu.memory_space<vmem>>
          %dma_start3A_364 = arith.constant 0 : i32
          %dma_start3A_365 = tpu.memref_slice %arg3[%arg0, %arg1, %mul3A_356, %dma_start3A_364] : memref<2x16x160x64xi32, #tpu.memory_space<hbm>> -> memref<1x1x32x64xi32, #tpu.memory_space<hbm>>
          %dma_start3A_366 = tpu.memref_squeeze %dma_start3A_365 : memref<1x1x32x64xi32, #tpu.memory_space<hbm>> -> memref<32x64xi32, #tpu.memory_space<hbm>>
          %dma_start3A_367 = arith.constant 0 : i32
          %dma_start3A_368 = arith.constant 0 : i32
          %dma_start3A_369 = tpu.memref_slice %arg6[%rem3A_358, %dma_start3A_367, %dma_start3A_368] : memref<2x64x64xi32, #tpu.memory_space<vmem>> -> memref<1x32x64xi32, #tpu.memory_space<vmem>>
          %dma_start3A_370 = tpu.memref_squeeze %dma_start3A_369 : memref<1x32x64xi32, #tpu.memory_space<vmem>> -> memref<32x64xi32, #tpu.memory_space<vmem>>
          %dma_start3A_371 = arith.constant 0 : i32
          %dma_start3A_372 = tpu.memref_slice %arg3[%arg0, %arg1, %mul3A_356, %dma_start3A_371] : memref<2x16x160x64xi32, #tpu.memory_space<hbm>> -> memref<1x1x32x64xi32, #tpu.memory_space<hbm>>
          %dma_start3A_373 = tpu.memref_squeeze %dma_start3A_372 : memref<1x1x32x64xi32, #tpu.memory_space<hbm>> -> memref<32x64xi32, #tpu.memory_space<hbm>>
          tpu.enqueue_dma source(%dma_start3A_373 : memref<32x64xi32, #tpu.memory_space<hbm>>) target(%dma_start3A_370 : memref<32x64xi32, #tpu.memory_space<vmem>>) target_semaphore(%run_scoped3A_359 : memref<!tpu.dma_semaphore, #tpu.memory_space<semaphore_mem>>)
          %dma_wait3A_374 = arith.constant 0 : i32
          %dma_wait3A_375 = arith.constant 0 : i32
          %dma_wait3A_376 = tpu.memref_slice %arg6[%rem3A_358, %dma_wait3A_374, %dma_wait3A_375] : memref<2x64x64xi32, #tpu.memory_space<vmem>> -> memref<1x32x64xi32, #tpu.memory_space<vmem>>
          %dma_wait3A_377 = tpu.memref_squeeze %dma_wait3A_376 : memref<1x32x64xi32, #tpu.memory_space<vmem>> -> memref<32x64xi32, #tpu.memory_space<vmem>>
          %dma_wait3A_378 = arith.constant 0 : i32
          %dma_wait3A_379 = tpu.memref_slice %arg3[%arg0, %arg1, %mul3A_356, %dma_wait3A_378] : memref<2x16x160x64xi32, #tpu.memory_space<hbm>> -> memref<1x1x32x64xi32, #tpu.memory_space<hbm>>
          %dma_wait3A_380 = tpu.memref_squeeze %dma_wait3A_379 : memref<1x1x32x64xi32, #tpu.memory_space<hbm>> -> memref<32x64xi32, #tpu.memory_space<hbm>>
          %dma_wait3A_381 = arith.constant 0 : i32
          %dma_wait3A_382 = arith.constant 0 : i32
          %dma_wait3A_383 = tpu.memref_slice %arg6[%rem3A_358, %dma_wait3A_381, %dma_wait3A_382] : memref<2x64x64xi32, #tpu.memory_space<vmem>> -> memref<1x32x64xi32, #tpu.memory_space<vmem>>
          %dma_wait3A_384 = tpu.memref_squeeze %dma_wait3A_383 : memref<1x32x64xi32, #tpu.memory_space<vmem>> -> memref<32x64xi32, #tpu.memory_space<vmem>>
          %dma_wait3A_385 = arith.constant 0 : i32
          %dma_wait3A_386 = tpu.memref_slice %arg3[%arg0, %arg1, %mul3A_356, %dma_wait3A_385] : memref<2x16x160x64xi32, #tpu.memory_space<hbm>> -> memref<1x1x32x64xi32, #tpu.memory_space<hbm>>
          %dma_wait3A_387 = tpu.memref_squeeze %dma_wait3A_386 : memref<1x1x32x64xi32, #tpu.memory_space<hbm>> -> memref<32x64xi32, #tpu.memory_space<hbm>>
          tpu.wait_dma2 semaphore(%run_scoped3A_359 : memref<!tpu.dma_semaphore, #tpu.memory_space<semaphore_mem>>) src(%dma_wait3A_387 : memref<32x64xi32, #tpu.memory_space<hbm>>) dst(%dma_wait3A_384 : memref<32x64xi32, #tpu.memory_space<vmem>>)
          tpu.yield
        }) : () -> ()
        "tpu.region"() ({
          %run_scoped3A_359 = tpu.sem_alloc : memref<!tpu.dma_semaphore, #tpu.memory_space<semaphore_mem>>
          %dma_start3A_360 = arith.constant 32 : i32
          %dma_start3A_361 = arith.constant 0 : i32
          %dma_start3A_362 = tpu.memref_slice %arg6[%rem3A_358, %dma_start3A_360, %dma_start3A_361] : memref<2x64x64xi32, #tpu.memory_space<vmem>> -> memref<1x32x64xi32, #tpu.memory_space<vmem>>
          %dma_start3A_363 = tpu.memref_squeeze %dma_start3A_362 : memref<1x32x64xi32, #tpu.memory_space<vmem>> -> memref<32x64xi32, #tpu.memory_space<vmem>>
          %dma_start3A_364 = arith.constant 0 : i32
          %dma_start3A_365 = tpu.memref_slice %arg4[%arg0, %arg1, %mul3A_356, %dma_start3A_364] : memref<2x16x160x64xi32, #tpu.memory_space<hbm>> -> memref<1x1x32x64xi32, #tpu.memory_space<hbm>>
          %dma_start3A_366 = tpu.memref_squeeze %dma_start3A_365 : memref<1x1x32x64xi32, #tpu.memory_space<hbm>> -> memref<32x64xi32, #tpu.memory_space<hbm>>
          %dma_start3A_367 = arith.constant 32 : i32
          %dma_start3A_368 = arith.constant 0 : i32
          %dma_start3A_369 = tpu.memref_slice %arg6[%rem3A_358, %dma_start3A_367, %dma_start3A_368] : memref<2x64x64xi32, #tpu.memory_space<vmem>> -> memref<1x32x64xi32, #tpu.memory_space<vmem>>
          %dma_start3A_370 = tpu.memref_squeeze %dma_start3A_369 : memref<1x32x64xi32, #tpu.memory_space<vmem>> -> memref<32x64xi32, #tpu.memory_space<vmem>>
          %dma_start3A_371 = arith.constant 0 : i32
          %dma_start3A_372 = tpu.memref_slice %arg4[%arg0, %arg1, %mul3A_356, %dma_start3A_371] : memref<2x16x160x64xi32, #tpu.memory_space<hbm>> -> memref<1x1x32x64xi32, #tpu.memory_space<hbm>>
          %dma_start3A_373 = tpu.memref_squeeze %dma_start3A_372 : memref<1x1x32x64xi32, #tpu.memory_space<hbm>> -> memref<32x64xi32, #tpu.memory_space<hbm>>
          tpu.enqueue_dma source(%dma_start3A_373 : memref<32x64xi32, #tpu.memory_space<hbm>>) target(%dma_start3A_370 : memref<32x64xi32, #tpu.memory_space<vmem>>) target_semaphore(%run_scoped3A_359 : memref<!tpu.dma_semaphore, #tpu.memory_space<semaphore_mem>>)
          %dma_wait3A_374 = arith.constant 32 : i32
          %dma_wait3A_375 = arith.constant 0 : i32
          %dma_wait3A_376 = tpu.memref_slice %arg6[%rem3A_358, %dma_wait3A_374, %dma_wait3A_375] : memref<2x64x64xi32, #tpu.memory_space<vmem>> -> memref<1x32x64xi32, #tpu.memory_space<vmem>>
          %dma_wait3A_377 = tpu.memref_squeeze %dma_wait3A_376 : memref<1x32x64xi32, #tpu.memory_space<vmem>> -> memref<32x64xi32, #tpu.memory_space<vmem>>
          %dma_wait3A_378 = arith.constant 0 : i32
          %dma_wait3A_379 = tpu.memref_slice %arg4[%arg0, %arg1, %mul3A_356, %dma_wait3A_378] : memref<2x16x160x64xi32, #tpu.memory_space<hbm>> -> memref<1x1x32x64xi32, #tpu.memory_space<hbm>>
          %dma_wait3A_380 = tpu.memref_squeeze %dma_wait3A_379 : memref<1x1x32x64xi32, #tpu.memory_space<hbm>> -> memref<32x64xi32, #tpu.memory_space<hbm>>
          %dma_wait3A_381 = arith.constant 32 : i32
          %dma_wait3A_382 = arith.constant 0 : i32
          %dma_wait3A_383 = tpu.memref_slice %arg6[%rem3A_358, %dma_wait3A_381, %dma_wait3A_382] : memref<2x64x64xi32, #tpu.memory_space<vmem>> -> memref<1x32x64xi32, #tpu.memory_space<vmem>>
          %dma_wait3A_384 = tpu.memref_squeeze %dma_wait3A_383 : memref<1x32x64xi32, #tpu.memory_space<vmem>> -> memref<32x64xi32, #tpu.memory_space<vmem>>
          %dma_wait3A_385 = arith.constant 0 : i32
          %dma_wait3A_386 = tpu.memref_slice %arg4[%arg0, %arg1, %mul3A_356, %dma_wait3A_385] : memref<2x16x160x64xi32, #tpu.memory_space<hbm>> -> memref<1x1x32x64xi32, #tpu.memory_space<hbm>>
          %dma_wait3A_387 = tpu.memref_squeeze %dma_wait3A_386 : memref<1x1x32x64xi32, #tpu.memory_space<hbm>> -> memref<32x64xi32, #tpu.memory_space<hbm>>
          tpu.wait_dma2 semaphore(%run_scoped3A_359 : memref<!tpu.dma_semaphore, #tpu.memory_space<semaphore_mem>>) src(%dma_wait3A_387 : memref<32x64xi32, #tpu.memory_space<hbm>>) dst(%dma_wait3A_384 : memref<32x64xi32, #tpu.memory_space<vmem>>)
          tpu.yield
        }) : () -> ()
      } else {
      }
      %dma_wait3A_279 = arith.constant 0 : i32
      %dma_wait3A_280 = arith.constant 0 : i32
      %dma_wait3A_281 = arith.constant 0 : i32
      %dma_wait3A_282 = tpu.memref_slice %arg7[%dma_wait3A_279, %dma_wait3A_280, %dma_wait3A_281] : memref<3x64x128xf32, #tpu.memory_space<vmem>> -> memref<1x64x128xf32, #tpu.memory_space<vmem>>
      %dma_wait3A_283 = tpu.memref_squeeze %dma_wait3A_282 : memref<1x64x128xf32, #tpu.memory_space<vmem>> -> memref<64x128xf32, #tpu.memory_space<vmem>>
      %dma_wait3A_284 = arith.constant 0 : i32
      %dma_wait3A_285 = arith.constant 0 : i32
      %dma_wait3A_286 = tpu.memref_slice %arg2[%dma_wait3A_284, %dma_wait3A_285] : memref<10000x128xf32, #tpu.memory_space<hbm>> -> memref<64x128xf32, #tpu.memory_space<hbm>>
      %dma_wait3A_287 = arith.constant 0 : i32
      %dma_wait3A_288 = arith.constant 0 : i32
      %dma_wait3A_289 = tpu.memref_slice %arg7[%dma_wait3A_279, %dma_wait3A_287, %dma_wait3A_288] : memref<3x64x128xf32, #tpu.memory_space<vmem>> -> memref<1x64x128xf32, #tpu.memory_space<vmem>>
      %dma_wait3A_290 = tpu.memref_squeeze %dma_wait3A_289 : memref<1x64x128xf32, #tpu.memory_space<vmem>> -> memref<64x128xf32, #tpu.memory_space<vmem>>
      %dma_wait3A_291 = arith.constant 0 : i32
      %dma_wait3A_292 = arith.constant 0 : i32
      %dma_wait3A_293 = tpu.memref_slice %arg2[%dma_wait3A_291, %dma_wait3A_292] : memref<10000x128xf32, #tpu.memory_space<hbm>> -> memref<64x128xf32, #tpu.memory_space<hbm>>
      tpu.wait_dma2 semaphore(%arg10 : memref<!tpu.dma_semaphore, #tpu.memory_space<semaphore_mem>>) src(%dma_wait3A_293 : memref<64x128xf32, #tpu.memory_space<hbm>>) dst(%dma_wait3A_290 : memref<64x128xf32, #tpu.memory_space<vmem>>)
      %add3A_294 = arith.constant 1 : i32
      %add3A_295 = arith.addi %scan3A_273, %add3A_294 : i32
      %add3A_296 = arith.constant 1 : i32
      %add3A_297 = arith.addi %scan3A_273, %add3A_296 : i32
      %rem3A_298 = arith.constant 3 : i32
      %rem3A_299 = arith.remsi %add3A_297, %rem3A_298 : i32
      %div3A_300 = arith.constant 32 : i32
      %div3A_301 = arith.divsi %add3A_295, %div3A_300 : i32
      %rem3A_302 = arith.constant 2 : i32
      %rem3A_303 = arith.remsi %div3A_301, %rem3A_302 : i32
      %rem3A_304 = arith.constant 32 : i32
      %rem3A_305 = arith.remsi %add3A_295, %rem3A_304 : i32
      %dma_start3A_306 = arith.constant 0 : i32
      %dma_start3A_307 = arith.constant 0 : i32
      %dma_start3A_308 = tpu.memref_slice %arg7[%rem3A_299, %dma_start3A_306, %dma_start3A_307] : memref<3x64x128xf32, #tpu.memory_space<vmem>> -> memref<1x64x128xf32, #tpu.memory_space<vmem>>
      %dma_start3A_309 = tpu.memref_squeeze %dma_start3A_308 : memref<1x64x128xf32, #tpu.memory_space<vmem>> -> memref<64x128xf32, #tpu.memory_space<vmem>>
      %dma_start3A_310 = arith.constant 0 : i32
      %dma_start3A_311 = tpu.memref_slice %arg6[%rem3A_303, %rem3A_305, %dma_start3A_310] : memref<2x64x64xi32, #tpu.memory_space<vmem>> -> memref<1x1x64xi32, #tpu.memory_space<vmem>>
      %dma_start3A_312 = tpu.memref_squeeze %dma_start3A_311 : memref<1x1x64xi32, #tpu.memory_space<vmem>> -> memref<64xi32, #tpu.memory_space<vmem>>
      %dma_start3A_313 = arith.constant 0 : i32
      %dma_start3A_314 = arith.constant 0 : i32
      %dma_start3A_315 = tpu.memref_slice %arg2[%dma_start3A_313, %dma_start3A_314] : memref<10000x128xf32, #tpu.memory_space<hbm>> -> memref<10000x128xf32, #tpu.memory_space<hbm>>
      tpu.enqueue_indirect_dma source(%dma_start3A_315 : memref<10000x128xf32, #tpu.memory_space<hbm>>) target(%dma_start3A_309 : memref<64x128xf32, #tpu.memory_space<vmem>>) offsets(%dma_start3A_312 : memref<64xi32, #tpu.memory_space<vmem>>) semaphore(%arg9 : memref<!tpu.dma_semaphore, #tpu.memory_space<semaphore_mem>>)
      %dma_wait3A_316 = arith.constant 0 : i32
      %dma_wait3A_317 = arith.constant 0 : i32
      %dma_wait3A_318 = arith.constant 0 : i32
      %dma_wait3A_319 = tpu.memref_slice %arg7[%dma_wait3A_316, %dma_wait3A_317, %dma_wait3A_318] : memref<3x64x128xf32, #tpu.memory_space<vmem>> -> memref<1x64x128xf32, #tpu.memory_space<vmem>>
      %dma_wait3A_320 = tpu.memref_squeeze %dma_wait3A_319 : memref<1x64x128xf32, #tpu.memory_space<vmem>> -> memref<64x128xf32, #tpu.memory_space<vmem>>
      %dma_wait3A_321 = arith.constant 0 : i32
      %dma_wait3A_322 = arith.constant 0 : i32
      %dma_wait3A_323 = tpu.memref_slice %arg2[%dma_wait3A_321, %dma_wait3A_322] : memref<10000x128xf32, #tpu.memory_space<hbm>> -> memref<64x128xf32, #tpu.memory_space<hbm>>
      %dma_wait3A_324 = arith.constant 0 : i32
      %dma_wait3A_325 = arith.constant 0 : i32
      %dma_wait3A_326 = tpu.memref_slice %arg7[%dma_wait3A_316, %dma_wait3A_324, %dma_wait3A_325] : memref<3x64x128xf32, #tpu.memory_space<vmem>> -> memref<1x64x128xf32, #tpu.memory_space<vmem>>
      %dma_wait3A_327 = tpu.memref_squeeze %dma_wait3A_326 : memref<1x64x128xf32, #tpu.memory_space<vmem>> -> memref<64x128xf32, #tpu.memory_space<vmem>>
      %dma_wait3A_328 = arith.constant 0 : i32
      %dma_wait3A_329 = arith.constant 0 : i32
      %dma_wait3A_330 = tpu.memref_slice %arg2[%dma_wait3A_328, %dma_wait3A_329] : memref<10000x128xf32, #tpu.memory_space<hbm>> -> memref<64x128xf32, #tpu.memory_space<hbm>>
      tpu.wait_dma2 semaphore(%arg9 : memref<!tpu.dma_semaphore, #tpu.memory_space<semaphore_mem>>) src(%dma_wait3A_330 : memref<64x128xf32, #tpu.memory_space<hbm>>) dst(%dma_wait3A_327 : memref<64x128xf32, #tpu.memory_space<vmem>>)
      %rem3A_331 = arith.constant 3 : i32
      %rem3A_332 = arith.remsi %scan3A_273, %rem3A_331 : i32
      %div3A_333 = arith.constant 32 : i32
      %div3A_334 = arith.divsi %scan3A_273, %div3A_333 : i32
      %rem3A_335 = arith.constant 2 : i32
      %rem3A_336 = arith.remsi %div3A_334, %rem3A_335 : i32
      %rem3A_337 = arith.constant 32 : i32
      %rem3A_338 = arith.remsi %scan3A_273, %rem3A_337 : i32
      %add3A_339 = arith.constant 32 : i32
      %add3A_340 = arith.addi %add3A_339, %rem3A_338 : i32
      %dma_start3A_341 = arith.constant 0 : i32
      %dma_start3A_342 = arith.constant 0 : i32
      %dma_start3A_343 = tpu.memref_slice %arg7[%rem3A_332, %dma_start3A_341, %dma_start3A_342] : memref<3x64x128xf32, #tpu.memory_space<vmem>> -> memref<1x64x128xf32, #tpu.memory_space<vmem>>
      %dma_start3A_344 = tpu.memref_squeeze %dma_start3A_343 : memref<1x64x128xf32, #tpu.memory_space<vmem>> -> memref<64x128xf32, #tpu.memory_space<vmem>>
      %dma_start3A_345 = arith.constant 0 : i32
      %dma_start3A_346 = tpu.memref_slice %arg6[%rem3A_336, %add3A_340, %dma_start3A_345] : memref<2x64x64xi32, #tpu.memory_space<vmem>> -> memref<1x1x64xi32, #tpu.memory_space<vmem>>
      %dma_start3A_347 = tpu.memref_squeeze %dma_start3A_346 : memref<1x1x64xi32, #tpu.memory_space<vmem>> -> memref<64xi32, #tpu.memory_space<vmem>>
      %dma_start3A_348 = arith.constant 0 : i32
      %dma_start3A_349 = arith.constant 0 : i32
      %dma_start3A_350 = tpu.memref_slice %arg8[%dma_start3A_348, %dma_start3A_349] : memref<10240x128xf32, #tpu.memory_space<vmem_shared>> -> memref<10240x128xf32, #tpu.memory_space<vmem_shared>>
      tpu.enqueue_indirect_dma source(%dma_start3A_344 : memref<64x128xf32, #tpu.memory_space<vmem>>) target(%dma_start3A_350 : memref<10240x128xf32, #tpu.memory_space<vmem_shared>>) offsets(%dma_start3A_347 : memref<64xi32, #tpu.memory_space<vmem>>) semaphore(%arg10 : memref<!tpu.dma_semaphore, #tpu.memory_space<semaphore_mem>>) {add = true}
    }
    %scan3A_186 = arith.constant 157 : i32
    %dma_wait3A_187 = arith.constant 0 : i32
    %dma_wait3A_188 = arith.constant 0 : i32
    %dma_wait3A_189 = arith.constant 0 : i32
    %dma_wait3A_190 = tpu.memref_slice %arg7[%dma_wait3A_187, %dma_wait3A_188, %dma_wait3A_189] : memref<3x64x128xf32, #tpu.memory_space<vmem>> -> memref<1x64x128xf32, #tpu.memory_space<vmem>>
    %dma_wait3A_191 = tpu.memref_squeeze %dma_wait3A_190 : memref<1x64x128xf32, #tpu.memory_space<vmem>> -> memref<64x128xf32, #tpu.memory_space<vmem>>
    %dma_wait3A_192 = arith.constant 0 : i32
    %dma_wait3A_193 = arith.constant 0 : i32
    %dma_wait3A_194 = tpu.memref_slice %arg2[%dma_wait3A_192, %dma_wait3A_193] : memref<10000x128xf32, #tpu.memory_space<hbm>> -> memref<64x128xf32, #tpu.memory_space<hbm>>
    %dma_wait3A_195 = arith.constant 0 : i32
    %dma_wait3A_196 = arith.constant 0 : i32
    %dma_wait3A_197 = tpu.memref_slice %arg7[%dma_wait3A_187, %dma_wait3A_195, %dma_wait3A_196] : memref<3x64x128xf32, #tpu.memory_space<vmem>> -> memref<1x64x128xf32, #tpu.memory_space<vmem>>
    %dma_wait3A_198 = tpu.memref_squeeze %dma_wait3A_197 : memref<1x64x128xf32, #tpu.memory_space<vmem>> -> memref<64x128xf32, #tpu.memory_space<vmem>>
    %dma_wait3A_199 = arith.constant 0 : i32
    %dma_wait3A_200 = arith.constant 0 : i32
    %dma_wait3A_201 = tpu.memref_slice %arg2[%dma_wait3A_199, %dma_wait3A_200] : memref<10000x128xf32, #tpu.memory_space<hbm>> -> memref<64x128xf32, #tpu.memory_space<hbm>>
    tpu.wait_dma2 semaphore(%arg10 : memref<!tpu.dma_semaphore, #tpu.memory_space<semaphore_mem>>) src(%dma_wait3A_201 : memref<64x128xf32, #tpu.memory_space<hbm>>) dst(%dma_wait3A_198 : memref<64x128xf32, #tpu.memory_space<vmem>>)
    %dma_wait3A_202 = arith.constant 0 : i32
    %dma_wait3A_203 = arith.constant 0 : i32
    %dma_wait3A_204 = arith.constant 0 : i32
    %dma_wait3A_205 = tpu.memref_slice %arg7[%dma_wait3A_202, %dma_wait3A_203, %dma_wait3A_204] : memref<3x64x128xf32, #tpu.memory_space<vmem>> -> memref<1x64x128xf32, #tpu.memory_space<vmem>>
    %dma_wait3A_206 = tpu.memref_squeeze %dma_wait3A_205 : memref<1x64x128xf32, #tpu.memory_space<vmem>> -> memref<64x128xf32, #tpu.memory_space<vmem>>
    %dma_wait3A_207 = arith.constant 0 : i32
    %dma_wait3A_208 = arith.constant 0 : i32
    %dma_wait3A_209 = tpu.memref_slice %arg2[%dma_wait3A_207, %dma_wait3A_208] : memref<10000x128xf32, #tpu.memory_space<hbm>> -> memref<64x128xf32, #tpu.memory_space<hbm>>
    %dma_wait3A_210 = arith.constant 0 : i32
    %dma_wait3A_211 = arith.constant 0 : i32
    %dma_wait3A_212 = tpu.memref_slice %arg7[%dma_wait3A_202, %dma_wait3A_210, %dma_wait3A_211] : memref<3x64x128xf32, #tpu.memory_space<vmem>> -> memref<1x64x128xf32, #tpu.memory_space<vmem>>
    %dma_wait3A_213 = tpu.memref_squeeze %dma_wait3A_212 : memref<1x64x128xf32, #tpu.memory_space<vmem>> -> memref<64x128xf32, #tpu.memory_space<vmem>>
    %dma_wait3A_214 = arith.constant 0 : i32
    %dma_wait3A_215 = arith.constant 0 : i32
    %dma_wait3A_216 = tpu.memref_slice %arg2[%dma_wait3A_214, %dma_wait3A_215] : memref<10000x128xf32, #tpu.memory_space<hbm>> -> memref<64x128xf32, #tpu.memory_space<hbm>>
    tpu.wait_dma2 semaphore(%arg9 : memref<!tpu.dma_semaphore, #tpu.memory_space<semaphore_mem>>) src(%dma_wait3A_216 : memref<64x128xf32, #tpu.memory_space<hbm>>) dst(%dma_wait3A_213 : memref<64x128xf32, #tpu.memory_space<vmem>>)
    %div3A_217 = arith.constant 159 : i32
    %div3A_218 = arith.constant 32 : i32
    %div3A_219 = arith.divsi %div3A_217, %div3A_218 : i32
    %rem3A_220 = arith.constant 2 : i32
    %rem3A_221 = arith.remsi %div3A_219, %rem3A_220 : i32
    %rem3A_222 = arith.constant 159 : i32
    %rem3A_223 = arith.constant 32 : i32
    %rem3A_224 = arith.remsi %rem3A_222, %rem3A_223 : i32
    %add3A_225 = arith.constant 32 : i32
    %add3A_226 = arith.addi %add3A_225, %rem3A_224 : i32
    %dma_start3A_227 = arith.constant 0 : i32
    %dma_start3A_228 = arith.constant 0 : i32
    %dma_start3A_229 = arith.constant 0 : i32
    %dma_start3A_230 = tpu.memref_slice %arg7[%dma_start3A_227, %dma_start3A_228, %dma_start3A_229] : memref<3x64x128xf32, #tpu.memory_space<vmem>> -> memref<1x64x128xf32, #tpu.memory_space<vmem>>
    %dma_start3A_231 = tpu.memref_squeeze %dma_start3A_230 : memref<1x64x128xf32, #tpu.memory_space<vmem>> -> memref<64x128xf32, #tpu.memory_space<vmem>>
    %dma_start3A_232 = arith.constant 0 : i32
    %dma_start3A_233 = tpu.memref_slice %arg6[%rem3A_221, %add3A_226, %dma_start3A_232] : memref<2x64x64xi32, #tpu.memory_space<vmem>> -> memref<1x1x64xi32, #tpu.memory_space<vmem>>
    %dma_start3A_234 = tpu.memref_squeeze %dma_start3A_233 : memref<1x1x64xi32, #tpu.memory_space<vmem>> -> memref<64xi32, #tpu.memory_space<vmem>>
    %dma_start3A_235 = arith.constant 0 : i32
    %dma_start3A_236 = arith.constant 0 : i32
    %dma_start3A_237 = tpu.memref_slice %arg8[%dma_start3A_235, %dma_start3A_236] : memref<10240x128xf32, #tpu.memory_space<vmem_shared>> -> memref<10240x128xf32, #tpu.memory_space<vmem_shared>>
    tpu.enqueue_indirect_dma source(%dma_start3A_231 : memref<64x128xf32, #tpu.memory_space<vmem>>) target(%dma_start3A_237 : memref<10240x128xf32, #tpu.memory_space<vmem_shared>>) offsets(%dma_start3A_234 : memref<64xi32, #tpu.memory_space<vmem>>) semaphore(%arg10 : memref<!tpu.dma_semaphore, #tpu.memory_space<semaphore_mem>>) {add = true}
    %dma_wait3A_238 = arith.constant 0 : i32
    %dma_wait3A_239 = arith.constant 0 : i32
    %dma_wait3A_240 = arith.constant 0 : i32
    %dma_wait3A_241 = tpu.memref_slice %arg7[%dma_wait3A_238, %dma_wait3A_239, %dma_wait3A_240] : memref<3x64x128xf32, #tpu.memory_space<vmem>> -> memref<1x64x128xf32, #tpu.memory_space<vmem>>
    %dma_wait3A_242 = tpu.memref_squeeze %dma_wait3A_241 : memref<1x64x128xf32, #tpu.memory_space<vmem>> -> memref<64x128xf32, #tpu.memory_space<vmem>>
    %dma_wait3A_243 = arith.constant 0 : i32
    %dma_wait3A_244 = arith.constant 0 : i32
    %dma_wait3A_245 = tpu.memref_slice %arg2[%dma_wait3A_243, %dma_wait3A_244] : memref<10000x128xf32, #tpu.memory_space<hbm>> -> memref<64x128xf32, #tpu.memory_space<hbm>>
    %dma_wait3A_246 = arith.constant 0 : i32
    %dma_wait3A_247 = arith.constant 0 : i32
    %dma_wait3A_248 = tpu.memref_slice %arg7[%dma_wait3A_238, %dma_wait3A_246, %dma_wait3A_247] : memref<3x64x128xf32, #tpu.memory_space<vmem>> -> memref<1x64x128xf32, #tpu.memory_space<vmem>>
    %dma_wait3A_249 = tpu.memref_squeeze %dma_wait3A_248 : memref<1x64x128xf32, #tpu.memory_space<vmem>> -> memref<64x128xf32, #tpu.memory_space<vmem>>
    %dma_wait3A_250 = arith.constant 0 : i32
    %dma_wait3A_251 = arith.constant 0 : i32
    %dma_wait3A_252 = tpu.memref_slice %arg2[%dma_wait3A_250, %dma_wait3A_251] : memref<10000x128xf32, #tpu.memory_space<hbm>> -> memref<64x128xf32, #tpu.memory_space<hbm>>
    tpu.wait_dma2 semaphore(%arg10 : memref<!tpu.dma_semaphore, #tpu.memory_space<semaphore_mem>>) src(%dma_wait3A_252 : memref<64x128xf32, #tpu.memory_space<hbm>>) dst(%dma_wait3A_249 : memref<64x128xf32, #tpu.memory_space<vmem>>)
    %dma_wait3A_253 = arith.constant 0 : i32
    %dma_wait3A_254 = arith.constant 0 : i32
    %dma_wait3A_255 = arith.constant 0 : i32
    %dma_wait3A_256 = tpu.memref_slice %arg7[%dma_wait3A_253, %dma_wait3A_254, %dma_wait3A_255] : memref<3x64x128xf32, #tpu.memory_space<vmem>> -> memref<1x64x128xf32, #tpu.memory_space<vmem>>
    %dma_wait3A_257 = tpu.memref_squeeze %dma_wait3A_256 : memref<1x64x128xf32, #tpu.memory_space<vmem>> -> memref<64x128xf32, #tpu.memory_space<vmem>>
    %dma_wait3A_258 = arith.constant 0 : i32
    %dma_wait3A_259 = arith.constant 0 : i32
    %dma_wait3A_260 = tpu.memref_slice %arg2[%dma_wait3A_258, %dma_wait3A_259] : memref<10000x128xf32, #tpu.memory_space<hbm>> -> memref<64x128xf32, #tpu.memory_space<hbm>>
    %dma_wait3A_261 = arith.constant 0 : i32
    %dma_wait3A_262 = arith.constant 0 : i32
    %dma_wait3A_263 = tpu.memref_slice %arg7[%dma_wait3A_253, %dma_wait3A_261, %dma_wait3A_262] : memref<3x64x128xf32, #tpu.memory_space<vmem>> -> memref<1x64x128xf32, #tpu.memory_space<vmem>>
    %dma_wait3A_264 = tpu.memref_squeeze %dma_wait3A_263 : memref<1x64x128xf32, #tpu.memory_space<vmem>> -> memref<64x128xf32, #tpu.memory_space<vmem>>
    %dma_wait3A_265 = arith.constant 0 : i32
    %dma_wait3A_266 = arith.constant 0 : i32
    %dma_wait3A_267 = tpu.memref_slice %arg2[%dma_wait3A_265, %dma_wait3A_266] : memref<10000x128xf32, #tpu.memory_space<hbm>> -> memref<64x128xf32, #tpu.memory_space<hbm>>
    tpu.wait_dma2 semaphore(%arg10 : memref<!tpu.dma_semaphore, #tpu.memory_space<semaphore_mem>>) src(%dma_wait3A_267 : memref<64x128xf32, #tpu.memory_space<hbm>>) dst(%dma_wait3A_264 : memref<64x128xf32, #tpu.memory_space<vmem>>)
    %barrier3A_268 = arith.constant 0 : index
    tpu.barrier barrier_id(%barrier3A_268)
    %mul3A_269 = arith.constant 640 : i32
    %mul3A_270 = arith.muli %arg1, %mul3A_269 : i32
    %mul3A_271 = arith.constant 640 : i32
    %mul3A_272 = arith.muli %arg1, %mul3A_271 : i32
    "tpu.region"() ({
      %run_scoped3A_273 = tpu.sem_alloc : memref<!tpu.dma_semaphore, #tpu.memory_space<semaphore_mem>>
      %dma_start3A_274 = arith.constant 0 : i32
      %dma_start3A_275 = tpu.memref_slice %arg5[%arg0, %mul3A_272, %dma_start3A_274] : memref<2x10240x128xf32, #tpu.memory_space<hbm>> -> memref<1x640x128xf32, #tpu.memory_space<hbm>>
      %dma_start3A_276 = tpu.memref_squeeze %dma_start3A_275 : memref<1x640x128xf32, #tpu.memory_space<hbm>> -> memref<640x128xf32, #tpu.memory_space<hbm>>
      %dma_start3A_277 = arith.constant 0 : i32
      %dma_start3A_278 = tpu.memref_slice %arg8[%mul3A_270, %dma_start3A_277] : memref<10240x128xf32, #tpu.memory_space<vmem_shared>> -> memref<640x128xf32, #tpu.memory_space<vmem_shared>>
      tpu.enqueue_dma source(%dma_start3A_278 : memref<640x128xf32, #tpu.memory_space<vmem_shared>>) target(%dma_start3A_276 : memref<640x128xf32, #tpu.memory_space<hbm>>) target_semaphore(%run_scoped3A_273 : memref<!tpu.dma_semaphore, #tpu.memory_space<semaphore_mem>>)
      %dma_wait3A_279 = arith.constant 0 : i32
      %dma_wait3A_280 = tpu.memref_slice %arg5[%arg0, %mul3A_272, %dma_wait3A_279] : memref<2x10240x128xf32, #tpu.memory_space<hbm>> -> memref<1x640x128xf32, #tpu.memory_space<hbm>>
      %dma_wait3A_281 = tpu.memref_squeeze %dma_wait3A_280 : memref<1x640x128xf32, #tpu.memory_space<hbm>> -> memref<640x128xf32, #tpu.memory_space<hbm>>
      %dma_wait3A_282 = arith.constant 0 : i32
      %dma_wait3A_283 = tpu.memref_slice %arg8[%mul3A_270, %dma_wait3A_282] : memref<10240x128xf32, #tpu.memory_space<vmem_shared>> -> memref<640x128xf32, #tpu.memory_space<vmem_shared>>
      tpu.wait_dma2 semaphore(%run_scoped3A_273 : memref<!tpu.dma_semaphore, #tpu.memory_space<semaphore_mem>>) src(%dma_wait3A_283 : memref<640x128xf32, #tpu.memory_space<vmem_shared>>) dst(%dma_wait3A_281 : memref<640x128xf32, #tpu.memory_space<hbm>>)
      tpu.yield
    }) : () -> ()
    return
  }
}

#map = affine_map<(d0, d1) -> (0, 0, 0, 0)>
#map1 = affine_map<(d0, d1) -> (0, 0)>
module attributes {stable_mosaic.version = 14 : i64} {
  func.func @_deg_body(%arg0: i32, %arg1: i32, %arg2: memref<2x16x80x128xi32, #tpu.memory_space<hbm>>, %arg3: memref<2x10240xf32, #tpu.memory_space<hbm>>, %arg4: memref<80x128xi32, #tpu.memory_space<vmem>>, %arg5: memref<128xf32, #tpu.memory_space<vmem>>, %arg6: memref<640xf32, #tpu.memory_space<vmem>>, %arg7: memref<10240xf32, #tpu.memory_space<vmem_shared>>, %arg8: memref<!tpu.dma_semaphore, #tpu.memory_space<semaphore_mem>>) attributes {dimension_semantics = [#tpu.dimension_semantics<core_parallel>, #tpu.dimension_semantics<subcore_parallel>], iteration_bounds = array<i64: 2, 16>, scalar_prefetch = 0 : i64, scratch_operands = 5 : i64, tpu.core_type = #tpu.core_type<sc_vector_subcore>, window_params = [{transform_indices = #map}, {transform_indices = #map1}]} {
    %broadcast_in_dim3A = arith.constant 1.000000e+00 : f32
    %broadcast_in_dim3A_0 = vector.broadcast %broadcast_in_dim3A : f32 to vector<16xf32>
    %scan3A = arith.constant 0 : i32
    %scan3A_1 = arith.constant 0 : i32
    %scan3A_2 = arith.constant 8 : i32
    %scan3A_3 = arith.addi %scan3A_1, %scan3A_2 : i32
    %scan3A_4 = arith.constant 1 : i32
    scf.for %scan3A_128 = %scan3A_1 to %scan3A_3 step %scan3A_4  : i32 {
      %mul3A_129 = arith.constant 16 : i32
      %mul3A_130 = arith.muli %scan3A_128, %mul3A_129 : i32
      %swap3A = arith.index_cast %mul3A_130 : i32 to index
      %swap3A_131 = tpu.vector_load %arg5[%swap3A] {strides = array<i32>} : memref<128xf32, #tpu.memory_space<vmem>>, vector<16xf32>,
      %swap3A_132 = vector.shape_cast %swap3A_131 : vector<16xf32> to vector<16xf32>
      %swap3A_133 = vector.shape_cast %broadcast_in_dim3A_0 : vector<16xf32> to vector<16xf32>
      tpu.vector_store %arg5[%swap3A], %swap3A_133 {strides = array<i32>} : memref<128xf32, #tpu.memory_space<vmem>>, vector<16xf32>,
    }
    %scan3A_5 = arith.constant 8 : i32
    %broadcast_in_dim3A_6 = arith.constant 0.000000e+00 : f32
    %broadcast_in_dim3A_7 = vector.broadcast %broadcast_in_dim3A_6 : f32 to vector<16xf32>
    %scan3A_8 = arith.constant 0 : i32
    %scan3A_9 = arith.constant 0 : i32
    %scan3A_10 = arith.constant 40 : i32
    %scan3A_11 = arith.addi %scan3A_9, %scan3A_10 : i32
    %scan3A_12 = arith.constant 1 : i32
    scf.for %scan3A_128 = %scan3A_9 to %scan3A_11 step %scan3A_12  : i32 {
      %mul3A_129 = arith.constant 16 : i32
      %mul3A_130 = arith.muli %scan3A_128, %mul3A_129 : i32
      %swap3A = arith.index_cast %mul3A_130 : i32 to index
      %swap3A_131 = tpu.vector_load %arg6[%swap3A] {strides = array<i32>} : memref<640xf32, #tpu.memory_space<vmem>>, vector<16xf32>,
      %swap3A_132 = vector.shape_cast %swap3A_131 : vector<16xf32> to vector<16xf32>
      %swap3A_133 = vector.shape_cast %broadcast_in_dim3A_7 : vector<16xf32> to vector<16xf32>
      tpu.vector_store %arg6[%swap3A], %swap3A_133 {strides = array<i32>} : memref<640xf32, #tpu.memory_space<vmem>>, vector<16xf32>,
    }
    %scan3A_13 = arith.constant 40 : i32
    %mul3A = arith.constant 640 : i32
    %mul3A_14 = arith.muli %arg1, %mul3A : i32
    "tpu.region"() ({
      %run_scoped3A = tpu.sem_alloc : memref<!tpu.dma_semaphore, #tpu.memory_space<semaphore_mem>>
      %dma_start3A_128 = tpu.memref_slice %arg7[%mul3A_14] : memref<10240xf32, #tpu.memory_space<vmem_shared>> -> memref<640xf32, #tpu.memory_space<vmem_shared>>
      %dma_start3A_129 = tpu.memref_slice %arg7[%mul3A_14] : memref<10240xf32, #tpu.memory_space<vmem_shared>> -> memref<640xf32, #tpu.memory_space<vmem_shared>>
      tpu.enqueue_dma source(%arg6 : memref<640xf32, #tpu.memory_space<vmem>>) target(%dma_start3A_129 : memref<640xf32, #tpu.memory_space<vmem_shared>>) target_semaphore(%run_scoped3A : memref<!tpu.dma_semaphore, #tpu.memory_space<semaphore_mem>>)
      %dma_wait3A_130 = tpu.memref_slice %arg7[%mul3A_14] : memref<10240xf32, #tpu.memory_space<vmem_shared>> -> memref<640xf32, #tpu.memory_space<vmem_shared>>
      %dma_wait3A_131 = tpu.memref_slice %arg7[%mul3A_14] : memref<10240xf32, #tpu.memory_space<vmem_shared>> -> memref<640xf32, #tpu.memory_space<vmem_shared>>
      tpu.wait_dma2 semaphore(%run_scoped3A : memref<!tpu.dma_semaphore, #tpu.memory_space<semaphore_mem>>) src(%arg6 : memref<640xf32, #tpu.memory_space<vmem>>) dst(%dma_wait3A_131 : memref<640xf32, #tpu.memory_space<vmem_shared>>)
      tpu.yield
    }) : () -> ()
    %barrier3A = arith.constant 0 : index
    tpu.barrier barrier_id(%barrier3A)
    "tpu.region"() ({
      %run_scoped3A = tpu.sem_alloc : memref<!tpu.dma_semaphore, #tpu.memory_space<semaphore_mem>>
      %dma_start3A_128 = arith.constant 0 : i32
      %dma_start3A_129 = arith.constant 0 : i32
      %dma_start3A_130 = tpu.memref_slice %arg2[%arg0, %arg1, %dma_start3A_128, %dma_start3A_129] : memref<2x16x80x128xi32, #tpu.memory_space<hbm>> -> memref<1x1x80x128xi32, #tpu.memory_space<hbm>>
      %dma_start3A_131 = tpu.memref_squeeze %dma_start3A_130 : memref<1x1x80x128xi32, #tpu.memory_space<hbm>> -> memref<80x128xi32, #tpu.memory_space<hbm>>
      %dma_start3A_132 = arith.constant 0 : i32
      %dma_start3A_133 = arith.constant 0 : i32
      %dma_start3A_134 = tpu.memref_slice %arg2[%arg0, %arg1, %dma_start3A_132, %dma_start3A_133] : memref<2x16x80x128xi32, #tpu.memory_space<hbm>> -> memref<1x1x80x128xi32, #tpu.memory_space<hbm>>
      %dma_start3A_135 = tpu.memref_squeeze %dma_start3A_134 : memref<1x1x80x128xi32, #tpu.memory_space<hbm>> -> memref<80x128xi32, #tpu.memory_space<hbm>>
      tpu.enqueue_dma source(%dma_start3A_135 : memref<80x128xi32, #tpu.memory_space<hbm>>) target(%arg4 : memref<80x128xi32, #tpu.memory_space<vmem>>) target_semaphore(%run_scoped3A : memref<!tpu.dma_semaphore, #tpu.memory_space<semaphore_mem>>)
      %dma_wait3A_136 = arith.constant 0 : i32
      %dma_wait3A_137 = arith.constant 0 : i32
      %dma_wait3A_138 = tpu.memref_slice %arg2[%arg0, %arg1, %dma_wait3A_136, %dma_wait3A_137] : memref<2x16x80x128xi32, #tpu.memory_space<hbm>> -> memref<1x1x80x128xi32, #tpu.memory_space<hbm>>
      %dma_wait3A_139 = tpu.memref_squeeze %dma_wait3A_138 : memref<1x1x80x128xi32, #tpu.memory_space<hbm>> -> memref<80x128xi32, #tpu.memory_space<hbm>>
      %dma_wait3A_140 = arith.constant 0 : i32
      %dma_wait3A_141 = arith.constant 0 : i32
      %dma_wait3A_142 = tpu.memref_slice %arg2[%arg0, %arg1, %dma_wait3A_140, %dma_wait3A_141] : memref<2x16x80x128xi32, #tpu.memory_space<hbm>> -> memref<1x1x80x128xi32, #tpu.memory_space<hbm>>
      %dma_wait3A_143 = tpu.memref_squeeze %dma_wait3A_142 : memref<1x1x80x128xi32, #tpu.memory_space<hbm>> -> memref<80x128xi32, #tpu.memory_space<hbm>>
      tpu.wait_dma2 semaphore(%run_scoped3A : memref<!tpu.dma_semaphore, #tpu.memory_space<semaphore_mem>>) src(%dma_wait3A_143 : memref<80x128xi32, #tpu.memory_space<hbm>>) dst(%arg4 : memref<80x128xi32, #tpu.memory_space<vmem>>)
      tpu.yield
    }) : () -> ()
    %dma_start3A = arith.constant 0 : i32
    %dma_start3A_15 = arith.constant 0 : i32
    %dma_start3A_16 = tpu.memref_slice %arg4[%dma_start3A, %dma_start3A_15] : memref<80x128xi32, #tpu.memory_space<vmem>> -> memref<1x128xi32, #tpu.memory_space<vmem>>
    %dma_start3A_17 = tpu.memref_squeeze %dma_start3A_16 : memref<1x128xi32, #tpu.memory_space<vmem>> -> memref<128xi32, #tpu.memory_space<vmem>>
    %dma_start3A_18 = arith.constant 0 : i32
    %dma_start3A_19 = tpu.memref_slice %arg7[%dma_start3A_18] : memref<10240xf32, #tpu.memory_space<vmem_shared>> -> memref<10240xf32, #tpu.memory_space<vmem_shared>>
    tpu.enqueue_indirect_dma source(%arg5 : memref<128xf32, #tpu.memory_space<vmem>>) target(%dma_start3A_19 : memref<10240xf32, #tpu.memory_space<vmem_shared>>) offsets(%dma_start3A_17 : memref<128xi32, #tpu.memory_space<vmem>>) semaphore(%arg8 : memref<!tpu.dma_semaphore, #tpu.memory_space<semaphore_mem>>) {add = true}
    %dma_start3A_20 = arith.constant 1 : i32
    %dma_start3A_21 = arith.constant 0 : i32
    %dma_start3A_22 = tpu.memref_slice %arg4[%dma_start3A_20, %dma_start3A_21] : memref<80x128xi32, #tpu.memory_space<vmem>> -> memref<1x128xi32, #tpu.memory_space<vmem>>
    %dma_start3A_23 = tpu.memref_squeeze %dma_start3A_22 : memref<1x128xi32, #tpu.memory_space<vmem>> -> memref<128xi32, #tpu.memory_space<vmem>>
    %dma_start3A_24 = arith.constant 0 : i32
    %dma_start3A_25 = tpu.memref_slice %arg7[%dma_start3A_24] : memref<10240xf32, #tpu.memory_space<vmem_shared>> -> memref<10240xf32, #tpu.memory_space<vmem_shared>>
    tpu.enqueue_indirect_dma source(%arg5 : memref<128xf32, #tpu.memory_space<vmem>>) target(%dma_start3A_25 : memref<10240xf32, #tpu.memory_space<vmem_shared>>) offsets(%dma_start3A_23 : memref<128xi32, #tpu.memory_space<vmem>>) semaphore(%arg8 : memref<!tpu.dma_semaphore, #tpu.memory_space<semaphore_mem>>) {add = true}
    %dma_start3A_26 = arith.constant 2 : i32
    %dma_start3A_27 = arith.constant 0 : i32
    %dma_start3A_28 = tpu.memref_slice %arg4[%dma_start3A_26, %dma_start3A_27] : memref<80x128xi32, #tpu.memory_space<vmem>> -> memref<1x128xi32, #tpu.memory_space<vmem>>
    %dma_start3A_29 = tpu.memref_squeeze %dma_start3A_28 : memref<1x128xi32, #tpu.memory_space<vmem>> -> memref<128xi32, #tpu.memory_space<vmem>>
    %dma_start3A_30 = arith.constant 0 : i32
    %dma_start3A_31 = tpu.memref_slice %arg7[%dma_start3A_30] : memref<10240xf32, #tpu.memory_space<vmem_shared>> -> memref<10240xf32, #tpu.memory_space<vmem_shared>>
    tpu.enqueue_indirect_dma source(%arg5 : memref<128xf32, #tpu.memory_space<vmem>>) target(%dma_start3A_31 : memref<10240xf32, #tpu.memory_space<vmem_shared>>) offsets(%dma_start3A_29 : memref<128xi32, #tpu.memory_space<vmem>>) semaphore(%arg8 : memref<!tpu.dma_semaphore, #tpu.memory_space<semaphore_mem>>) {add = true}
    %dma_start3A_32 = arith.constant 3 : i32
    %dma_start3A_33 = arith.constant 0 : i32
    %dma_start3A_34 = tpu.memref_slice %arg4[%dma_start3A_32, %dma_start3A_33] : memref<80x128xi32, #tpu.memory_space<vmem>> -> memref<1x128xi32, #tpu.memory_space<vmem>>
    %dma_start3A_35 = tpu.memref_squeeze %dma_start3A_34 : memref<1x128xi32, #tpu.memory_space<vmem>> -> memref<128xi32, #tpu.memory_space<vmem>>
    %dma_start3A_36 = arith.constant 0 : i32
    %dma_start3A_37 = tpu.memref_slice %arg7[%dma_start3A_36] : memref<10240xf32, #tpu.memory_space<vmem_shared>> -> memref<10240xf32, #tpu.memory_space<vmem_shared>>
    tpu.enqueue_indirect_dma source(%arg5 : memref<128xf32, #tpu.memory_space<vmem>>) target(%dma_start3A_37 : memref<10240xf32, #tpu.memory_space<vmem_shared>>) offsets(%dma_start3A_35 : memref<128xi32, #tpu.memory_space<vmem>>) semaphore(%arg8 : memref<!tpu.dma_semaphore, #tpu.memory_space<semaphore_mem>>) {add = true}
    %dma_start3A_38 = arith.constant 4 : i32
    %dma_start3A_39 = arith.constant 0 : i32
    %dma_start3A_40 = tpu.memref_slice %arg4[%dma_start3A_38, %dma_start3A_39] : memref<80x128xi32, #tpu.memory_space<vmem>> -> memref<1x128xi32, #tpu.memory_space<vmem>>
    %dma_start3A_41 = tpu.memref_squeeze %dma_start3A_40 : memref<1x128xi32, #tpu.memory_space<vmem>> -> memref<128xi32, #tpu.memory_space<vmem>>
    %dma_start3A_42 = arith.constant 0 : i32
    %dma_start3A_43 = tpu.memref_slice %arg7[%dma_start3A_42] : memref<10240xf32, #tpu.memory_space<vmem_shared>> -> memref<10240xf32, #tpu.memory_space<vmem_shared>>
    tpu.enqueue_indirect_dma source(%arg5 : memref<128xf32, #tpu.memory_space<vmem>>) target(%dma_start3A_43 : memref<10240xf32, #tpu.memory_space<vmem_shared>>) offsets(%dma_start3A_41 : memref<128xi32, #tpu.memory_space<vmem>>) semaphore(%arg8 : memref<!tpu.dma_semaphore, #tpu.memory_space<semaphore_mem>>) {add = true}
    %dma_start3A_44 = arith.constant 5 : i32
    %dma_start3A_45 = arith.constant 0 : i32
    %dma_start3A_46 = tpu.memref_slice %arg4[%dma_start3A_44, %dma_start3A_45] : memref<80x128xi32, #tpu.memory_space<vmem>> -> memref<1x128xi32, #tpu.memory_space<vmem>>
    %dma_start3A_47 = tpu.memref_squeeze %dma_start3A_46 : memref<1x128xi32, #tpu.memory_space<vmem>> -> memref<128xi32, #tpu.memory_space<vmem>>
    %dma_start3A_48 = arith.constant 0 : i32
    %dma_start3A_49 = tpu.memref_slice %arg7[%dma_start3A_48] : memref<10240xf32, #tpu.memory_space<vmem_shared>> -> memref<10240xf32, #tpu.memory_space<vmem_shared>>
    tpu.enqueue_indirect_dma source(%arg5 : memref<128xf32, #tpu.memory_space<vmem>>) target(%dma_start3A_49 : memref<10240xf32, #tpu.memory_space<vmem_shared>>) offsets(%dma_start3A_47 : memref<128xi32, #tpu.memory_space<vmem>>) semaphore(%arg8 : memref<!tpu.dma_semaphore, #tpu.memory_space<semaphore_mem>>) {add = true}
    %dma_start3A_50 = arith.constant 6 : i32
    %dma_start3A_51 = arith.constant 0 : i32
    %dma_start3A_52 = tpu.memref_slice %arg4[%dma_start3A_50, %dma_start3A_51] : memref<80x128xi32, #tpu.memory_space<vmem>> -> memref<1x128xi32, #tpu.memory_space<vmem>>
    %dma_start3A_53 = tpu.memref_squeeze %dma_start3A_52 : memref<1x128xi32, #tpu.memory_space<vmem>> -> memref<128xi32, #tpu.memory_space<vmem>>
    %dma_start3A_54 = arith.constant 0 : i32
    %dma_start3A_55 = tpu.memref_slice %arg7[%dma_start3A_54] : memref<10240xf32, #tpu.memory_space<vmem_shared>> -> memref<10240xf32, #tpu.memory_space<vmem_shared>>
    tpu.enqueue_indirect_dma source(%arg5 : memref<128xf32, #tpu.memory_space<vmem>>) target(%dma_start3A_55 : memref<10240xf32, #tpu.memory_space<vmem_shared>>) offsets(%dma_start3A_53 : memref<128xi32, #tpu.memory_space<vmem>>) semaphore(%arg8 : memref<!tpu.dma_semaphore, #tpu.memory_space<semaphore_mem>>) {add = true}
    %dma_start3A_56 = arith.constant 7 : i32
    %dma_start3A_57 = arith.constant 0 : i32
    %dma_start3A_58 = tpu.memref_slice %arg4[%dma_start3A_56, %dma_start3A_57] : memref<80x128xi32, #tpu.memory_space<vmem>> -> memref<1x128xi32, #tpu.memory_space<vmem>>
    %dma_start3A_59 = tpu.memref_squeeze %dma_start3A_58 : memref<1x128xi32, #tpu.memory_space<vmem>> -> memref<128xi32, #tpu.memory_space<vmem>>
    %dma_start3A_60 = arith.constant 0 : i32
    %dma_start3A_61 = tpu.memref_slice %arg7[%dma_start3A_60] : memref<10240xf32, #tpu.memory_space<vmem_shared>> -> memref<10240xf32, #tpu.memory_space<vmem_shared>>
    tpu.enqueue_indirect_dma source(%arg5 : memref<128xf32, #tpu.memory_space<vmem>>) target(%dma_start3A_61 : memref<10240xf32, #tpu.memory_space<vmem_shared>>) offsets(%dma_start3A_59 : memref<128xi32, #tpu.memory_space<vmem>>) semaphore(%arg8 : memref<!tpu.dma_semaphore, #tpu.memory_space<semaphore_mem>>) {add = true}
    %scan3A_62 = arith.constant 0 : i32
    %scan3A_63 = arith.constant 0 : i32
    %scan3A_64 = arith.constant 72 : i32
    %scan3A_65 = arith.addi %scan3A_63, %scan3A_64 : i32
    %scan3A_66 = arith.constant 1 : i32
    scf.for %scan3A_128 = %scan3A_63 to %scan3A_65 step %scan3A_66  : i32 {
      %dma_wait3A_129 = arith.constant 0 : i32
      %dma_wait3A_130 = arith.constant 0 : i32
      %dma_wait3A_131 = tpu.memref_slice %arg3[%dma_wait3A_129, %dma_wait3A_130] : memref<2x10240xf32, #tpu.memory_space<hbm>> -> memref<1x128xf32, #tpu.memory_space<hbm>>
      %dma_wait3A_132 = tpu.memref_squeeze %dma_wait3A_131 : memref<1x128xf32, #tpu.memory_space<hbm>> -> memref<128xf32, #tpu.memory_space<hbm>>
      %dma_wait3A_133 = arith.constant 0 : i32
      %dma_wait3A_134 = tpu.memref_slice %arg3[%dma_wait3A_129, %dma_wait3A_133] : memref<2x10240xf32, #tpu.memory_space<hbm>> -> memref<1x128xf32, #tpu.memory_space<hbm>>
      %dma_wait3A_135 = tpu.memref_squeeze %dma_wait3A_134 : memref<1x128xf32, #tpu.memory_space<hbm>> -> memref<128xf32, #tpu.memory_space<hbm>>
      tpu.wait_dma2 semaphore(%arg8 : memref<!tpu.dma_semaphore, #tpu.memory_space<semaphore_mem>>) src(%dma_wait3A_135 : memref<128xf32, #tpu.memory_space<hbm>>) dst(%arg5 : memref<128xf32, #tpu.memory_space<vmem>>)
      %add3A = arith.constant 8 : i32
      %add3A_136 = arith.addi %scan3A_128, %add3A : i32
      %dma_start3A_137 = arith.constant 0 : i32
      %dma_start3A_138 = tpu.memref_slice %arg4[%add3A_136, %dma_start3A_137] : memref<80x128xi32, #tpu.memory_space<vmem>> -> memref<1x128xi32, #tpu.memory_space<vmem>>
      %dma_start3A_139 = tpu.memref_squeeze %dma_start3A_138 : memref<1x128xi32, #tpu.memory_space<vmem>> -> memref<128xi32, #tpu.memory_space<vmem>>
      %dma_start3A_140 = arith.constant 0 : i32
      %dma_start3A_141 = tpu.memref_slice %arg7[%dma_start3A_140] : memref<10240xf32, #tpu.memory_space<vmem_shared>> -> memref<10240xf32, #tpu.memory_space<vmem_shared>>
      tpu.enqueue_indirect_dma source(%arg5 : memref<128xf32, #tpu.memory_space<vmem>>) target(%dma_start3A_141 : memref<10240xf32, #tpu.memory_space<vmem_shared>>) offsets(%dma_start3A_139 : memref<128xi32, #tpu.memory_space<vmem>>) semaphore(%arg8 : memref<!tpu.dma_semaphore, #tpu.memory_space<semaphore_mem>>) {add = true}
    }
    %scan3A_67 = arith.constant 72 : i32
    %dma_wait3A = arith.constant 0 : i32
    %dma_wait3A_68 = arith.constant 0 : i32
    %dma_wait3A_69 = tpu.memref_slice %arg3[%dma_wait3A, %dma_wait3A_68] : memref<2x10240xf32, #tpu.memory_space<hbm>> -> memref<1x128xf32, #tpu.memory_space<hbm>>
    %dma_wait3A_70 = tpu.memref_squeeze %dma_wait3A_69 : memref<1x128xf32, #tpu.memory_space<hbm>> -> memref<128xf32, #tpu.memory_space<hbm>>
    %dma_wait3A_71 = arith.constant 0 : i32
    %dma_wait3A_72 = tpu.memref_slice %arg3[%dma_wait3A, %dma_wait3A_71] : memref<2x10240xf32, #tpu.memory_space<hbm>> -> memref<1x128xf32, #tpu.memory_space<hbm>>
    %dma_wait3A_73 = tpu.memref_squeeze %dma_wait3A_72 : memref<1x128xf32, #tpu.memory_space<hbm>> -> memref<128xf32, #tpu.memory_space<hbm>>
    tpu.wait_dma2 semaphore(%arg8 : memref<!tpu.dma_semaphore, #tpu.memory_space<semaphore_mem>>) src(%dma_wait3A_73 : memref<128xf32, #tpu.memory_space<hbm>>) dst(%arg5 : memref<128xf32, #tpu.memory_space<vmem>>)
    %dma_wait3A_74 = arith.constant 0 : i32
    %dma_wait3A_75 = arith.constant 0 : i32
    %dma_wait3A_76 = tpu.memref_slice %arg3[%dma_wait3A_74, %dma_wait3A_75] : memref<2x10240xf32, #tpu.memory_space<hbm>> -> memref<1x128xf32, #tpu.memory_space<hbm>>
    %dma_wait3A_77 = tpu.memref_squeeze %dma_wait3A_76 : memref<1x128xf32, #tpu.memory_space<hbm>> -> memref<128xf32, #tpu.memory_space<hbm>>
    %dma_wait3A_78 = arith.constant 0 : i32
    %dma_wait3A_79 = tpu.memref_slice %arg3[%dma_wait3A_74, %dma_wait3A_78] : memref<2x10240xf32, #tpu.memory_space<hbm>> -> memref<1x128xf32, #tpu.memory_space<hbm>>
    %dma_wait3A_80 = tpu.memref_squeeze %dma_wait3A_79 : memref<1x128xf32, #tpu.memory_space<hbm>> -> memref<128xf32, #tpu.memory_space<hbm>>
    tpu.wait_dma2 semaphore(%arg8 : memref<!tpu.dma_semaphore, #tpu.memory_space<semaphore_mem>>) src(%dma_wait3A_80 : memref<128xf32, #tpu.memory_space<hbm>>) dst(%arg5 : memref<128xf32, #tpu.memory_space<vmem>>)
    %dma_wait3A_81 = arith.constant 0 : i32
    %dma_wait3A_82 = arith.constant 0 : i32
    %dma_wait3A_83 = tpu.memref_slice %arg3[%dma_wait3A_81, %dma_wait3A_82] : memref<2x10240xf32, #tpu.memory_space<hbm>> -> memref<1x128xf32, #tpu.memory_space<hbm>>
    %dma_wait3A_84 = tpu.memref_squeeze %dma_wait3A_83 : memref<1x128xf32, #tpu.memory_space<hbm>> -> memref<128xf32, #tpu.memory_space<hbm>>
    %dma_wait3A_85 = arith.constant 0 : i32
    %dma_wait3A_86 = tpu.memref_slice %arg3[%dma_wait3A_81, %dma_wait3A_85] : memref<2x10240xf32, #tpu.memory_space<hbm>> -> memref<1x128xf32, #tpu.memory_space<hbm>>
    %dma_wait3A_87 = tpu.memref_squeeze %dma_wait3A_86 : memref<1x128xf32, #tpu.memory_space<hbm>> -> memref<128xf32, #tpu.memory_space<hbm>>
    tpu.wait_dma2 semaphore(%arg8 : memref<!tpu.dma_semaphore, #tpu.memory_space<semaphore_mem>>) src(%dma_wait3A_87 : memref<128xf32, #tpu.memory_space<hbm>>) dst(%arg5 : memref<128xf32, #tpu.memory_space<vmem>>)
    %dma_wait3A_88 = arith.constant 0 : i32
    %dma_wait3A_89 = arith.constant 0 : i32
    %dma_wait3A_90 = tpu.memref_slice %arg3[%dma_wait3A_88, %dma_wait3A_89] : memref<2x10240xf32, #tpu.memory_space<hbm>> -> memref<1x128xf32, #tpu.memory_space<hbm>>
    %dma_wait3A_91 = tpu.memref_squeeze %dma_wait3A_90 : memref<1x128xf32, #tpu.memory_space<hbm>> -> memref<128xf32, #tpu.memory_space<hbm>>
    %dma_wait3A_92 = arith.constant 0 : i32
    %dma_wait3A_93 = tpu.memref_slice %arg3[%dma_wait3A_88, %dma_wait3A_92] : memref<2x10240xf32, #tpu.memory_space<hbm>> -> memref<1x128xf32, #tpu.memory_space<hbm>>
    %dma_wait3A_94 = tpu.memref_squeeze %dma_wait3A_93 : memref<1x128xf32, #tpu.memory_space<hbm>> -> memref<128xf32, #tpu.memory_space<hbm>>
    tpu.wait_dma2 semaphore(%arg8 : memref<!tpu.dma_semaphore, #tpu.memory_space<semaphore_mem>>) src(%dma_wait3A_94 : memref<128xf32, #tpu.memory_space<hbm>>) dst(%arg5 : memref<128xf32, #tpu.memory_space<vmem>>)
    %dma_wait3A_95 = arith.constant 0 : i32
    %dma_wait3A_96 = arith.constant 0 : i32
    %dma_wait3A_97 = tpu.memref_slice %arg3[%dma_wait3A_95, %dma_wait3A_96] : memref<2x10240xf32, #tpu.memory_space<hbm>> -> memref<1x128xf32, #tpu.memory_space<hbm>>
    %dma_wait3A_98 = tpu.memref_squeeze %dma_wait3A_97 : memref<1x128xf32, #tpu.memory_space<hbm>> -> memref<128xf32, #tpu.memory_space<hbm>>
    %dma_wait3A_99 = arith.constant 0 : i32
    %dma_wait3A_100 = tpu.memref_slice %arg3[%dma_wait3A_95, %dma_wait3A_99] : memref<2x10240xf32, #tpu.memory_space<hbm>> -> memref<1x128xf32, #tpu.memory_space<hbm>>
    %dma_wait3A_101 = tpu.memref_squeeze %dma_wait3A_100 : memref<1x128xf32, #tpu.memory_space<hbm>> -> memref<128xf32, #tpu.memory_space<hbm>>
    tpu.wait_dma2 semaphore(%arg8 : memref<!tpu.dma_semaphore, #tpu.memory_space<semaphore_mem>>) src(%dma_wait3A_101 : memref<128xf32, #tpu.memory_space<hbm>>) dst(%arg5 : memref<128xf32, #tpu.memory_space<vmem>>)
    %dma_wait3A_102 = arith.constant 0 : i32
    %dma_wait3A_103 = arith.constant 0 : i32
    %dma_wait3A_104 = tpu.memref_slice %arg3[%dma_wait3A_102, %dma_wait3A_103] : memref<2x10240xf32, #tpu.memory_space<hbm>> -> memref<1x128xf32, #tpu.memory_space<hbm>>
    %dma_wait3A_105 = tpu.memref_squeeze %dma_wait3A_104 : memref<1x128xf32, #tpu.memory_space<hbm>> -> memref<128xf32, #tpu.memory_space<hbm>>
    %dma_wait3A_106 = arith.constant 0 : i32
    %dma_wait3A_107 = tpu.memref_slice %arg3[%dma_wait3A_102, %dma_wait3A_106] : memref<2x10240xf32, #tpu.memory_space<hbm>> -> memref<1x128xf32, #tpu.memory_space<hbm>>
    %dma_wait3A_108 = tpu.memref_squeeze %dma_wait3A_107 : memref<1x128xf32, #tpu.memory_space<hbm>> -> memref<128xf32, #tpu.memory_space<hbm>>
    tpu.wait_dma2 semaphore(%arg8 : memref<!tpu.dma_semaphore, #tpu.memory_space<semaphore_mem>>) src(%dma_wait3A_108 : memref<128xf32, #tpu.memory_space<hbm>>) dst(%arg5 : memref<128xf32, #tpu.memory_space<vmem>>)
    %dma_wait3A_109 = arith.constant 0 : i32
    %dma_wait3A_110 = arith.constant 0 : i32
    %dma_wait3A_111 = tpu.memref_slice %arg3[%dma_wait3A_109, %dma_wait3A_110] : memref<2x10240xf32, #tpu.memory_space<hbm>> -> memref<1x128xf32, #tpu.memory_space<hbm>>
    %dma_wait3A_112 = tpu.memref_squeeze %dma_wait3A_111 : memref<1x128xf32, #tpu.memory_space<hbm>> -> memref<128xf32, #tpu.memory_space<hbm>>
    %dma_wait3A_113 = arith.constant 0 : i32
    %dma_wait3A_114 = tpu.memref_slice %arg3[%dma_wait3A_109, %dma_wait3A_113] : memref<2x10240xf32, #tpu.memory_space<hbm>> -> memref<1x128xf32, #tpu.memory_space<hbm>>
    %dma_wait3A_115 = tpu.memref_squeeze %dma_wait3A_114 : memref<1x128xf32, #tpu.memory_space<hbm>> -> memref<128xf32, #tpu.memory_space<hbm>>
    tpu.wait_dma2 semaphore(%arg8 : memref<!tpu.dma_semaphore, #tpu.memory_space<semaphore_mem>>) src(%dma_wait3A_115 : memref<128xf32, #tpu.memory_space<hbm>>) dst(%arg5 : memref<128xf32, #tpu.memory_space<vmem>>)
    %dma_wait3A_116 = arith.constant 0 : i32
    %dma_wait3A_117 = arith.constant 0 : i32
    %dma_wait3A_118 = tpu.memref_slice %arg3[%dma_wait3A_116, %dma_wait3A_117] : memref<2x10240xf32, #tpu.memory_space<hbm>> -> memref<1x128xf32, #tpu.memory_space<hbm>>
    %dma_wait3A_119 = tpu.memref_squeeze %dma_wait3A_118 : memref<1x128xf32, #tpu.memory_space<hbm>> -> memref<128xf32, #tpu.memory_space<hbm>>
    %dma_wait3A_120 = arith.constant 0 : i32
    %dma_wait3A_121 = tpu.memref_slice %arg3[%dma_wait3A_116, %dma_wait3A_120] : memref<2x10240xf32, #tpu.memory_space<hbm>> -> memref<1x128xf32, #tpu.memory_space<hbm>>
    %dma_wait3A_122 = tpu.memref_squeeze %dma_wait3A_121 : memref<1x128xf32, #tpu.memory_space<hbm>> -> memref<128xf32, #tpu.memory_space<hbm>>
    tpu.wait_dma2 semaphore(%arg8 : memref<!tpu.dma_semaphore, #tpu.memory_space<semaphore_mem>>) src(%dma_wait3A_122 : memref<128xf32, #tpu.memory_space<hbm>>) dst(%arg5 : memref<128xf32, #tpu.memory_space<vmem>>)
    %barrier3A_123 = arith.constant 0 : index
    tpu.barrier barrier_id(%barrier3A_123)
    %mul3A_124 = arith.constant 640 : i32
    %mul3A_125 = arith.muli %arg1, %mul3A_124 : i32
    %mul3A_126 = arith.constant 640 : i32
    %mul3A_127 = arith.muli %arg1, %mul3A_126 : i32
    "tpu.region"() ({
      %run_scoped3A = tpu.sem_alloc : memref<!tpu.dma_semaphore, #tpu.memory_space<semaphore_mem>>
      %dma_start3A_128 = tpu.memref_slice %arg3[%arg0, %mul3A_127] : memref<2x10240xf32, #tpu.memory_space<hbm>> -> memref<1x640xf32, #tpu.memory_space<hbm>>
      %dma_start3A_129 = tpu.memref_squeeze %dma_start3A_128 : memref<1x640xf32, #tpu.memory_space<hbm>> -> memref<640xf32, #tpu.memory_space<hbm>>
      %dma_start3A_130 = tpu.memref_slice %arg7[%mul3A_125] : memref<10240xf32, #tpu.memory_space<vmem_shared>> -> memref<640xf32, #tpu.memory_space<vmem_shared>>
      tpu.enqueue_dma source(%dma_start3A_130 : memref<640xf32, #tpu.memory_space<vmem_shared>>) target(%dma_start3A_129 : memref<640xf32, #tpu.memory_space<hbm>>) target_semaphore(%run_scoped3A : memref<!tpu.dma_semaphore, #tpu.memory_space<semaphore_mem>>)
      %dma_wait3A_131 = tpu.memref_slice %arg3[%arg0, %mul3A_127] : memref<2x10240xf32, #tpu.memory_space<hbm>> -> memref<1x640xf32, #tpu.memory_space<hbm>>
      %dma_wait3A_132 = tpu.memref_squeeze %dma_wait3A_131 : memref<1x640xf32, #tpu.memory_space<hbm>> -> memref<640xf32, #tpu.memory_space<hbm>>
      %dma_wait3A_133 = tpu.memref_slice %arg7[%mul3A_125] : memref<10240xf32, #tpu.memory_space<vmem_shared>> -> memref<640xf32, #tpu.memory_space<vmem_shared>>
      tpu.wait_dma2 semaphore(%run_scoped3A : memref<!tpu.dma_semaphore, #tpu.memory_space<semaphore_mem>>) src(%dma_wait3A_133 : memref<640xf32, #tpu.memory_space<vmem_shared>>) dst(%dma_wait3A_132 : memref<640xf32, #tpu.memory_space<hbm>>)
      tpu.yield
    }) : () -> ()
    return
  }
}

#map = affine_map<(d0, d1) -> (0, 0)>
#map1 = affine_map<(d0, d1) -> (0, 0, 0, 0)>
#map2 = affine_map<(d0, d1) -> (0, 0, 0)>
module attributes {stable_mosaic.version = 14 : i64} {
  func.func @_agg_body(%arg0: i32, %arg1: i32, %arg2: memref<10000x128xf32, #tpu.memory_space<hbm>>, %arg3: memref<2x16x160x64xi32, #tpu.memory_space<hbm>>, %arg4: memref<2x16x160x64xi32, #tpu.memory_space<hbm>>, %arg5: memref<2x10240x128xf32, #tpu.memory_space<hbm>>, %arg6: memref<2x64x64xi32, #tpu.memory_space<vmem>>, %arg7: memref<3x64x128xf32, #tpu.memory_space<vmem>>, %arg8: memref<10240x128xf32, #tpu.memory_space<vmem_shared>>, %arg9: memref<!tpu.dma_semaphore, #tpu.memory_space<semaphore_mem>>, %arg10: memref<!tpu.dma_semaphore, #tpu.memory_space<semaphore_mem>>) attributes {dimension_semantics = [#tpu.dimension_semantics<core_parallel>, #tpu.dimension_semantics<subcore_parallel>], iteration_bounds = array<i64: 2, 16>, scalar_prefetch = 0 : i64, scratch_operands = 5 : i64, tpu.core_type = #tpu.core_type<sc_vector_subcore>, window_params = [{transform_indices = #map}, {transform_indices = #map1}, {transform_indices = #map1}, {transform_indices = #map2}]} {
    %run_scoped3A = arith.constant 0 : i32
    "tpu.region"() ({
      %run_scoped3A_273 = tpu.sem_alloc : memref<!tpu.dma_semaphore, #tpu.memory_space<semaphore_mem>>
      %dma_start3A_274 = arith.constant 0 : i32
      %dma_start3A_275 = arith.constant 0 : i32
      %dma_start3A_276 = tpu.memref_slice %arg6[%run_scoped3A, %dma_start3A_274, %dma_start3A_275] : memref<2x64x64xi32, #tpu.memory_space<vmem>> -> memref<1x32x64xi32, #tpu.memory_space<vmem>>
      %dma_start3A_277 = tpu.memref_squeeze %dma_start3A_276 : memref<1x32x64xi32, #tpu.memory_space<vmem>> -> memref<32x64xi32, #tpu.memory_space<vmem>>
      %dma_start3A_278 = arith.constant 0 : i32
      %dma_start3A_279 = arith.constant 0 : i32
      %dma_start3A_280 = tpu.memref_slice %arg3[%arg0, %arg1, %dma_start3A_278, %dma_start3A_279] : memref<2x16x160x64xi32, #tpu.memory_space<hbm>> -> memref<1x1x32x64xi32, #tpu.memory_space<hbm>>
      %dma_start3A_281 = tpu.memref_squeeze %dma_start3A_280 : memref<1x1x32x64xi32, #tpu.memory_space<hbm>> -> memref<32x64xi32, #tpu.memory_space<hbm>>
      %dma_start3A_282 = arith.constant 0 : i32
      %dma_start3A_283 = arith.constant 0 : i32
      %dma_start3A_284 = tpu.memref_slice %arg6[%run_scoped3A, %dma_start3A_282, %dma_start3A_283] : memref<2x64x64xi32, #tpu.memory_space<vmem>> -> memref<1x32x64xi32, #tpu.memory_space<vmem>>
      %dma_start3A_285 = tpu.memref_squeeze %dma_start3A_284 : memref<1x32x64xi32, #tpu.memory_space<vmem>> -> memref<32x64xi32, #tpu.memory_space<vmem>>
      %dma_start3A_286 = arith.constant 0 : i32
      %dma_start3A_287 = arith.constant 0 : i32
      %dma_start3A_288 = tpu.memref_slice %arg3[%arg0, %arg1, %dma_start3A_286, %dma_start3A_287] : memref<2x16x160x64xi32, #tpu.memory_space<hbm>> -> memref<1x1x32x64xi32, #tpu.memory_space<hbm>>
      %dma_start3A_289 = tpu.memref_squeeze %dma_start3A_288 : memref<1x1x32x64xi32, #tpu.memory_space<hbm>> -> memref<32x64xi32, #tpu.memory_space<hbm>>
      tpu.enqueue_dma source(%dma_start3A_289 : memref<32x64xi32, #tpu.memory_space<hbm>>) target(%dma_start3A_285 : memref<32x64xi32, #tpu.memory_space<vmem>>) target_semaphore(%run_scoped3A_273 : memref<!tpu.dma_semaphore, #tpu.memory_space<semaphore_mem>>)
      %dma_wait3A_290 = arith.constant 0 : i32
      %dma_wait3A_291 = arith.constant 0 : i32
      %dma_wait3A_292 = tpu.memref_slice %arg6[%run_scoped3A, %dma_wait3A_290, %dma_wait3A_291] : memref<2x64x64xi32, #tpu.memory_space<vmem>> -> memref<1x32x64xi32, #tpu.memory_space<vmem>>
      %dma_wait3A_293 = tpu.memref_squeeze %dma_wait3A_292 : memref<1x32x64xi32, #tpu.memory_space<vmem>> -> memref<32x64xi32, #tpu.memory_space<vmem>>
      %dma_wait3A_294 = arith.constant 0 : i32
      %dma_wait3A_295 = arith.constant 0 : i32
      %dma_wait3A_296 = tpu.memref_slice %arg3[%arg0, %arg1, %dma_wait3A_294, %dma_wait3A_295] : memref<2x16x160x64xi32, #tpu.memory_space<hbm>> -> memref<1x1x32x64xi32, #tpu.memory_space<hbm>>
      %dma_wait3A_297 = tpu.memref_squeeze %dma_wait3A_296 : memref<1x1x32x64xi32, #tpu.memory_space<hbm>> -> memref<32x64xi32, #tpu.memory_space<hbm>>
      %dma_wait3A_298 = arith.constant 0 : i32
      %dma_wait3A_299 = arith.constant 0 : i32
      %dma_wait3A_300 = tpu.memref_slice %arg6[%run_scoped3A, %dma_wait3A_298, %dma_wait3A_299] : memref<2x64x64xi32, #tpu.memory_space<vmem>> -> memref<1x32x64xi32, #tpu.memory_space<vmem>>
      %dma_wait3A_301 = tpu.memref_squeeze %dma_wait3A_300 : memref<1x32x64xi32, #tpu.memory_space<vmem>> -> memref<32x64xi32, #tpu.memory_space<vmem>>
      %dma_wait3A_302 = arith.constant 0 : i32
      %dma_wait3A_303 = arith.constant 0 : i32
      %dma_wait3A_304 = tpu.memref_slice %arg3[%arg0, %arg1, %dma_wait3A_302, %dma_wait3A_303] : memref<2x16x160x64xi32, #tpu.memory_space<hbm>> -> memref<1x1x32x64xi32, #tpu.memory_space<hbm>>
      %dma_wait3A_305 = tpu.memref_squeeze %dma_wait3A_304 : memref<1x1x32x64xi32, #tpu.memory_space<hbm>> -> memref<32x64xi32, #tpu.memory_space<hbm>>
      tpu.wait_dma2 semaphore(%run_scoped3A_273 : memref<!tpu.dma_semaphore, #tpu.memory_space<semaphore_mem>>) src(%dma_wait3A_305 : memref<32x64xi32, #tpu.memory_space<hbm>>) dst(%dma_wait3A_301 : memref<32x64xi32, #tpu.memory_space<vmem>>)
      tpu.yield
    }) : () -> ()
    %run_scoped3A_0 = arith.constant 0 : i32
    "tpu.region"() ({
      %run_scoped3A_273 = tpu.sem_alloc : memref<!tpu.dma_semaphore, #tpu.memory_space<semaphore_mem>>
      %dma_start3A_274 = arith.constant 32 : i32
      %dma_start3A_275 = arith.constant 0 : i32
      %dma_start3A_276 = tpu.memref_slice %arg6[%run_scoped3A_0, %dma_start3A_274, %dma_start3A_275] : memref<2x64x64xi32, #tpu.memory_space<vmem>> -> memref<1x32x64xi32, #tpu.memory_space<vmem>>
      %dma_start3A_277 = tpu.memref_squeeze %dma_start3A_276 : memref<1x32x64xi32, #tpu.memory_space<vmem>> -> memref<32x64xi32, #tpu.memory_space<vmem>>
      %dma_start3A_278 = arith.constant 0 : i32
      %dma_start3A_279 = arith.constant 0 : i32
      %dma_start3A_280 = tpu.memref_slice %arg4[%arg0, %arg1, %dma_start3A_278, %dma_start3A_279] : memref<2x16x160x64xi32, #tpu.memory_space<hbm>> -> memref<1x1x32x64xi32, #tpu.memory_space<hbm>>
      %dma_start3A_281 = tpu.memref_squeeze %dma_start3A_280 : memref<1x1x32x64xi32, #tpu.memory_space<hbm>> -> memref<32x64xi32, #tpu.memory_space<hbm>>
      %dma_start3A_282 = arith.constant 32 : i32
      %dma_start3A_283 = arith.constant 0 : i32
      %dma_start3A_284 = tpu.memref_slice %arg6[%run_scoped3A_0, %dma_start3A_282, %dma_start3A_283] : memref<2x64x64xi32, #tpu.memory_space<vmem>> -> memref<1x32x64xi32, #tpu.memory_space<vmem>>
      %dma_start3A_285 = tpu.memref_squeeze %dma_start3A_284 : memref<1x32x64xi32, #tpu.memory_space<vmem>> -> memref<32x64xi32, #tpu.memory_space<vmem>>
      %dma_start3A_286 = arith.constant 0 : i32
      %dma_start3A_287 = arith.constant 0 : i32
      %dma_start3A_288 = tpu.memref_slice %arg4[%arg0, %arg1, %dma_start3A_286, %dma_start3A_287] : memref<2x16x160x64xi32, #tpu.memory_space<hbm>> -> memref<1x1x32x64xi32, #tpu.memory_space<hbm>>
      %dma_start3A_289 = tpu.memref_squeeze %dma_start3A_288 : memref<1x1x32x64xi32, #tpu.memory_space<hbm>> -> memref<32x64xi32, #tpu.memory_space<hbm>>
      tpu.enqueue_dma source(%dma_start3A_289 : memref<32x64xi32, #tpu.memory_space<hbm>>) target(%dma_start3A_285 : memref<32x64xi32, #tpu.memory_space<vmem>>) target_semaphore(%run_scoped3A_273 : memref<!tpu.dma_semaphore, #tpu.memory_space<semaphore_mem>>)
      %dma_wait3A_290 = arith.constant 32 : i32
      %dma_wait3A_291 = arith.constant 0 : i32
      %dma_wait3A_292 = tpu.memref_slice %arg6[%run_scoped3A_0, %dma_wait3A_290, %dma_wait3A_291] : memref<2x64x64xi32, #tpu.memory_space<vmem>> -> memref<1x32x64xi32, #tpu.memory_space<vmem>>
      %dma_wait3A_293 = tpu.memref_squeeze %dma_wait3A_292 : memref<1x32x64xi32, #tpu.memory_space<vmem>> -> memref<32x64xi32, #tpu.memory_space<vmem>>
      %dma_wait3A_294 = arith.constant 0 : i32
      %dma_wait3A_295 = arith.constant 0 : i32
      %dma_wait3A_296 = tpu.memref_slice %arg4[%arg0, %arg1, %dma_wait3A_294, %dma_wait3A_295] : memref<2x16x160x64xi32, #tpu.memory_space<hbm>> -> memref<1x1x32x64xi32, #tpu.memory_space<hbm>>
      %dma_wait3A_297 = tpu.memref_squeeze %dma_wait3A_296 : memref<1x1x32x64xi32, #tpu.memory_space<hbm>> -> memref<32x64xi32, #tpu.memory_space<hbm>>
      %dma_wait3A_298 = arith.constant 32 : i32
      %dma_wait3A_299 = arith.constant 0 : i32
      %dma_wait3A_300 = tpu.memref_slice %arg6[%run_scoped3A_0, %dma_wait3A_298, %dma_wait3A_299] : memref<2x64x64xi32, #tpu.memory_space<vmem>> -> memref<1x32x64xi32, #tpu.memory_space<vmem>>
      %dma_wait3A_301 = tpu.memref_squeeze %dma_wait3A_300 : memref<1x32x64xi32, #tpu.memory_space<vmem>> -> memref<32x64xi32, #tpu.memory_space<vmem>>
      %dma_wait3A_302 = arith.constant 0 : i32
      %dma_wait3A_303 = arith.constant 0 : i32
      %dma_wait3A_304 = tpu.memref_slice %arg4[%arg0, %arg1, %dma_wait3A_302, %dma_wait3A_303] : memref<2x16x160x64xi32, #tpu.memory_space<hbm>> -> memref<1x1x32x64xi32, #tpu.memory_space<hbm>>
      %dma_wait3A_305 = tpu.memref_squeeze %dma_wait3A_304 : memref<1x1x32x64xi32, #tpu.memory_space<hbm>> -> memref<32x64xi32, #tpu.memory_space<hbm>>
      tpu.wait_dma2 semaphore(%run_scoped3A_273 : memref<!tpu.dma_semaphore, #tpu.memory_space<semaphore_mem>>) src(%dma_wait3A_305 : memref<32x64xi32, #tpu.memory_space<hbm>>) dst(%dma_wait3A_301 : memref<32x64xi32, #tpu.memory_space<vmem>>)
      tpu.yield
    }) : () -> ()
    %div3A = arith.constant 0 : i32
    %div3A_1 = arith.constant 32 : i32
    %div3A_2 = arith.divsi %div3A, %div3A_1 : i32
    %rem3A = arith.constant 2 : i32
    %rem3A_3 = arith.remsi %div3A_2, %rem3A : i32
    %rem3A_4 = arith.constant 0 : i32
    %rem3A_5 = arith.constant 32 : i32
    %rem3A_6 = arith.remsi %rem3A_4, %rem3A_5 : i32
    %dma_start3A = arith.constant 0 : i32
    %dma_start3A_7 = arith.constant 0 : i32
    %dma_start3A_8 = arith.constant 0 : i32
    %dma_start3A_9 = tpu.memref_slice %arg7[%dma_start3A, %dma_start3A_7, %dma_start3A_8] : memref<3x64x128xf32, #tpu.memory_space<vmem>> -> memref<1x64x128xf32, #tpu.memory_space<vmem>>
    %dma_start3A_10 = tpu.memref_squeeze %dma_start3A_9 : memref<1x64x128xf32, #tpu.memory_space<vmem>> -> memref<64x128xf32, #tpu.memory_space<vmem>>
    %dma_start3A_11 = arith.constant 0 : i32
    %dma_start3A_12 = tpu.memref_slice %arg6[%rem3A_3, %rem3A_6, %dma_start3A_11] : memref<2x64x64xi32, #tpu.memory_space<vmem>> -> memref<1x1x64xi32, #tpu.memory_space<vmem>>
    %dma_start3A_13 = tpu.memref_squeeze %dma_start3A_12 : memref<1x1x64xi32, #tpu.memory_space<vmem>> -> memref<64xi32, #tpu.memory_space<vmem>>
    %dma_start3A_14 = arith.constant 0 : i32
    %dma_start3A_15 = arith.constant 0 : i32
    %dma_start3A_16 = tpu.memref_slice %arg2[%dma_start3A_14, %dma_start3A_15] : memref<10000x128xf32, #tpu.memory_space<hbm>> -> memref<10000x128xf32, #tpu.memory_space<hbm>>
    tpu.enqueue_indirect_dma source(%dma_start3A_16 : memref<10000x128xf32, #tpu.memory_space<hbm>>) target(%dma_start3A_10 : memref<64x128xf32, #tpu.memory_space<vmem>>) offsets(%dma_start3A_13 : memref<64xi32, #tpu.memory_space<vmem>>) semaphore(%arg9 : memref<!tpu.dma_semaphore, #tpu.memory_space<semaphore_mem>>)
    %div3A_17 = arith.constant 1 : i32
    %div3A_18 = arith.constant 32 : i32
    %div3A_19 = arith.divsi %div3A_17, %div3A_18 : i32
    %rem3A_20 = arith.constant 2 : i32
    %rem3A_21 = arith.remsi %div3A_19, %rem3A_20 : i32
    %rem3A_22 = arith.constant 1 : i32
    %rem3A_23 = arith.constant 32 : i32
    %rem3A_24 = arith.remsi %rem3A_22, %rem3A_23 : i32
    %dma_start3A_25 = arith.constant 1 : i32
    %dma_start3A_26 = arith.constant 0 : i32
    %dma_start3A_27 = arith.constant 0 : i32
    %dma_start3A_28 = tpu.memref_slice %arg7[%dma_start3A_25, %dma_start3A_26, %dma_start3A_27] : memref<3x64x128xf32, #tpu.memory_space<vmem>> -> memref<1x64x128xf32, #tpu.memory_space<vmem>>
    %dma_start3A_29 = tpu.memref_squeeze %dma_start3A_28 : memref<1x64x128xf32, #tpu.memory_space<vmem>> -> memref<64x128xf32, #tpu.memory_space<vmem>>
    %dma_start3A_30 = arith.constant 0 : i32
    %dma_start3A_31 = tpu.memref_slice %arg6[%rem3A_21, %rem3A_24, %dma_start3A_30] : memref<2x64x64xi32, #tpu.memory_space<vmem>> -> memref<1x1x64xi32, #tpu.memory_space<vmem>>
    %dma_start3A_32 = tpu.memref_squeeze %dma_start3A_31 : memref<1x1x64xi32, #tpu.memory_space<vmem>> -> memref<64xi32, #tpu.memory_space<vmem>>
    %dma_start3A_33 = arith.constant 0 : i32
    %dma_start3A_34 = arith.constant 0 : i32
    %dma_start3A_35 = tpu.memref_slice %arg2[%dma_start3A_33, %dma_start3A_34] : memref<10000x128xf32, #tpu.memory_space<hbm>> -> memref<10000x128xf32, #tpu.memory_space<hbm>>
    tpu.enqueue_indirect_dma source(%dma_start3A_35 : memref<10000x128xf32, #tpu.memory_space<hbm>>) target(%dma_start3A_29 : memref<64x128xf32, #tpu.memory_space<vmem>>) offsets(%dma_start3A_32 : memref<64xi32, #tpu.memory_space<vmem>>) semaphore(%arg9 : memref<!tpu.dma_semaphore, #tpu.memory_space<semaphore_mem>>)
    %broadcast_in_dim3A = arith.constant 0.000000e+00 : f32
    %broadcast_in_dim3A_36 = vector.broadcast %broadcast_in_dim3A : f32 to vector<16xf32>
    %scan3A = arith.constant 0 : i32
    %scan3A_37 = arith.constant 2 : i32
    %scan3A_38 = arith.constant 0 : i32
    %scan3A_39 = arith.constant 512 : i32
    %scan3A_40 = arith.addi %scan3A_38, %scan3A_39 : i32
    %scan3A_41 = arith.constant 1 : i32
    scf.for %scan3A_273 = %scan3A_38 to %scan3A_40 step %scan3A_41  : i32 {
      %jit3A = arith.constant 8 : i32
      %div3A_274 = arith.divsi %scan3A_273, %jit3A : i32
      %sign3A = arith.constant 0 : i32
      %sign3A_275 = arith.cmpi sgt, %scan3A_273, %sign3A : i32
      %sign3A_276 = arith.extui %sign3A_275 : i1 to i32
      %sign3A_277 = arith.constant 0 : i32
      %sign3A_278 = arith.cmpi slt, %scan3A_273, %sign3A_277 : i32
      %sign3A_279 = arith.extui %sign3A_278 : i1 to i32
      %sign3A_280 = arith.subi %sign3A_276, %sign3A_279 : i32
      %sign3A_281 = arith.constant 0 : i32
      %sign3A_282 = arith.cmpi sgt, %jit3A, %sign3A_281 : i32
      %sign3A_283 = arith.extui %sign3A_282 : i1 to i32
      %sign3A_284 = arith.constant 0 : i32
      %sign3A_285 = arith.cmpi slt, %jit3A, %sign3A_284 : i32
      %sign3A_286 = arith.extui %sign3A_285 : i1 to i32
      %sign3A_287 = arith.subi %sign3A_283, %sign3A_286 : i32
      %ne3A = arith.cmpi ne, %sign3A_280, %sign3A_287 : i32
      %rem3A_288 = arith.remsi %scan3A_273, %jit3A : i32
      %ne3A_289 = arith.constant 0 : i32
      %ne3A_290 = arith.cmpi ne, %rem3A_288, %ne3A_289 : i32
      %and3A = arith.andi %ne3A, %ne3A_290 : i1
      %sub3A = arith.constant 1 : i32
      %sub3A_291 = arith.subi %div3A_274, %sub3A : i32
      %select_n3A = arith.select %and3A, %sub3A_291, %div3A_274 : i32
      %jit3A_292 = arith.constant 8 : i32
      %eq3A = arith.constant 0 : i32
      %eq3A_293 = arith.cmpi eq, %jit3A_292, %eq3A : i32
      %jit3A_294 = arith.constant 1 : i32
      %select_n3A_295 = arith.select %eq3A_293, %jit3A_294, %jit3A_292 : i32
      %rem3A_296 = arith.remsi %scan3A_273, %select_n3A_295 : i32
      %ne3A_297 = arith.constant 0 : i32
      %ne3A_298 = arith.cmpi ne, %rem3A_296, %ne3A_297 : i32
      %lt3A = arith.constant 0 : i32
      %lt3A_299 = arith.cmpi slt, %rem3A_296, %lt3A : i32
      %lt3A_300 = arith.constant 0 : i32
      %lt3A_301 = arith.cmpi slt, %select_n3A_295, %lt3A_300 : i32
      %ne3A_302 = arith.xori %lt3A_299, %lt3A_301 : i1
      %and3A_303 = arith.andi %ne3A_302, %ne3A_298 : i1
      %add3A_304 = arith.addi %rem3A_296, %select_n3A_295 : i32
      %select_n3A_305 = arith.select %and3A_303, %add3A_304, %rem3A_296 : i32
      %mul3A_306 = arith.constant 16 : i32
      %mul3A_307 = arith.muli %select_n3A_305, %mul3A_306 : i32
      %swap3A = arith.constant 0 : i32
      %swap3A_308 = arith.constant 0 : i32
      %swap3A_309 = tpu.memref_slice %arg7[%scan3A_37, %swap3A, %swap3A_308] : memref<3x64x128xf32, #tpu.memory_space<vmem>> -> memref<1x64x128xf32, #tpu.memory_space<vmem>>
      %swap3A_310 = tpu.memref_squeeze %swap3A_309 : memref<1x64x128xf32, #tpu.memory_space<vmem>> -> memref<64x128xf32, #tpu.memory_space<vmem>>
      %swap3A_311 = arith.index_cast %select_n3A : i32 to index
      %swap3A_312 = arith.index_cast %mul3A_307 : i32 to index
      %swap3A_313 = tpu.vector_load %swap3A_310[%swap3A_311, %swap3A_312] {strides = array<i32>} : memref<64x128xf32, #tpu.memory_space<vmem>>, vector<1x16xf32>,
      %swap3A_314 = vector.shape_cast %swap3A_313 : vector<1x16xf32> to vector<16xf32>
      %swap3A_315 = vector.shape_cast %broadcast_in_dim3A_36 : vector<16xf32> to vector<1x16xf32>
      tpu.vector_store %swap3A_310[%swap3A_311, %swap3A_312], %swap3A_315 {strides = array<i32>} : memref<64x128xf32, #tpu.memory_space<vmem>>, vector<1x16xf32>,
    }
    %scan3A_42 = arith.constant 512 : i32
    %mul3A = arith.constant 640 : i32
    %mul3A_43 = arith.muli %arg1, %mul3A : i32
    %add3A = arith.constant 0 : i32
    %add3A_44 = arith.addi %mul3A_43, %add3A : i32
    %run_scoped3A_45 = arith.constant 2 : i32
    "tpu.region"() ({
      %run_scoped3A_273 = tpu.sem_alloc : memref<!tpu.dma_semaphore, #tpu.memory_space<semaphore_mem>>
      %dma_start3A_274 = arith.constant 0 : i32
      %dma_start3A_275 = arith.constant 0 : i32
      %dma_start3A_276 = tpu.memref_slice %arg7[%run_scoped3A_45, %dma_start3A_274, %dma_start3A_275] : memref<3x64x128xf32, #tpu.memory_space<vmem>> -> memref<1x64x128xf32, #tpu.memory_space<vmem>>
      %dma_start3A_277 = tpu.memref_squeeze %dma_start3A_276 : memref<1x64x128xf32, #tpu.memory_space<vmem>> -> memref<64x128xf32, #tpu.memory_space<vmem>>
      %dma_start3A_278 = arith.constant 0 : i32
      %dma_start3A_279 = tpu.memref_slice %arg8[%add3A_44, %dma_start3A_278] : memref<10240x128xf32, #tpu.memory_space<vmem_shared>> -> memref<64x128xf32, #tpu.memory_space<vmem_shared>>
      %dma_start3A_280 = arith.constant 0 : i32
      %dma_start3A_281 = tpu.memref_slice %arg8[%add3A_44, %dma_start3A_280] : memref<10240x128xf32, #tpu.memory_space<vmem_shared>> -> memref<64x128xf32, #tpu.memory_space<vmem_shared>>
      %dma_start3A_282 = arith.constant 0 : i32
      %dma_start3A_283 = arith.constant 0 : i32
      %dma_start3A_284 = tpu.memref_slice %arg7[%run_scoped3A_45, %dma_start3A_282, %dma_start3A_283] : memref<3x64x128xf32, #tpu.memory_space<vmem>> -> memref<1x64x128xf32, #tpu.memory_space<vmem>>
      %dma_start3A_285 = tpu.memref_squeeze %dma_start3A_284 : memref<1x64x128xf32, #tpu.memory_space<vmem>> -> memref<64x128xf32, #tpu.memory_space<vmem>>
      tpu.enqueue_dma source(%dma_start3A_285 : memref<64x128xf32, #tpu.memory_space<vmem>>) target(%dma_start3A_281 : memref<64x128xf32, #tpu.memory_space<vmem_shared>>) target_semaphore(%run_scoped3A_273 : memref<!tpu.dma_semaphore, #tpu.memory_space<semaphore_mem>>)
      %dma_wait3A_286 = arith.constant 0 : i32
      %dma_wait3A_287 = arith.constant 0 : i32
      %dma_wait3A_288 = tpu.memref_slice %arg7[%run_scoped3A_45, %dma_wait3A_286, %dma_wait3A_287] : memref<3x64x128xf32, #tpu.memory_space<vmem>> -> memref<1x64x128xf32, #tpu.memory_space<vmem>>
      %dma_wait3A_289 = tpu.memref_squeeze %dma_wait3A_288 : memref<1x64x128xf32, #tpu.memory_space<vmem>> -> memref<64x128xf32, #tpu.memory_space<vmem>>
      %dma_wait3A_290 = arith.constant 0 : i32
      %dma_wait3A_291 = tpu.memref_slice %arg8[%add3A_44, %dma_wait3A_290] : memref<10240x128xf32, #tpu.memory_space<vmem_shared>> -> memref<64x128xf32, #tpu.memory_space<vmem_shared>>
      %dma_wait3A_292 = arith.constant 0 : i32
      %dma_wait3A_293 = tpu.memref_slice %arg8[%add3A_44, %dma_wait3A_292] : memref<10240x128xf32, #tpu.memory_space<vmem_shared>> -> memref<64x128xf32, #tpu.memory_space<vmem_shared>>
      %dma_wait3A_294 = arith.constant 0 : i32
      %dma_wait3A_295 = arith.constant 0 : i32
      %dma_wait3A_296 = tpu.memref_slice %arg7[%run_scoped3A_45, %dma_wait3A_294, %dma_wait3A_295] : memref<3x64x128xf32, #tpu.memory_space<vmem>> -> memref<1x64x128xf32, #tpu.memory_space<vmem>>
      %dma_wait3A_297 = tpu.memref_squeeze %dma_wait3A_296 : memref<1x64x128xf32, #tpu.memory_space<vmem>> -> memref<64x128xf32, #tpu.memory_space<vmem>>
      tpu.wait_dma2 semaphore(%run_scoped3A_273 : memref<!tpu.dma_semaphore, #tpu.memory_space<semaphore_mem>>) src(%dma_wait3A_297 : memref<64x128xf32, #tpu.memory_space<vmem>>) dst(%dma_wait3A_293 : memref<64x128xf32, #tpu.memory_space<vmem_shared>>)
      tpu.yield
    }) : () -> ()
    %mul3A_46 = arith.constant 640 : i32
    %mul3A_47 = arith.muli %arg1, %mul3A_46 : i32
    %add3A_48 = arith.constant 64 : i32
    %add3A_49 = arith.addi %mul3A_47, %add3A_48 : i32
    %run_scoped3A_50 = arith.constant 2 : i32
    "tpu.region"() ({
      %run_scoped3A_273 = tpu.sem_alloc : memref<!tpu.dma_semaphore, #tpu.memory_space<semaphore_mem>>
      %dma_start3A_274 = arith.constant 0 : i32
      %dma_start3A_275 = arith.constant 0 : i32
      %dma_start3A_276 = tpu.memref_slice %arg7[%run_scoped3A_50, %dma_start3A_274, %dma_start3A_275] : memref<3x64x128xf32, #tpu.memory_space<vmem>> -> memref<1x64x128xf32, #tpu.memory_space<vmem>>
      %dma_start3A_277 = tpu.memref_squeeze %dma_start3A_276 : memref<1x64x128xf32, #tpu.memory_space<vmem>> -> memref<64x128xf32, #tpu.memory_space<vmem>>
      %dma_start3A_278 = arith.constant 0 : i32
      %dma_start3A_279 = tpu.memref_slice %arg8[%add3A_49, %dma_start3A_278] : memref<10240x128xf32, #tpu.memory_space<vmem_shared>> -> memref<64x128xf32, #tpu.memory_space<vmem_shared>>
      %dma_start3A_280 = arith.constant 0 : i32
      %dma_start3A_281 = tpu.memref_slice %arg8[%add3A_49, %dma_start3A_280] : memref<10240x128xf32, #tpu.memory_space<vmem_shared>> -> memref<64x128xf32, #tpu.memory_space<vmem_shared>>
      %dma_start3A_282 = arith.constant 0 : i32
      %dma_start3A_283 = arith.constant 0 : i32
      %dma_start3A_284 = tpu.memref_slice %arg7[%run_scoped3A_50, %dma_start3A_282, %dma_start3A_283] : memref<3x64x128xf32, #tpu.memory_space<vmem>> -> memref<1x64x128xf32, #tpu.memory_space<vmem>>
      %dma_start3A_285 = tpu.memref_squeeze %dma_start3A_284 : memref<1x64x128xf32, #tpu.memory_space<vmem>> -> memref<64x128xf32, #tpu.memory_space<vmem>>
      tpu.enqueue_dma source(%dma_start3A_285 : memref<64x128xf32, #tpu.memory_space<vmem>>) target(%dma_start3A_281 : memref<64x128xf32, #tpu.memory_space<vmem_shared>>) target_semaphore(%run_scoped3A_273 : memref<!tpu.dma_semaphore, #tpu.memory_space<semaphore_mem>>)
      %dma_wait3A_286 = arith.constant 0 : i32
      %dma_wait3A_287 = arith.constant 0 : i32
      %dma_wait3A_288 = tpu.memref_slice %arg7[%run_scoped3A_50, %dma_wait3A_286, %dma_wait3A_287] : memref<3x64x128xf32, #tpu.memory_space<vmem>> -> memref<1x64x128xf32, #tpu.memory_space<vmem>>
      %dma_wait3A_289 = tpu.memref_squeeze %dma_wait3A_288 : memref<1x64x128xf32, #tpu.memory_space<vmem>> -> memref<64x128xf32, #tpu.memory_space<vmem>>
      %dma_wait3A_290 = arith.constant 0 : i32
      %dma_wait3A_291 = tpu.memref_slice %arg8[%add3A_49, %dma_wait3A_290] : memref<10240x128xf32, #tpu.memory_space<vmem_shared>> -> memref<64x128xf32, #tpu.memory_space<vmem_shared>>
      %dma_wait3A_292 = arith.constant 0 : i32
      %dma_wait3A_293 = tpu.memref_slice %arg8[%add3A_49, %dma_wait3A_292] : memref<10240x128xf32, #tpu.memory_space<vmem_shared>> -> memref<64x128xf32, #tpu.memory_space<vmem_shared>>
      %dma_wait3A_294 = arith.constant 0 : i32
      %dma_wait3A_295 = arith.constant 0 : i32
      %dma_wait3A_296 = tpu.memref_slice %arg7[%run_scoped3A_50, %dma_wait3A_294, %dma_wait3A_295] : memref<3x64x128xf32, #tpu.memory_space<vmem>> -> memref<1x64x128xf32, #tpu.memory_space<vmem>>
      %dma_wait3A_297 = tpu.memref_squeeze %dma_wait3A_296 : memref<1x64x128xf32, #tpu.memory_space<vmem>> -> memref<64x128xf32, #tpu.memory_space<vmem>>
      tpu.wait_dma2 semaphore(%run_scoped3A_273 : memref<!tpu.dma_semaphore, #tpu.memory_space<semaphore_mem>>) src(%dma_wait3A_297 : memref<64x128xf32, #tpu.memory_space<vmem>>) dst(%dma_wait3A_293 : memref<64x128xf32, #tpu.memory_space<vmem_shared>>)
      tpu.yield
    }) : () -> ()
    %mul3A_51 = arith.constant 640 : i32
    %mul3A_52 = arith.muli %arg1, %mul3A_51 : i32
    %add3A_53 = arith.constant 128 : i32
    %add3A_54 = arith.addi %mul3A_52, %add3A_53 : i32
    %run_scoped3A_55 = arith.constant 2 : i32
    "tpu.region"() ({
      %run_scoped3A_273 = tpu.sem_alloc : memref<!tpu.dma_semaphore, #tpu.memory_space<semaphore_mem>>
      %dma_start3A_274 = arith.constant 0 : i32
      %dma_start3A_275 = arith.constant 0 : i32
      %dma_start3A_276 = tpu.memref_slice %arg7[%run_scoped3A_55, %dma_start3A_274, %dma_start3A_275] : memref<3x64x128xf32, #tpu.memory_space<vmem>> -> memref<1x64x128xf32, #tpu.memory_space<vmem>>
      %dma_start3A_277 = tpu.memref_squeeze %dma_start3A_276 : memref<1x64x128xf32, #tpu.memory_space<vmem>> -> memref<64x128xf32, #tpu.memory_space<vmem>>
      %dma_start3A_278 = arith.constant 0 : i32
      %dma_start3A_279 = tpu.memref_slice %arg8[%add3A_54, %dma_start3A_278] : memref<10240x128xf32, #tpu.memory_space<vmem_shared>> -> memref<64x128xf32, #tpu.memory_space<vmem_shared>>
      %dma_start3A_280 = arith.constant 0 : i32
      %dma_start3A_281 = tpu.memref_slice %arg8[%add3A_54, %dma_start3A_280] : memref<10240x128xf32, #tpu.memory_space<vmem_shared>> -> memref<64x128xf32, #tpu.memory_space<vmem_shared>>
      %dma_start3A_282 = arith.constant 0 : i32
      %dma_start3A_283 = arith.constant 0 : i32
      %dma_start3A_284 = tpu.memref_slice %arg7[%run_scoped3A_55, %dma_start3A_282, %dma_start3A_283] : memref<3x64x128xf32, #tpu.memory_space<vmem>> -> memref<1x64x128xf32, #tpu.memory_space<vmem>>
      %dma_start3A_285 = tpu.memref_squeeze %dma_start3A_284 : memref<1x64x128xf32, #tpu.memory_space<vmem>> -> memref<64x128xf32, #tpu.memory_space<vmem>>
      tpu.enqueue_dma source(%dma_start3A_285 : memref<64x128xf32, #tpu.memory_space<vmem>>) target(%dma_start3A_281 : memref<64x128xf32, #tpu.memory_space<vmem_shared>>) target_semaphore(%run_scoped3A_273 : memref<!tpu.dma_semaphore, #tpu.memory_space<semaphore_mem>>)
      %dma_wait3A_286 = arith.constant 0 : i32
      %dma_wait3A_287 = arith.constant 0 : i32
      %dma_wait3A_288 = tpu.memref_slice %arg7[%run_scoped3A_55, %dma_wait3A_286, %dma_wait3A_287] : memref<3x64x128xf32, #tpu.memory_space<vmem>> -> memref<1x64x128xf32, #tpu.memory_space<vmem>>
      %dma_wait3A_289 = tpu.memref_squeeze %dma_wait3A_288 : memref<1x64x128xf32, #tpu.memory_space<vmem>> -> memref<64x128xf32, #tpu.memory_space<vmem>>
      %dma_wait3A_290 = arith.constant 0 : i32
      %dma_wait3A_291 = tpu.memref_slice %arg8[%add3A_54, %dma_wait3A_290] : memref<10240x128xf32, #tpu.memory_space<vmem_shared>> -> memref<64x128xf32, #tpu.memory_space<vmem_shared>>
      %dma_wait3A_292 = arith.constant 0 : i32
      %dma_wait3A_293 = tpu.memref_slice %arg8[%add3A_54, %dma_wait3A_292] : memref<10240x128xf32, #tpu.memory_space<vmem_shared>> -> memref<64x128xf32, #tpu.memory_space<vmem_shared>>
      %dma_wait3A_294 = arith.constant 0 : i32
      %dma_wait3A_295 = arith.constant 0 : i32
      %dma_wait3A_296 = tpu.memref_slice %arg7[%run_scoped3A_55, %dma_wait3A_294, %dma_wait3A_295] : memref<3x64x128xf32, #tpu.memory_space<vmem>> -> memref<1x64x128xf32, #tpu.memory_space<vmem>>
      %dma_wait3A_297 = tpu.memref_squeeze %dma_wait3A_296 : memref<1x64x128xf32, #tpu.memory_space<vmem>> -> memref<64x128xf32, #tpu.memory_space<vmem>>
      tpu.wait_dma2 semaphore(%run_scoped3A_273 : memref<!tpu.dma_semaphore, #tpu.memory_space<semaphore_mem>>) src(%dma_wait3A_297 : memref<64x128xf32, #tpu.memory_space<vmem>>) dst(%dma_wait3A_293 : memref<64x128xf32, #tpu.memory_space<vmem_shared>>)
      tpu.yield
    }) : () -> ()
    %mul3A_56 = arith.constant 640 : i32
    %mul3A_57 = arith.muli %arg1, %mul3A_56 : i32
    %add3A_58 = arith.constant 192 : i32
    %add3A_59 = arith.addi %mul3A_57, %add3A_58 : i32
    %run_scoped3A_60 = arith.constant 2 : i32
    "tpu.region"() ({
      %run_scoped3A_273 = tpu.sem_alloc : memref<!tpu.dma_semaphore, #tpu.memory_space<semaphore_mem>>
      %dma_start3A_274 = arith.constant 0 : i32
      %dma_start3A_275 = arith.constant 0 : i32
      %dma_start3A_276 = tpu.memref_slice %arg7[%run_scoped3A_60, %dma_start3A_274, %dma_start3A_275] : memref<3x64x128xf32, #tpu.memory_space<vmem>> -> memref<1x64x128xf32, #tpu.memory_space<vmem>>
      %dma_start3A_277 = tpu.memref_squeeze %dma_start3A_276 : memref<1x64x128xf32, #tpu.memory_space<vmem>> -> memref<64x128xf32, #tpu.memory_space<vmem>>
      %dma_start3A_278 = arith.constant 0 : i32
      %dma_start3A_279 = tpu.memref_slice %arg8[%add3A_59, %dma_start3A_278] : memref<10240x128xf32, #tpu.memory_space<vmem_shared>> -> memref<64x128xf32, #tpu.memory_space<vmem_shared>>
      %dma_start3A_280 = arith.constant 0 : i32
      %dma_start3A_281 = tpu.memref_slice %arg8[%add3A_59, %dma_start3A_280] : memref<10240x128xf32, #tpu.memory_space<vmem_shared>> -> memref<64x128xf32, #tpu.memory_space<vmem_shared>>
      %dma_start3A_282 = arith.constant 0 : i32
      %dma_start3A_283 = arith.constant 0 : i32
      %dma_start3A_284 = tpu.memref_slice %arg7[%run_scoped3A_60, %dma_start3A_282, %dma_start3A_283] : memref<3x64x128xf32, #tpu.memory_space<vmem>> -> memref<1x64x128xf32, #tpu.memory_space<vmem>>
      %dma_start3A_285 = tpu.memref_squeeze %dma_start3A_284 : memref<1x64x128xf32, #tpu.memory_space<vmem>> -> memref<64x128xf32, #tpu.memory_space<vmem>>
      tpu.enqueue_dma source(%dma_start3A_285 : memref<64x128xf32, #tpu.memory_space<vmem>>) target(%dma_start3A_281 : memref<64x128xf32, #tpu.memory_space<vmem_shared>>) target_semaphore(%run_scoped3A_273 : memref<!tpu.dma_semaphore, #tpu.memory_space<semaphore_mem>>)
      %dma_wait3A_286 = arith.constant 0 : i32
      %dma_wait3A_287 = arith.constant 0 : i32
      %dma_wait3A_288 = tpu.memref_slice %arg7[%run_scoped3A_60, %dma_wait3A_286, %dma_wait3A_287] : memref<3x64x128xf32, #tpu.memory_space<vmem>> -> memref<1x64x128xf32, #tpu.memory_space<vmem>>
      %dma_wait3A_289 = tpu.memref_squeeze %dma_wait3A_288 : memref<1x64x128xf32, #tpu.memory_space<vmem>> -> memref<64x128xf32, #tpu.memory_space<vmem>>
      %dma_wait3A_290 = arith.constant 0 : i32
      %dma_wait3A_291 = tpu.memref_slice %arg8[%add3A_59, %dma_wait3A_290] : memref<10240x128xf32, #tpu.memory_space<vmem_shared>> -> memref<64x128xf32, #tpu.memory_space<vmem_shared>>
      %dma_wait3A_292 = arith.constant 0 : i32
      %dma_wait3A_293 = tpu.memref_slice %arg8[%add3A_59, %dma_wait3A_292] : memref<10240x128xf32, #tpu.memory_space<vmem_shared>> -> memref<64x128xf32, #tpu.memory_space<vmem_shared>>
      %dma_wait3A_294 = arith.constant 0 : i32
      %dma_wait3A_295 = arith.constant 0 : i32
      %dma_wait3A_296 = tpu.memref_slice %arg7[%run_scoped3A_60, %dma_wait3A_294, %dma_wait3A_295] : memref<3x64x128xf32, #tpu.memory_space<vmem>> -> memref<1x64x128xf32, #tpu.memory_space<vmem>>
      %dma_wait3A_297 = tpu.memref_squeeze %dma_wait3A_296 : memref<1x64x128xf32, #tpu.memory_space<vmem>> -> memref<64x128xf32, #tpu.memory_space<vmem>>
      tpu.wait_dma2 semaphore(%run_scoped3A_273 : memref<!tpu.dma_semaphore, #tpu.memory_space<semaphore_mem>>) src(%dma_wait3A_297 : memref<64x128xf32, #tpu.memory_space<vmem>>) dst(%dma_wait3A_293 : memref<64x128xf32, #tpu.memory_space<vmem_shared>>)
      tpu.yield
    }) : () -> ()
    %mul3A_61 = arith.constant 640 : i32
    %mul3A_62 = arith.muli %arg1, %mul3A_61 : i32
    %add3A_63 = arith.constant 256 : i32
    %add3A_64 = arith.addi %mul3A_62, %add3A_63 : i32
    %run_scoped3A_65 = arith.constant 2 : i32
    "tpu.region"() ({
      %run_scoped3A_273 = tpu.sem_alloc : memref<!tpu.dma_semaphore, #tpu.memory_space<semaphore_mem>>
      %dma_start3A_274 = arith.constant 0 : i32
      %dma_start3A_275 = arith.constant 0 : i32
      %dma_start3A_276 = tpu.memref_slice %arg7[%run_scoped3A_65, %dma_start3A_274, %dma_start3A_275] : memref<3x64x128xf32, #tpu.memory_space<vmem>> -> memref<1x64x128xf32, #tpu.memory_space<vmem>>
      %dma_start3A_277 = tpu.memref_squeeze %dma_start3A_276 : memref<1x64x128xf32, #tpu.memory_space<vmem>> -> memref<64x128xf32, #tpu.memory_space<vmem>>
      %dma_start3A_278 = arith.constant 0 : i32
      %dma_start3A_279 = tpu.memref_slice %arg8[%add3A_64, %dma_start3A_278] : memref<10240x128xf32, #tpu.memory_space<vmem_shared>> -> memref<64x128xf32, #tpu.memory_space<vmem_shared>>
      %dma_start3A_280 = arith.constant 0 : i32
      %dma_start3A_281 = tpu.memref_slice %arg8[%add3A_64, %dma_start3A_280] : memref<10240x128xf32, #tpu.memory_space<vmem_shared>> -> memref<64x128xf32, #tpu.memory_space<vmem_shared>>
      %dma_start3A_282 = arith.constant 0 : i32
      %dma_start3A_283 = arith.constant 0 : i32
      %dma_start3A_284 = tpu.memref_slice %arg7[%run_scoped3A_65, %dma_start3A_282, %dma_start3A_283] : memref<3x64x128xf32, #tpu.memory_space<vmem>> -> memref<1x64x128xf32, #tpu.memory_space<vmem>>
      %dma_start3A_285 = tpu.memref_squeeze %dma_start3A_284 : memref<1x64x128xf32, #tpu.memory_space<vmem>> -> memref<64x128xf32, #tpu.memory_space<vmem>>
      tpu.enqueue_dma source(%dma_start3A_285 : memref<64x128xf32, #tpu.memory_space<vmem>>) target(%dma_start3A_281 : memref<64x128xf32, #tpu.memory_space<vmem_shared>>) target_semaphore(%run_scoped3A_273 : memref<!tpu.dma_semaphore, #tpu.memory_space<semaphore_mem>>)
      %dma_wait3A_286 = arith.constant 0 : i32
      %dma_wait3A_287 = arith.constant 0 : i32
      %dma_wait3A_288 = tpu.memref_slice %arg7[%run_scoped3A_65, %dma_wait3A_286, %dma_wait3A_287] : memref<3x64x128xf32, #tpu.memory_space<vmem>> -> memref<1x64x128xf32, #tpu.memory_space<vmem>>
      %dma_wait3A_289 = tpu.memref_squeeze %dma_wait3A_288 : memref<1x64x128xf32, #tpu.memory_space<vmem>> -> memref<64x128xf32, #tpu.memory_space<vmem>>
      %dma_wait3A_290 = arith.constant 0 : i32
      %dma_wait3A_291 = tpu.memref_slice %arg8[%add3A_64, %dma_wait3A_290] : memref<10240x128xf32, #tpu.memory_space<vmem_shared>> -> memref<64x128xf32, #tpu.memory_space<vmem_shared>>
      %dma_wait3A_292 = arith.constant 0 : i32
      %dma_wait3A_293 = tpu.memref_slice %arg8[%add3A_64, %dma_wait3A_292] : memref<10240x128xf32, #tpu.memory_space<vmem_shared>> -> memref<64x128xf32, #tpu.memory_space<vmem_shared>>
      %dma_wait3A_294 = arith.constant 0 : i32
      %dma_wait3A_295 = arith.constant 0 : i32
      %dma_wait3A_296 = tpu.memref_slice %arg7[%run_scoped3A_65, %dma_wait3A_294, %dma_wait3A_295] : memref<3x64x128xf32, #tpu.memory_space<vmem>> -> memref<1x64x128xf32, #tpu.memory_space<vmem>>
      %dma_wait3A_297 = tpu.memref_squeeze %dma_wait3A_296 : memref<1x64x128xf32, #tpu.memory_space<vmem>> -> memref<64x128xf32, #tpu.memory_space<vmem>>
      tpu.wait_dma2 semaphore(%run_scoped3A_273 : memref<!tpu.dma_semaphore, #tpu.memory_space<semaphore_mem>>) src(%dma_wait3A_297 : memref<64x128xf32, #tpu.memory_space<vmem>>) dst(%dma_wait3A_293 : memref<64x128xf32, #tpu.memory_space<vmem_shared>>)
      tpu.yield
    }) : () -> ()
    %mul3A_66 = arith.constant 640 : i32
    %mul3A_67 = arith.muli %arg1, %mul3A_66 : i32
    %add3A_68 = arith.constant 320 : i32
    %add3A_69 = arith.addi %mul3A_67, %add3A_68 : i32
    %run_scoped3A_70 = arith.constant 2 : i32
    "tpu.region"() ({
      %run_scoped3A_273 = tpu.sem_alloc : memref<!tpu.dma_semaphore, #tpu.memory_space<semaphore_mem>>
      %dma_start3A_274 = arith.constant 0 : i32
      %dma_start3A_275 = arith.constant 0 : i32
      %dma_start3A_276 = tpu.memref_slice %arg7[%run_scoped3A_70, %dma_start3A_274, %dma_start3A_275] : memref<3x64x128xf32, #tpu.memory_space<vmem>> -> memref<1x64x128xf32, #tpu.memory_space<vmem>>
      %dma_start3A_277 = tpu.memref_squeeze %dma_start3A_276 : memref<1x64x128xf32, #tpu.memory_space<vmem>> -> memref<64x128xf32, #tpu.memory_space<vmem>>
      %dma_start3A_278 = arith.constant 0 : i32
      %dma_start3A_279 = tpu.memref_slice %arg8[%add3A_69, %dma_start3A_278] : memref<10240x128xf32, #tpu.memory_space<vmem_shared>> -> memref<64x128xf32, #tpu.memory_space<vmem_shared>>
      %dma_start3A_280 = arith.constant 0 : i32
      %dma_start3A_281 = tpu.memref_slice %arg8[%add3A_69, %dma_start3A_280] : memref<10240x128xf32, #tpu.memory_space<vmem_shared>> -> memref<64x128xf32, #tpu.memory_space<vmem_shared>>
      %dma_start3A_282 = arith.constant 0 : i32
      %dma_start3A_283 = arith.constant 0 : i32
      %dma_start3A_284 = tpu.memref_slice %arg7[%run_scoped3A_70, %dma_start3A_282, %dma_start3A_283] : memref<3x64x128xf32, #tpu.memory_space<vmem>> -> memref<1x64x128xf32, #tpu.memory_space<vmem>>
      %dma_start3A_285 = tpu.memref_squeeze %dma_start3A_284 : memref<1x64x128xf32, #tpu.memory_space<vmem>> -> memref<64x128xf32, #tpu.memory_space<vmem>>
      tpu.enqueue_dma source(%dma_start3A_285 : memref<64x128xf32, #tpu.memory_space<vmem>>) target(%dma_start3A_281 : memref<64x128xf32, #tpu.memory_space<vmem_shared>>) target_semaphore(%run_scoped3A_273 : memref<!tpu.dma_semaphore, #tpu.memory_space<semaphore_mem>>)
      %dma_wait3A_286 = arith.constant 0 : i32
      %dma_wait3A_287 = arith.constant 0 : i32
      %dma_wait3A_288 = tpu.memref_slice %arg7[%run_scoped3A_70, %dma_wait3A_286, %dma_wait3A_287] : memref<3x64x128xf32, #tpu.memory_space<vmem>> -> memref<1x64x128xf32, #tpu.memory_space<vmem>>
      %dma_wait3A_289 = tpu.memref_squeeze %dma_wait3A_288 : memref<1x64x128xf32, #tpu.memory_space<vmem>> -> memref<64x128xf32, #tpu.memory_space<vmem>>
      %dma_wait3A_290 = arith.constant 0 : i32
      %dma_wait3A_291 = tpu.memref_slice %arg8[%add3A_69, %dma_wait3A_290] : memref<10240x128xf32, #tpu.memory_space<vmem_shared>> -> memref<64x128xf32, #tpu.memory_space<vmem_shared>>
      %dma_wait3A_292 = arith.constant 0 : i32
      %dma_wait3A_293 = tpu.memref_slice %arg8[%add3A_69, %dma_wait3A_292] : memref<10240x128xf32, #tpu.memory_space<vmem_shared>> -> memref<64x128xf32, #tpu.memory_space<vmem_shared>>
      %dma_wait3A_294 = arith.constant 0 : i32
      %dma_wait3A_295 = arith.constant 0 : i32
      %dma_wait3A_296 = tpu.memref_slice %arg7[%run_scoped3A_70, %dma_wait3A_294, %dma_wait3A_295] : memref<3x64x128xf32, #tpu.memory_space<vmem>> -> memref<1x64x128xf32, #tpu.memory_space<vmem>>
      %dma_wait3A_297 = tpu.memref_squeeze %dma_wait3A_296 : memref<1x64x128xf32, #tpu.memory_space<vmem>> -> memref<64x128xf32, #tpu.memory_space<vmem>>
      tpu.wait_dma2 semaphore(%run_scoped3A_273 : memref<!tpu.dma_semaphore, #tpu.memory_space<semaphore_mem>>) src(%dma_wait3A_297 : memref<64x128xf32, #tpu.memory_space<vmem>>) dst(%dma_wait3A_293 : memref<64x128xf32, #tpu.memory_space<vmem_shared>>)
      tpu.yield
    }) : () -> ()
    %mul3A_71 = arith.constant 640 : i32
    %mul3A_72 = arith.muli %arg1, %mul3A_71 : i32
    %add3A_73 = arith.constant 384 : i32
    %add3A_74 = arith.addi %mul3A_72, %add3A_73 : i32
    %run_scoped3A_75 = arith.constant 2 : i32
    "tpu.region"() ({
      %run_scoped3A_273 = tpu.sem_alloc : memref<!tpu.dma_semaphore, #tpu.memory_space<semaphore_mem>>
      %dma_start3A_274 = arith.constant 0 : i32
      %dma_start3A_275 = arith.constant 0 : i32
      %dma_start3A_276 = tpu.memref_slice %arg7[%run_scoped3A_75, %dma_start3A_274, %dma_start3A_275] : memref<3x64x128xf32, #tpu.memory_space<vmem>> -> memref<1x64x128xf32, #tpu.memory_space<vmem>>
      %dma_start3A_277 = tpu.memref_squeeze %dma_start3A_276 : memref<1x64x128xf32, #tpu.memory_space<vmem>> -> memref<64x128xf32, #tpu.memory_space<vmem>>
      %dma_start3A_278 = arith.constant 0 : i32
      %dma_start3A_279 = tpu.memref_slice %arg8[%add3A_74, %dma_start3A_278] : memref<10240x128xf32, #tpu.memory_space<vmem_shared>> -> memref<64x128xf32, #tpu.memory_space<vmem_shared>>
      %dma_start3A_280 = arith.constant 0 : i32
      %dma_start3A_281 = tpu.memref_slice %arg8[%add3A_74, %dma_start3A_280] : memref<10240x128xf32, #tpu.memory_space<vmem_shared>> -> memref<64x128xf32, #tpu.memory_space<vmem_shared>>
      %dma_start3A_282 = arith.constant 0 : i32
      %dma_start3A_283 = arith.constant 0 : i32
      %dma_start3A_284 = tpu.memref_slice %arg7[%run_scoped3A_75, %dma_start3A_282, %dma_start3A_283] : memref<3x64x128xf32, #tpu.memory_space<vmem>> -> memref<1x64x128xf32, #tpu.memory_space<vmem>>
      %dma_start3A_285 = tpu.memref_squeeze %dma_start3A_284 : memref<1x64x128xf32, #tpu.memory_space<vmem>> -> memref<64x128xf32, #tpu.memory_space<vmem>>
      tpu.enqueue_dma source(%dma_start3A_285 : memref<64x128xf32, #tpu.memory_space<vmem>>) target(%dma_start3A_281 : memref<64x128xf32, #tpu.memory_space<vmem_shared>>) target_semaphore(%run_scoped3A_273 : memref<!tpu.dma_semaphore, #tpu.memory_space<semaphore_mem>>)
      %dma_wait3A_286 = arith.constant 0 : i32
      %dma_wait3A_287 = arith.constant 0 : i32
      %dma_wait3A_288 = tpu.memref_slice %arg7[%run_scoped3A_75, %dma_wait3A_286, %dma_wait3A_287] : memref<3x64x128xf32, #tpu.memory_space<vmem>> -> memref<1x64x128xf32, #tpu.memory_space<vmem>>
      %dma_wait3A_289 = tpu.memref_squeeze %dma_wait3A_288 : memref<1x64x128xf32, #tpu.memory_space<vmem>> -> memref<64x128xf32, #tpu.memory_space<vmem>>
      %dma_wait3A_290 = arith.constant 0 : i32
      %dma_wait3A_291 = tpu.memref_slice %arg8[%add3A_74, %dma_wait3A_290] : memref<10240x128xf32, #tpu.memory_space<vmem_shared>> -> memref<64x128xf32, #tpu.memory_space<vmem_shared>>
      %dma_wait3A_292 = arith.constant 0 : i32
      %dma_wait3A_293 = tpu.memref_slice %arg8[%add3A_74, %dma_wait3A_292] : memref<10240x128xf32, #tpu.memory_space<vmem_shared>> -> memref<64x128xf32, #tpu.memory_space<vmem_shared>>
      %dma_wait3A_294 = arith.constant 0 : i32
      %dma_wait3A_295 = arith.constant 0 : i32
      %dma_wait3A_296 = tpu.memref_slice %arg7[%run_scoped3A_75, %dma_wait3A_294, %dma_wait3A_295] : memref<3x64x128xf32, #tpu.memory_space<vmem>> -> memref<1x64x128xf32, #tpu.memory_space<vmem>>
      %dma_wait3A_297 = tpu.memref_squeeze %dma_wait3A_296 : memref<1x64x128xf32, #tpu.memory_space<vmem>> -> memref<64x128xf32, #tpu.memory_space<vmem>>
      tpu.wait_dma2 semaphore(%run_scoped3A_273 : memref<!tpu.dma_semaphore, #tpu.memory_space<semaphore_mem>>) src(%dma_wait3A_297 : memref<64x128xf32, #tpu.memory_space<vmem>>) dst(%dma_wait3A_293 : memref<64x128xf32, #tpu.memory_space<vmem_shared>>)
      tpu.yield
    }) : () -> ()
    %mul3A_76 = arith.constant 640 : i32
    %mul3A_77 = arith.muli %arg1, %mul3A_76 : i32
    %add3A_78 = arith.constant 448 : i32
    %add3A_79 = arith.addi %mul3A_77, %add3A_78 : i32
    %run_scoped3A_80 = arith.constant 2 : i32
    "tpu.region"() ({
      %run_scoped3A_273 = tpu.sem_alloc : memref<!tpu.dma_semaphore, #tpu.memory_space<semaphore_mem>>
      %dma_start3A_274 = arith.constant 0 : i32
      %dma_start3A_275 = arith.constant 0 : i32
      %dma_start3A_276 = tpu.memref_slice %arg7[%run_scoped3A_80, %dma_start3A_274, %dma_start3A_275] : memref<3x64x128xf32, #tpu.memory_space<vmem>> -> memref<1x64x128xf32, #tpu.memory_space<vmem>>
      %dma_start3A_277 = tpu.memref_squeeze %dma_start3A_276 : memref<1x64x128xf32, #tpu.memory_space<vmem>> -> memref<64x128xf32, #tpu.memory_space<vmem>>
      %dma_start3A_278 = arith.constant 0 : i32
      %dma_start3A_279 = tpu.memref_slice %arg8[%add3A_79, %dma_start3A_278] : memref<10240x128xf32, #tpu.memory_space<vmem_shared>> -> memref<64x128xf32, #tpu.memory_space<vmem_shared>>
      %dma_start3A_280 = arith.constant 0 : i32
      %dma_start3A_281 = tpu.memref_slice %arg8[%add3A_79, %dma_start3A_280] : memref<10240x128xf32, #tpu.memory_space<vmem_shared>> -> memref<64x128xf32, #tpu.memory_space<vmem_shared>>
      %dma_start3A_282 = arith.constant 0 : i32
      %dma_start3A_283 = arith.constant 0 : i32
      %dma_start3A_284 = tpu.memref_slice %arg7[%run_scoped3A_80, %dma_start3A_282, %dma_start3A_283] : memref<3x64x128xf32, #tpu.memory_space<vmem>> -> memref<1x64x128xf32, #tpu.memory_space<vmem>>
      %dma_start3A_285 = tpu.memref_squeeze %dma_start3A_284 : memref<1x64x128xf32, #tpu.memory_space<vmem>> -> memref<64x128xf32, #tpu.memory_space<vmem>>
      tpu.enqueue_dma source(%dma_start3A_285 : memref<64x128xf32, #tpu.memory_space<vmem>>) target(%dma_start3A_281 : memref<64x128xf32, #tpu.memory_space<vmem_shared>>) target_semaphore(%run_scoped3A_273 : memref<!tpu.dma_semaphore, #tpu.memory_space<semaphore_mem>>)
      %dma_wait3A_286 = arith.constant 0 : i32
      %dma_wait3A_287 = arith.constant 0 : i32
      %dma_wait3A_288 = tpu.memref_slice %arg7[%run_scoped3A_80, %dma_wait3A_286, %dma_wait3A_287] : memref<3x64x128xf32, #tpu.memory_space<vmem>> -> memref<1x64x128xf32, #tpu.memory_space<vmem>>
      %dma_wait3A_289 = tpu.memref_squeeze %dma_wait3A_288 : memref<1x64x128xf32, #tpu.memory_space<vmem>> -> memref<64x128xf32, #tpu.memory_space<vmem>>
      %dma_wait3A_290 = arith.constant 0 : i32
      %dma_wait3A_291 = tpu.memref_slice %arg8[%add3A_79, %dma_wait3A_290] : memref<10240x128xf32, #tpu.memory_space<vmem_shared>> -> memref<64x128xf32, #tpu.memory_space<vmem_shared>>
      %dma_wait3A_292 = arith.constant 0 : i32
      %dma_wait3A_293 = tpu.memref_slice %arg8[%add3A_79, %dma_wait3A_292] : memref<10240x128xf32, #tpu.memory_space<vmem_shared>> -> memref<64x128xf32, #tpu.memory_space<vmem_shared>>
      %dma_wait3A_294 = arith.constant 0 : i32
      %dma_wait3A_295 = arith.constant 0 : i32
      %dma_wait3A_296 = tpu.memref_slice %arg7[%run_scoped3A_80, %dma_wait3A_294, %dma_wait3A_295] : memref<3x64x128xf32, #tpu.memory_space<vmem>> -> memref<1x64x128xf32, #tpu.memory_space<vmem>>
      %dma_wait3A_297 = tpu.memref_squeeze %dma_wait3A_296 : memref<1x64x128xf32, #tpu.memory_space<vmem>> -> memref<64x128xf32, #tpu.memory_space<vmem>>
      tpu.wait_dma2 semaphore(%run_scoped3A_273 : memref<!tpu.dma_semaphore, #tpu.memory_space<semaphore_mem>>) src(%dma_wait3A_297 : memref<64x128xf32, #tpu.memory_space<vmem>>) dst(%dma_wait3A_293 : memref<64x128xf32, #tpu.memory_space<vmem_shared>>)
      tpu.yield
    }) : () -> ()
    %mul3A_81 = arith.constant 640 : i32
    %mul3A_82 = arith.muli %arg1, %mul3A_81 : i32
    %add3A_83 = arith.constant 512 : i32
    %add3A_84 = arith.addi %mul3A_82, %add3A_83 : i32
    %run_scoped3A_85 = arith.constant 2 : i32
    "tpu.region"() ({
      %run_scoped3A_273 = tpu.sem_alloc : memref<!tpu.dma_semaphore, #tpu.memory_space<semaphore_mem>>
      %dma_start3A_274 = arith.constant 0 : i32
      %dma_start3A_275 = arith.constant 0 : i32
      %dma_start3A_276 = tpu.memref_slice %arg7[%run_scoped3A_85, %dma_start3A_274, %dma_start3A_275] : memref<3x64x128xf32, #tpu.memory_space<vmem>> -> memref<1x64x128xf32, #tpu.memory_space<vmem>>
      %dma_start3A_277 = tpu.memref_squeeze %dma_start3A_276 : memref<1x64x128xf32, #tpu.memory_space<vmem>> -> memref<64x128xf32, #tpu.memory_space<vmem>>
      %dma_start3A_278 = arith.constant 0 : i32
      %dma_start3A_279 = tpu.memref_slice %arg8[%add3A_84, %dma_start3A_278] : memref<10240x128xf32, #tpu.memory_space<vmem_shared>> -> memref<64x128xf32, #tpu.memory_space<vmem_shared>>
      %dma_start3A_280 = arith.constant 0 : i32
      %dma_start3A_281 = tpu.memref_slice %arg8[%add3A_84, %dma_start3A_280] : memref<10240x128xf32, #tpu.memory_space<vmem_shared>> -> memref<64x128xf32, #tpu.memory_space<vmem_shared>>
      %dma_start3A_282 = arith.constant 0 : i32
      %dma_start3A_283 = arith.constant 0 : i32
      %dma_start3A_284 = tpu.memref_slice %arg7[%run_scoped3A_85, %dma_start3A_282, %dma_start3A_283] : memref<3x64x128xf32, #tpu.memory_space<vmem>> -> memref<1x64x128xf32, #tpu.memory_space<vmem>>
      %dma_start3A_285 = tpu.memref_squeeze %dma_start3A_284 : memref<1x64x128xf32, #tpu.memory_space<vmem>> -> memref<64x128xf32, #tpu.memory_space<vmem>>
      tpu.enqueue_dma source(%dma_start3A_285 : memref<64x128xf32, #tpu.memory_space<vmem>>) target(%dma_start3A_281 : memref<64x128xf32, #tpu.memory_space<vmem_shared>>) target_semaphore(%run_scoped3A_273 : memref<!tpu.dma_semaphore, #tpu.memory_space<semaphore_mem>>)
      %dma_wait3A_286 = arith.constant 0 : i32
      %dma_wait3A_287 = arith.constant 0 : i32
      %dma_wait3A_288 = tpu.memref_slice %arg7[%run_scoped3A_85, %dma_wait3A_286, %dma_wait3A_287] : memref<3x64x128xf32, #tpu.memory_space<vmem>> -> memref<1x64x128xf32, #tpu.memory_space<vmem>>
      %dma_wait3A_289 = tpu.memref_squeeze %dma_wait3A_288 : memref<1x64x128xf32, #tpu.memory_space<vmem>> -> memref<64x128xf32, #tpu.memory_space<vmem>>
      %dma_wait3A_290 = arith.constant 0 : i32
      %dma_wait3A_291 = tpu.memref_slice %arg8[%add3A_84, %dma_wait3A_290] : memref<10240x128xf32, #tpu.memory_space<vmem_shared>> -> memref<64x128xf32, #tpu.memory_space<vmem_shared>>
      %dma_wait3A_292 = arith.constant 0 : i32
      %dma_wait3A_293 = tpu.memref_slice %arg8[%add3A_84, %dma_wait3A_292] : memref<10240x128xf32, #tpu.memory_space<vmem_shared>> -> memref<64x128xf32, #tpu.memory_space<vmem_shared>>
      %dma_wait3A_294 = arith.constant 0 : i32
      %dma_wait3A_295 = arith.constant 0 : i32
      %dma_wait3A_296 = tpu.memref_slice %arg7[%run_scoped3A_85, %dma_wait3A_294, %dma_wait3A_295] : memref<3x64x128xf32, #tpu.memory_space<vmem>> -> memref<1x64x128xf32, #tpu.memory_space<vmem>>
      %dma_wait3A_297 = tpu.memref_squeeze %dma_wait3A_296 : memref<1x64x128xf32, #tpu.memory_space<vmem>> -> memref<64x128xf32, #tpu.memory_space<vmem>>
      tpu.wait_dma2 semaphore(%run_scoped3A_273 : memref<!tpu.dma_semaphore, #tpu.memory_space<semaphore_mem>>) src(%dma_wait3A_297 : memref<64x128xf32, #tpu.memory_space<vmem>>) dst(%dma_wait3A_293 : memref<64x128xf32, #tpu.memory_space<vmem_shared>>)
      tpu.yield
    }) : () -> ()
    %mul3A_86 = arith.constant 640 : i32
    %mul3A_87 = arith.muli %arg1, %mul3A_86 : i32
    %add3A_88 = arith.constant 576 : i32
    %add3A_89 = arith.addi %mul3A_87, %add3A_88 : i32
    %run_scoped3A_90 = arith.constant 2 : i32
    "tpu.region"() ({
      %run_scoped3A_273 = tpu.sem_alloc : memref<!tpu.dma_semaphore, #tpu.memory_space<semaphore_mem>>
      %dma_start3A_274 = arith.constant 0 : i32
      %dma_start3A_275 = arith.constant 0 : i32
      %dma_start3A_276 = tpu.memref_slice %arg7[%run_scoped3A_90, %dma_start3A_274, %dma_start3A_275] : memref<3x64x128xf32, #tpu.memory_space<vmem>> -> memref<1x64x128xf32, #tpu.memory_space<vmem>>
      %dma_start3A_277 = tpu.memref_squeeze %dma_start3A_276 : memref<1x64x128xf32, #tpu.memory_space<vmem>> -> memref<64x128xf32, #tpu.memory_space<vmem>>
      %dma_start3A_278 = arith.constant 0 : i32
      %dma_start3A_279 = tpu.memref_slice %arg8[%add3A_89, %dma_start3A_278] : memref<10240x128xf32, #tpu.memory_space<vmem_shared>> -> memref<64x128xf32, #tpu.memory_space<vmem_shared>>
      %dma_start3A_280 = arith.constant 0 : i32
      %dma_start3A_281 = tpu.memref_slice %arg8[%add3A_89, %dma_start3A_280] : memref<10240x128xf32, #tpu.memory_space<vmem_shared>> -> memref<64x128xf32, #tpu.memory_space<vmem_shared>>
      %dma_start3A_282 = arith.constant 0 : i32
      %dma_start3A_283 = arith.constant 0 : i32
      %dma_start3A_284 = tpu.memref_slice %arg7[%run_scoped3A_90, %dma_start3A_282, %dma_start3A_283] : memref<3x64x128xf32, #tpu.memory_space<vmem>> -> memref<1x64x128xf32, #tpu.memory_space<vmem>>
      %dma_start3A_285 = tpu.memref_squeeze %dma_start3A_284 : memref<1x64x128xf32, #tpu.memory_space<vmem>> -> memref<64x128xf32, #tpu.memory_space<vmem>>
      tpu.enqueue_dma source(%dma_start3A_285 : memref<64x128xf32, #tpu.memory_space<vmem>>) target(%dma_start3A_281 : memref<64x128xf32, #tpu.memory_space<vmem_shared>>) target_semaphore(%run_scoped3A_273 : memref<!tpu.dma_semaphore, #tpu.memory_space<semaphore_mem>>)
      %dma_wait3A_286 = arith.constant 0 : i32
      %dma_wait3A_287 = arith.constant 0 : i32
      %dma_wait3A_288 = tpu.memref_slice %arg7[%run_scoped3A_90, %dma_wait3A_286, %dma_wait3A_287] : memref<3x64x128xf32, #tpu.memory_space<vmem>> -> memref<1x64x128xf32, #tpu.memory_space<vmem>>
      %dma_wait3A_289 = tpu.memref_squeeze %dma_wait3A_288 : memref<1x64x128xf32, #tpu.memory_space<vmem>> -> memref<64x128xf32, #tpu.memory_space<vmem>>
      %dma_wait3A_290 = arith.constant 0 : i32
      %dma_wait3A_291 = tpu.memref_slice %arg8[%add3A_89, %dma_wait3A_290] : memref<10240x128xf32, #tpu.memory_space<vmem_shared>> -> memref<64x128xf32, #tpu.memory_space<vmem_shared>>
      %dma_wait3A_292 = arith.constant 0 : i32
      %dma_wait3A_293 = tpu.memref_slice %arg8[%add3A_89, %dma_wait3A_292] : memref<10240x128xf32, #tpu.memory_space<vmem_shared>> -> memref<64x128xf32, #tpu.memory_space<vmem_shared>>
      %dma_wait3A_294 = arith.constant 0 : i32
      %dma_wait3A_295 = arith.constant 0 : i32
      %dma_wait3A_296 = tpu.memref_slice %arg7[%run_scoped3A_90, %dma_wait3A_294, %dma_wait3A_295] : memref<3x64x128xf32, #tpu.memory_space<vmem>> -> memref<1x64x128xf32, #tpu.memory_space<vmem>>
      %dma_wait3A_297 = tpu.memref_squeeze %dma_wait3A_296 : memref<1x64x128xf32, #tpu.memory_space<vmem>> -> memref<64x128xf32, #tpu.memory_space<vmem>>
      tpu.wait_dma2 semaphore(%run_scoped3A_273 : memref<!tpu.dma_semaphore, #tpu.memory_space<semaphore_mem>>) src(%dma_wait3A_297 : memref<64x128xf32, #tpu.memory_space<vmem>>) dst(%dma_wait3A_293 : memref<64x128xf32, #tpu.memory_space<vmem_shared>>)
      tpu.yield
    }) : () -> ()
    %barrier3A = arith.constant 0 : index
    tpu.barrier barrier_id(%barrier3A)
    %dma_wait3A = arith.constant 0 : i32
    %dma_wait3A_91 = arith.constant 0 : i32
    %dma_wait3A_92 = arith.constant 0 : i32
    %dma_wait3A_93 = tpu.memref_slice %arg7[%dma_wait3A, %dma_wait3A_91, %dma_wait3A_92] : memref<3x64x128xf32, #tpu.memory_space<vmem>> -> memref<1x64x128xf32, #tpu.memory_space<vmem>>
    %dma_wait3A_94 = tpu.memref_squeeze %dma_wait3A_93 : memref<1x64x128xf32, #tpu.memory_space<vmem>> -> memref<64x128xf32, #tpu.memory_space<vmem>>
    %dma_wait3A_95 = arith.constant 0 : i32
    %dma_wait3A_96 = arith.constant 0 : i32
    %dma_wait3A_97 = tpu.memref_slice %arg2[%dma_wait3A_95, %dma_wait3A_96] : memref<10000x128xf32, #tpu.memory_space<hbm>> -> memref<64x128xf32, #tpu.memory_space<hbm>>
    %dma_wait3A_98 = arith.constant 0 : i32
    %dma_wait3A_99 = arith.constant 0 : i32
    %dma_wait3A_100 = tpu.memref_slice %arg7[%dma_wait3A, %dma_wait3A_98, %dma_wait3A_99] : memref<3x64x128xf32, #tpu.memory_space<vmem>> -> memref<1x64x128xf32, #tpu.memory_space<vmem>>
    %dma_wait3A_101 = tpu.memref_squeeze %dma_wait3A_100 : memref<1x64x128xf32, #tpu.memory_space<vmem>> -> memref<64x128xf32, #tpu.memory_space<vmem>>
    %dma_wait3A_102 = arith.constant 0 : i32
    %dma_wait3A_103 = arith.constant 0 : i32
    %dma_wait3A_104 = tpu.memref_slice %arg2[%dma_wait3A_102, %dma_wait3A_103] : memref<10000x128xf32, #tpu.memory_space<hbm>> -> memref<64x128xf32, #tpu.memory_space<hbm>>
    tpu.wait_dma2 semaphore(%arg9 : memref<!tpu.dma_semaphore, #tpu.memory_space<semaphore_mem>>) src(%dma_wait3A_104 : memref<64x128xf32, #tpu.memory_space<hbm>>) dst(%dma_wait3A_101 : memref<64x128xf32, #tpu.memory_space<vmem>>)
    %div3A_105 = arith.constant 0 : i32
    %div3A_106 = arith.constant 32 : i32
    %div3A_107 = arith.divsi %div3A_105, %div3A_106 : i32
    %rem3A_108 = arith.constant 2 : i32
    %rem3A_109 = arith.remsi %div3A_107, %rem3A_108 : i32
    %rem3A_110 = arith.constant 0 : i32
    %rem3A_111 = arith.constant 32 : i32
    %rem3A_112 = arith.remsi %rem3A_110, %rem3A_111 : i32
    %add3A_113 = arith.constant 32 : i32
    %add3A_114 = arith.addi %add3A_113, %rem3A_112 : i32
    %dma_start3A_115 = arith.constant 0 : i32
    %dma_start3A_116 = arith.constant 0 : i32
    %dma_start3A_117 = arith.constant 0 : i32
    %dma_start3A_118 = tpu.memref_slice %arg7[%dma_start3A_115, %dma_start3A_116, %dma_start3A_117] : memref<3x64x128xf32, #tpu.memory_space<vmem>> -> memref<1x64x128xf32, #tpu.memory_space<vmem>>
    %dma_start3A_119 = tpu.memref_squeeze %dma_start3A_118 : memref<1x64x128xf32, #tpu.memory_space<vmem>> -> memref<64x128xf32, #tpu.memory_space<vmem>>
    %dma_start3A_120 = arith.constant 0 : i32
    %dma_start3A_121 = tpu.memref_slice %arg6[%rem3A_109, %add3A_114, %dma_start3A_120] : memref<2x64x64xi32, #tpu.memory_space<vmem>> -> memref<1x1x64xi32, #tpu.memory_space<vmem>>
    %dma_start3A_122 = tpu.memref_squeeze %dma_start3A_121 : memref<1x1x64xi32, #tpu.memory_space<vmem>> -> memref<64xi32, #tpu.memory_space<vmem>>
    %dma_start3A_123 = arith.constant 0 : i32
    %dma_start3A_124 = arith.constant 0 : i32
    %dma_start3A_125 = tpu.memref_slice %arg8[%dma_start3A_123, %dma_start3A_124] : memref<10240x128xf32, #tpu.memory_space<vmem_shared>> -> memref<10240x128xf32, #tpu.memory_space<vmem_shared>>
    tpu.enqueue_indirect_dma source(%dma_start3A_119 : memref<64x128xf32, #tpu.memory_space<vmem>>) target(%dma_start3A_125 : memref<10240x128xf32, #tpu.memory_space<vmem_shared>>) offsets(%dma_start3A_122 : memref<64xi32, #tpu.memory_space<vmem>>) semaphore(%arg10 : memref<!tpu.dma_semaphore, #tpu.memory_space<semaphore_mem>>) {add = true}
    %div3A_126 = arith.constant 2 : i32
    %div3A_127 = arith.constant 32 : i32
    %div3A_128 = arith.divsi %div3A_126, %div3A_127 : i32
    %rem3A_129 = arith.constant 2 : i32
    %rem3A_130 = arith.remsi %div3A_128, %rem3A_129 : i32
    %rem3A_131 = arith.constant 2 : i32
    %rem3A_132 = arith.constant 32 : i32
    %rem3A_133 = arith.remsi %rem3A_131, %rem3A_132 : i32
    %dma_start3A_134 = arith.constant 2 : i32
    %dma_start3A_135 = arith.constant 0 : i32
    %dma_start3A_136 = arith.constant 0 : i32
    %dma_start3A_137 = tpu.memref_slice %arg7[%dma_start3A_134, %dma_start3A_135, %dma_start3A_136] : memref<3x64x128xf32, #tpu.memory_space<vmem>> -> memref<1x64x128xf32, #tpu.memory_space<vmem>>
    %dma_start3A_138 = tpu.memref_squeeze %dma_start3A_137 : memref<1x64x128xf32, #tpu.memory_space<vmem>> -> memref<64x128xf32, #tpu.memory_space<vmem>>
    %dma_start3A_139 = arith.constant 0 : i32
    %dma_start3A_140 = tpu.memref_slice %arg6[%rem3A_130, %rem3A_133, %dma_start3A_139] : memref<2x64x64xi32, #tpu.memory_space<vmem>> -> memref<1x1x64xi32, #tpu.memory_space<vmem>>
    %dma_start3A_141 = tpu.memref_squeeze %dma_start3A_140 : memref<1x1x64xi32, #tpu.memory_space<vmem>> -> memref<64xi32, #tpu.memory_space<vmem>>
    %dma_start3A_142 = arith.constant 0 : i32
    %dma_start3A_143 = arith.constant 0 : i32
    %dma_start3A_144 = tpu.memref_slice %arg2[%dma_start3A_142, %dma_start3A_143] : memref<10000x128xf32, #tpu.memory_space<hbm>> -> memref<10000x128xf32, #tpu.memory_space<hbm>>
    tpu.enqueue_indirect_dma source(%dma_start3A_144 : memref<10000x128xf32, #tpu.memory_space<hbm>>) target(%dma_start3A_138 : memref<64x128xf32, #tpu.memory_space<vmem>>) offsets(%dma_start3A_141 : memref<64xi32, #tpu.memory_space<vmem>>) semaphore(%arg9 : memref<!tpu.dma_semaphore, #tpu.memory_space<semaphore_mem>>)
    %dma_wait3A_145 = arith.constant 0 : i32
    %dma_wait3A_146 = arith.constant 0 : i32
    %dma_wait3A_147 = arith.constant 0 : i32
    %dma_wait3A_148 = tpu.memref_slice %arg7[%dma_wait3A_145, %dma_wait3A_146, %dma_wait3A_147] : memref<3x64x128xf32, #tpu.memory_space<vmem>> -> memref<1x64x128xf32, #tpu.memory_space<vmem>>
    %dma_wait3A_149 = tpu.memref_squeeze %dma_wait3A_148 : memref<1x64x128xf32, #tpu.memory_space<vmem>> -> memref<64x128xf32, #tpu.memory_space<vmem>>
    %dma_wait3A_150 = arith.constant 0 : i32
    %dma_wait3A_151 = arith.constant 0 : i32
    %dma_wait3A_152 = tpu.memref_slice %arg2[%dma_wait3A_150, %dma_wait3A_151] : memref<10000x128xf32, #tpu.memory_space<hbm>> -> memref<64x128xf32, #tpu.memory_space<hbm>>
    %dma_wait3A_153 = arith.constant 0 : i32
    %dma_wait3A_154 = arith.constant 0 : i32
    %dma_wait3A_155 = tpu.memref_slice %arg7[%dma_wait3A_145, %dma_wait3A_153, %dma_wait3A_154] : memref<3x64x128xf32, #tpu.memory_space<vmem>> -> memref<1x64x128xf32, #tpu.memory_space<vmem>>
    %dma_wait3A_156 = tpu.memref_squeeze %dma_wait3A_155 : memref<1x64x128xf32, #tpu.memory_space<vmem>> -> memref<64x128xf32, #tpu.memory_space<vmem>>
    %dma_wait3A_157 = arith.constant 0 : i32
    %dma_wait3A_158 = arith.constant 0 : i32
    %dma_wait3A_159 = tpu.memref_slice %arg2[%dma_wait3A_157, %dma_wait3A_158] : memref<10000x128xf32, #tpu.memory_space<hbm>> -> memref<64x128xf32, #tpu.memory_space<hbm>>
    tpu.wait_dma2 semaphore(%arg9 : memref<!tpu.dma_semaphore, #tpu.memory_space<semaphore_mem>>) src(%dma_wait3A_159 : memref<64x128xf32, #tpu.memory_space<hbm>>) dst(%dma_wait3A_156 : memref<64x128xf32, #tpu.memory_space<vmem>>)
    %div3A_160 = arith.constant 1 : i32
    %div3A_161 = arith.constant 32 : i32
    %div3A_162 = arith.divsi %div3A_160, %div3A_161 : i32
    %rem3A_163 = arith.constant 2 : i32
    %rem3A_164 = arith.remsi %div3A_162, %rem3A_163 : i32
    %rem3A_165 = arith.constant 1 : i32
    %rem3A_166 = arith.constant 32 : i32
    %rem3A_167 = arith.remsi %rem3A_165, %rem3A_166 : i32
    %add3A_168 = arith.constant 32 : i32
    %add3A_169 = arith.addi %add3A_168, %rem3A_167 : i32
    %dma_start3A_170 = arith.constant 1 : i32
    %dma_start3A_171 = arith.constant 0 : i32
    %dma_start3A_172 = arith.constant 0 : i32
    %dma_start3A_173 = tpu.memref_slice %arg7[%dma_start3A_170, %dma_start3A_171, %dma_start3A_172] : memref<3x64x128xf32, #tpu.memory_space<vmem>> -> memref<1x64x128xf32, #tpu.memory_space<vmem>>
    %dma_start3A_174 = tpu.memref_squeeze %dma_start3A_173 : memref<1x64x128xf32, #tpu.memory_space<vmem>> -> memref<64x128xf32, #tpu.memory_space<vmem>>
    %dma_start3A_175 = arith.constant 0 : i32
    %dma_start3A_176 = tpu.memref_slice %arg6[%rem3A_164, %add3A_169, %dma_start3A_175] : memref<2x64x64xi32, #tpu.memory_space<vmem>> -> memref<1x1x64xi32, #tpu.memory_space<vmem>>
    %dma_start3A_177 = tpu.memref_squeeze %dma_start3A_176 : memref<1x1x64xi32, #tpu.memory_space<vmem>> -> memref<64xi32, #tpu.memory_space<vmem>>
    %dma_start3A_178 = arith.constant 0 : i32
    %dma_start3A_179 = arith.constant 0 : i32
    %dma_start3A_180 = tpu.memref_slice %arg8[%dma_start3A_178, %dma_start3A_179] : memref<10240x128xf32, #tpu.memory_space<vmem_shared>> -> memref<10240x128xf32, #tpu.memory_space<vmem_shared>>
    tpu.enqueue_indirect_dma source(%dma_start3A_174 : memref<64x128xf32, #tpu.memory_space<vmem>>) target(%dma_start3A_180 : memref<10240x128xf32, #tpu.memory_space<vmem_shared>>) offsets(%dma_start3A_177 : memref<64xi32, #tpu.memory_space<vmem>>) semaphore(%arg10 : memref<!tpu.dma_semaphore, #tpu.memory_space<semaphore_mem>>) {add = true}
    %scan3A_181 = arith.constant 0 : i32
    %scan3A_182 = arith.constant 2 : i32
    %scan3A_183 = arith.constant 157 : i32
    %scan3A_184 = arith.addi %scan3A_182, %scan3A_183 : i32
    %scan3A_185 = arith.constant 1 : i32
    scf.for %scan3A_273 = %scan3A_182 to %scan3A_184 step %scan3A_185  : i32 {
      %rem3A_274 = arith.constant 32 : i32
      %rem3A_275 = arith.remsi %scan3A_273, %rem3A_274 : i32
      %eq3A = arith.constant 4 : i32
      %eq3A_276 = arith.cmpi eq, %rem3A_275, %eq3A : i32
      %lt3A = arith.constant 128 : i32
      %lt3A_277 = arith.cmpi slt, %scan3A_273, %lt3A : i32
      %and3A = arith.andi %eq3A_276, %lt3A_277 : i1
      %convert_element_type3A = arith.extui %and3A : i1 to i32
      %cond3A = arith.constant 0 : i32
      %cond3A_278 = arith.cmpi ne, %convert_element_type3A, %cond3A : i32
      scf.if %cond3A_278 {
        %div3A_351 = arith.constant 32 : i32
        %div3A_352 = arith.divsi %scan3A_273, %div3A_351 : i32
        %add3A_353 = arith.constant 1 : i32
        %add3A_354 = arith.addi %div3A_352, %add3A_353 : i32
        %mul3A_355 = arith.constant 32 : i32
        %mul3A_356 = arith.muli %add3A_354, %mul3A_355 : i32
        %rem3A_357 = arith.constant 2 : i32
        %rem3A_358 = arith.remsi %add3A_354, %rem3A_357 : i32
        "tpu.region"() ({
          %run_scoped3A_359 = tpu.sem_alloc : memref<!tpu.dma_semaphore, #tpu.memory_space<semaphore_mem>>
          %dma_start3A_360 = arith.constant 0 : i32
          %dma_start3A_361 = arith.constant 0 : i32
          %dma_start3A_362 = tpu.memref_slice %arg6[%rem3A_358, %dma_start3A_360, %dma_start3A_361] : memref<2x64x64xi32, #tpu.memory_space<vmem>> -> memref<1x32x64xi32, #tpu.memory_space<vmem>>
          %dma_start3A_363 = tpu.memref_squeeze %dma_start3A_362 : memref<1x32x64xi32, #tpu.memory_space<vmem>> -> memref<32x64xi32, #tpu.memory_space<vmem>>
          %dma_start3A_364 = arith.constant 0 : i32
          %dma_start3A_365 = tpu.memref_slice %arg3[%arg0, %arg1, %mul3A_356, %dma_start3A_364] : memref<2x16x160x64xi32, #tpu.memory_space<hbm>> -> memref<1x1x32x64xi32, #tpu.memory_space<hbm>>
          %dma_start3A_366 = tpu.memref_squeeze %dma_start3A_365 : memref<1x1x32x64xi32, #tpu.memory_space<hbm>> -> memref<32x64xi32, #tpu.memory_space<hbm>>
          %dma_start3A_367 = arith.constant 0 : i32
          %dma_start3A_368 = arith.constant 0 : i32
          %dma_start3A_369 = tpu.memref_slice %arg6[%rem3A_358, %dma_start3A_367, %dma_start3A_368] : memref<2x64x64xi32, #tpu.memory_space<vmem>> -> memref<1x32x64xi32, #tpu.memory_space<vmem>>
          %dma_start3A_370 = tpu.memref_squeeze %dma_start3A_369 : memref<1x32x64xi32, #tpu.memory_space<vmem>> -> memref<32x64xi32, #tpu.memory_space<vmem>>
          %dma_start3A_371 = arith.constant 0 : i32
          %dma_start3A_372 = tpu.memref_slice %arg3[%arg0, %arg1, %mul3A_356, %dma_start3A_371] : memref<2x16x160x64xi32, #tpu.memory_space<hbm>> -> memref<1x1x32x64xi32, #tpu.memory_space<hbm>>
          %dma_start3A_373 = tpu.memref_squeeze %dma_start3A_372 : memref<1x1x32x64xi32, #tpu.memory_space<hbm>> -> memref<32x64xi32, #tpu.memory_space<hbm>>
          tpu.enqueue_dma source(%dma_start3A_373 : memref<32x64xi32, #tpu.memory_space<hbm>>) target(%dma_start3A_370 : memref<32x64xi32, #tpu.memory_space<vmem>>) target_semaphore(%run_scoped3A_359 : memref<!tpu.dma_semaphore, #tpu.memory_space<semaphore_mem>>)
          %dma_wait3A_374 = arith.constant 0 : i32
          %dma_wait3A_375 = arith.constant 0 : i32
          %dma_wait3A_376 = tpu.memref_slice %arg6[%rem3A_358, %dma_wait3A_374, %dma_wait3A_375] : memref<2x64x64xi32, #tpu.memory_space<vmem>> -> memref<1x32x64xi32, #tpu.memory_space<vmem>>
          %dma_wait3A_377 = tpu.memref_squeeze %dma_wait3A_376 : memref<1x32x64xi32, #tpu.memory_space<vmem>> -> memref<32x64xi32, #tpu.memory_space<vmem>>
          %dma_wait3A_378 = arith.constant 0 : i32
          %dma_wait3A_379 = tpu.memref_slice %arg3[%arg0, %arg1, %mul3A_356, %dma_wait3A_378] : memref<2x16x160x64xi32, #tpu.memory_space<hbm>> -> memref<1x1x32x64xi32, #tpu.memory_space<hbm>>
          %dma_wait3A_380 = tpu.memref_squeeze %dma_wait3A_379 : memref<1x1x32x64xi32, #tpu.memory_space<hbm>> -> memref<32x64xi32, #tpu.memory_space<hbm>>
          %dma_wait3A_381 = arith.constant 0 : i32
          %dma_wait3A_382 = arith.constant 0 : i32
          %dma_wait3A_383 = tpu.memref_slice %arg6[%rem3A_358, %dma_wait3A_381, %dma_wait3A_382] : memref<2x64x64xi32, #tpu.memory_space<vmem>> -> memref<1x32x64xi32, #tpu.memory_space<vmem>>
          %dma_wait3A_384 = tpu.memref_squeeze %dma_wait3A_383 : memref<1x32x64xi32, #tpu.memory_space<vmem>> -> memref<32x64xi32, #tpu.memory_space<vmem>>
          %dma_wait3A_385 = arith.constant 0 : i32
          %dma_wait3A_386 = tpu.memref_slice %arg3[%arg0, %arg1, %mul3A_356, %dma_wait3A_385] : memref<2x16x160x64xi32, #tpu.memory_space<hbm>> -> memref<1x1x32x64xi32, #tpu.memory_space<hbm>>
          %dma_wait3A_387 = tpu.memref_squeeze %dma_wait3A_386 : memref<1x1x32x64xi32, #tpu.memory_space<hbm>> -> memref<32x64xi32, #tpu.memory_space<hbm>>
          tpu.wait_dma2 semaphore(%run_scoped3A_359 : memref<!tpu.dma_semaphore, #tpu.memory_space<semaphore_mem>>) src(%dma_wait3A_387 : memref<32x64xi32, #tpu.memory_space<hbm>>) dst(%dma_wait3A_384 : memref<32x64xi32, #tpu.memory_space<vmem>>)
          tpu.yield
        }) : () -> ()
        "tpu.region"() ({
          %run_scoped3A_359 = tpu.sem_alloc : memref<!tpu.dma_semaphore, #tpu.memory_space<semaphore_mem>>
          %dma_start3A_360 = arith.constant 32 : i32
          %dma_start3A_361 = arith.constant 0 : i32
          %dma_start3A_362 = tpu.memref_slice %arg6[%rem3A_358, %dma_start3A_360, %dma_start3A_361] : memref<2x64x64xi32, #tpu.memory_space<vmem>> -> memref<1x32x64xi32, #tpu.memory_space<vmem>>
          %dma_start3A_363 = tpu.memref_squeeze %dma_start3A_362 : memref<1x32x64xi32, #tpu.memory_space<vmem>> -> memref<32x64xi32, #tpu.memory_space<vmem>>
          %dma_start3A_364 = arith.constant 0 : i32
          %dma_start3A_365 = tpu.memref_slice %arg4[%arg0, %arg1, %mul3A_356, %dma_start3A_364] : memref<2x16x160x64xi32, #tpu.memory_space<hbm>> -> memref<1x1x32x64xi32, #tpu.memory_space<hbm>>
          %dma_start3A_366 = tpu.memref_squeeze %dma_start3A_365 : memref<1x1x32x64xi32, #tpu.memory_space<hbm>> -> memref<32x64xi32, #tpu.memory_space<hbm>>
          %dma_start3A_367 = arith.constant 32 : i32
          %dma_start3A_368 = arith.constant 0 : i32
          %dma_start3A_369 = tpu.memref_slice %arg6[%rem3A_358, %dma_start3A_367, %dma_start3A_368] : memref<2x64x64xi32, #tpu.memory_space<vmem>> -> memref<1x32x64xi32, #tpu.memory_space<vmem>>
          %dma_start3A_370 = tpu.memref_squeeze %dma_start3A_369 : memref<1x32x64xi32, #tpu.memory_space<vmem>> -> memref<32x64xi32, #tpu.memory_space<vmem>>
          %dma_start3A_371 = arith.constant 0 : i32
          %dma_start3A_372 = tpu.memref_slice %arg4[%arg0, %arg1, %mul3A_356, %dma_start3A_371] : memref<2x16x160x64xi32, #tpu.memory_space<hbm>> -> memref<1x1x32x64xi32, #tpu.memory_space<hbm>>
          %dma_start3A_373 = tpu.memref_squeeze %dma_start3A_372 : memref<1x1x32x64xi32, #tpu.memory_space<hbm>> -> memref<32x64xi32, #tpu.memory_space<hbm>>
          tpu.enqueue_dma source(%dma_start3A_373 : memref<32x64xi32, #tpu.memory_space<hbm>>) target(%dma_start3A_370 : memref<32x64xi32, #tpu.memory_space<vmem>>) target_semaphore(%run_scoped3A_359 : memref<!tpu.dma_semaphore, #tpu.memory_space<semaphore_mem>>)
          %dma_wait3A_374 = arith.constant 32 : i32
          %dma_wait3A_375 = arith.constant 0 : i32
          %dma_wait3A_376 = tpu.memref_slice %arg6[%rem3A_358, %dma_wait3A_374, %dma_wait3A_375] : memref<2x64x64xi32, #tpu.memory_space<vmem>> -> memref<1x32x64xi32, #tpu.memory_space<vmem>>
          %dma_wait3A_377 = tpu.memref_squeeze %dma_wait3A_376 : memref<1x32x64xi32, #tpu.memory_space<vmem>> -> memref<32x64xi32, #tpu.memory_space<vmem>>
          %dma_wait3A_378 = arith.constant 0 : i32
          %dma_wait3A_379 = tpu.memref_slice %arg4[%arg0, %arg1, %mul3A_356, %dma_wait3A_378] : memref<2x16x160x64xi32, #tpu.memory_space<hbm>> -> memref<1x1x32x64xi32, #tpu.memory_space<hbm>>
          %dma_wait3A_380 = tpu.memref_squeeze %dma_wait3A_379 : memref<1x1x32x64xi32, #tpu.memory_space<hbm>> -> memref<32x64xi32, #tpu.memory_space<hbm>>
          %dma_wait3A_381 = arith.constant 32 : i32
          %dma_wait3A_382 = arith.constant 0 : i32
          %dma_wait3A_383 = tpu.memref_slice %arg6[%rem3A_358, %dma_wait3A_381, %dma_wait3A_382] : memref<2x64x64xi32, #tpu.memory_space<vmem>> -> memref<1x32x64xi32, #tpu.memory_space<vmem>>
          %dma_wait3A_384 = tpu.memref_squeeze %dma_wait3A_383 : memref<1x32x64xi32, #tpu.memory_space<vmem>> -> memref<32x64xi32, #tpu.memory_space<vmem>>
          %dma_wait3A_385 = arith.constant 0 : i32
          %dma_wait3A_386 = tpu.memref_slice %arg4[%arg0, %arg1, %mul3A_356, %dma_wait3A_385] : memref<2x16x160x64xi32, #tpu.memory_space<hbm>> -> memref<1x1x32x64xi32, #tpu.memory_space<hbm>>
          %dma_wait3A_387 = tpu.memref_squeeze %dma_wait3A_386 : memref<1x1x32x64xi32, #tpu.memory_space<hbm>> -> memref<32x64xi32, #tpu.memory_space<hbm>>
          tpu.wait_dma2 semaphore(%run_scoped3A_359 : memref<!tpu.dma_semaphore, #tpu.memory_space<semaphore_mem>>) src(%dma_wait3A_387 : memref<32x64xi32, #tpu.memory_space<hbm>>) dst(%dma_wait3A_384 : memref<32x64xi32, #tpu.memory_space<vmem>>)
          tpu.yield
        }) : () -> ()
      } else {
      }
      %dma_wait3A_279 = arith.constant 0 : i32
      %dma_wait3A_280 = arith.constant 0 : i32
      %dma_wait3A_281 = arith.constant 0 : i32
      %dma_wait3A_282 = tpu.memref_slice %arg7[%dma_wait3A_279, %dma_wait3A_280, %dma_wait3A_281] : memref<3x64x128xf32, #tpu.memory_space<vmem>> -> memref<1x64x128xf32, #tpu.memory_space<vmem>>
      %dma_wait3A_283 = tpu.memref_squeeze %dma_wait3A_282 : memref<1x64x128xf32, #tpu.memory_space<vmem>> -> memref<64x128xf32, #tpu.memory_space<vmem>>
      %dma_wait3A_284 = arith.constant 0 : i32
      %dma_wait3A_285 = arith.constant 0 : i32
      %dma_wait3A_286 = tpu.memref_slice %arg2[%dma_wait3A_284, %dma_wait3A_285] : memref<10000x128xf32, #tpu.memory_space<hbm>> -> memref<64x128xf32, #tpu.memory_space<hbm>>
      %dma_wait3A_287 = arith.constant 0 : i32
      %dma_wait3A_288 = arith.constant 0 : i32
      %dma_wait3A_289 = tpu.memref_slice %arg7[%dma_wait3A_279, %dma_wait3A_287, %dma_wait3A_288] : memref<3x64x128xf32, #tpu.memory_space<vmem>> -> memref<1x64x128xf32, #tpu.memory_space<vmem>>
      %dma_wait3A_290 = tpu.memref_squeeze %dma_wait3A_289 : memref<1x64x128xf32, #tpu.memory_space<vmem>> -> memref<64x128xf32, #tpu.memory_space<vmem>>
      %dma_wait3A_291 = arith.constant 0 : i32
      %dma_wait3A_292 = arith.constant 0 : i32
      %dma_wait3A_293 = tpu.memref_slice %arg2[%dma_wait3A_291, %dma_wait3A_292] : memref<10000x128xf32, #tpu.memory_space<hbm>> -> memref<64x128xf32, #tpu.memory_space<hbm>>
      tpu.wait_dma2 semaphore(%arg10 : memref<!tpu.dma_semaphore, #tpu.memory_space<semaphore_mem>>) src(%dma_wait3A_293 : memref<64x128xf32, #tpu.memory_space<hbm>>) dst(%dma_wait3A_290 : memref<64x128xf32, #tpu.memory_space<vmem>>)
      %add3A_294 = arith.constant 1 : i32
      %add3A_295 = arith.addi %scan3A_273, %add3A_294 : i32
      %add3A_296 = arith.constant 1 : i32
      %add3A_297 = arith.addi %scan3A_273, %add3A_296 : i32
      %rem3A_298 = arith.constant 3 : i32
      %rem3A_299 = arith.remsi %add3A_297, %rem3A_298 : i32
      %div3A_300 = arith.constant 32 : i32
      %div3A_301 = arith.divsi %add3A_295, %div3A_300 : i32
      %rem3A_302 = arith.constant 2 : i32
      %rem3A_303 = arith.remsi %div3A_301, %rem3A_302 : i32
      %rem3A_304 = arith.constant 32 : i32
      %rem3A_305 = arith.remsi %add3A_295, %rem3A_304 : i32
      %dma_start3A_306 = arith.constant 0 : i32
      %dma_start3A_307 = arith.constant 0 : i32
      %dma_start3A_308 = tpu.memref_slice %arg7[%rem3A_299, %dma_start3A_306, %dma_start3A_307] : memref<3x64x128xf32, #tpu.memory_space<vmem>> -> memref<1x64x128xf32, #tpu.memory_space<vmem>>
      %dma_start3A_309 = tpu.memref_squeeze %dma_start3A_308 : memref<1x64x128xf32, #tpu.memory_space<vmem>> -> memref<64x128xf32, #tpu.memory_space<vmem>>
      %dma_start3A_310 = arith.constant 0 : i32
      %dma_start3A_311 = tpu.memref_slice %arg6[%rem3A_303, %rem3A_305, %dma_start3A_310] : memref<2x64x64xi32, #tpu.memory_space<vmem>> -> memref<1x1x64xi32, #tpu.memory_space<vmem>>
      %dma_start3A_312 = tpu.memref_squeeze %dma_start3A_311 : memref<1x1x64xi32, #tpu.memory_space<vmem>> -> memref<64xi32, #tpu.memory_space<vmem>>
      %dma_start3A_313 = arith.constant 0 : i32
      %dma_start3A_314 = arith.constant 0 : i32
      %dma_start3A_315 = tpu.memref_slice %arg2[%dma_start3A_313, %dma_start3A_314] : memref<10000x128xf32, #tpu.memory_space<hbm>> -> memref<10000x128xf32, #tpu.memory_space<hbm>>
      tpu.enqueue_indirect_dma source(%dma_start3A_315 : memref<10000x128xf32, #tpu.memory_space<hbm>>) target(%dma_start3A_309 : memref<64x128xf32, #tpu.memory_space<vmem>>) offsets(%dma_start3A_312 : memref<64xi32, #tpu.memory_space<vmem>>) semaphore(%arg9 : memref<!tpu.dma_semaphore, #tpu.memory_space<semaphore_mem>>)
      %dma_wait3A_316 = arith.constant 0 : i32
      %dma_wait3A_317 = arith.constant 0 : i32
      %dma_wait3A_318 = arith.constant 0 : i32
      %dma_wait3A_319 = tpu.memref_slice %arg7[%dma_wait3A_316, %dma_wait3A_317, %dma_wait3A_318] : memref<3x64x128xf32, #tpu.memory_space<vmem>> -> memref<1x64x128xf32, #tpu.memory_space<vmem>>
      %dma_wait3A_320 = tpu.memref_squeeze %dma_wait3A_319 : memref<1x64x128xf32, #tpu.memory_space<vmem>> -> memref<64x128xf32, #tpu.memory_space<vmem>>
      %dma_wait3A_321 = arith.constant 0 : i32
      %dma_wait3A_322 = arith.constant 0 : i32
      %dma_wait3A_323 = tpu.memref_slice %arg2[%dma_wait3A_321, %dma_wait3A_322] : memref<10000x128xf32, #tpu.memory_space<hbm>> -> memref<64x128xf32, #tpu.memory_space<hbm>>
      %dma_wait3A_324 = arith.constant 0 : i32
      %dma_wait3A_325 = arith.constant 0 : i32
      %dma_wait3A_326 = tpu.memref_slice %arg7[%dma_wait3A_316, %dma_wait3A_324, %dma_wait3A_325] : memref<3x64x128xf32, #tpu.memory_space<vmem>> -> memref<1x64x128xf32, #tpu.memory_space<vmem>>
      %dma_wait3A_327 = tpu.memref_squeeze %dma_wait3A_326 : memref<1x64x128xf32, #tpu.memory_space<vmem>> -> memref<64x128xf32, #tpu.memory_space<vmem>>
      %dma_wait3A_328 = arith.constant 0 : i32
      %dma_wait3A_329 = arith.constant 0 : i32
      %dma_wait3A_330 = tpu.memref_slice %arg2[%dma_wait3A_328, %dma_wait3A_329] : memref<10000x128xf32, #tpu.memory_space<hbm>> -> memref<64x128xf32, #tpu.memory_space<hbm>>
      tpu.wait_dma2 semaphore(%arg9 : memref<!tpu.dma_semaphore, #tpu.memory_space<semaphore_mem>>) src(%dma_wait3A_330 : memref<64x128xf32, #tpu.memory_space<hbm>>) dst(%dma_wait3A_327 : memref<64x128xf32, #tpu.memory_space<vmem>>)
      %rem3A_331 = arith.constant 3 : i32
      %rem3A_332 = arith.remsi %scan3A_273, %rem3A_331 : i32
      %div3A_333 = arith.constant 32 : i32
      %div3A_334 = arith.divsi %scan3A_273, %div3A_333 : i32
      %rem3A_335 = arith.constant 2 : i32
      %rem3A_336 = arith.remsi %div3A_334, %rem3A_335 : i32
      %rem3A_337 = arith.constant 32 : i32
      %rem3A_338 = arith.remsi %scan3A_273, %rem3A_337 : i32
      %add3A_339 = arith.constant 32 : i32
      %add3A_340 = arith.addi %add3A_339, %rem3A_338 : i32
      %dma_start3A_341 = arith.constant 0 : i32
      %dma_start3A_342 = arith.constant 0 : i32
      %dma_start3A_343 = tpu.memref_slice %arg7[%rem3A_332, %dma_start3A_341, %dma_start3A_342] : memref<3x64x128xf32, #tpu.memory_space<vmem>> -> memref<1x64x128xf32, #tpu.memory_space<vmem>>
      %dma_start3A_344 = tpu.memref_squeeze %dma_start3A_343 : memref<1x64x128xf32, #tpu.memory_space<vmem>> -> memref<64x128xf32, #tpu.memory_space<vmem>>
      %dma_start3A_345 = arith.constant 0 : i32
      %dma_start3A_346 = tpu.memref_slice %arg6[%rem3A_336, %add3A_340, %dma_start3A_345] : memref<2x64x64xi32, #tpu.memory_space<vmem>> -> memref<1x1x64xi32, #tpu.memory_space<vmem>>
      %dma_start3A_347 = tpu.memref_squeeze %dma_start3A_346 : memref<1x1x64xi32, #tpu.memory_space<vmem>> -> memref<64xi32, #tpu.memory_space<vmem>>
      %dma_start3A_348 = arith.constant 0 : i32
      %dma_start3A_349 = arith.constant 0 : i32
      %dma_start3A_350 = tpu.memref_slice %arg8[%dma_start3A_348, %dma_start3A_349] : memref<10240x128xf32, #tpu.memory_space<vmem_shared>> -> memref<10240x128xf32, #tpu.memory_space<vmem_shared>>
      tpu.enqueue_indirect_dma source(%dma_start3A_344 : memref<64x128xf32, #tpu.memory_space<vmem>>) target(%dma_start3A_350 : memref<10240x128xf32, #tpu.memory_space<vmem_shared>>) offsets(%dma_start3A_347 : memref<64xi32, #tpu.memory_space<vmem>>) semaphore(%arg10 : memref<!tpu.dma_semaphore, #tpu.memory_space<semaphore_mem>>) {add = true}
    }
    %scan3A_186 = arith.constant 157 : i32
    %dma_wait3A_187 = arith.constant 0 : i32
    %dma_wait3A_188 = arith.constant 0 : i32
    %dma_wait3A_189 = arith.constant 0 : i32
    %dma_wait3A_190 = tpu.memref_slice %arg7[%dma_wait3A_187, %dma_wait3A_188, %dma_wait3A_189] : memref<3x64x128xf32, #tpu.memory_space<vmem>> -> memref<1x64x128xf32, #tpu.memory_space<vmem>>
    %dma_wait3A_191 = tpu.memref_squeeze %dma_wait3A_190 : memref<1x64x128xf32, #tpu.memory_space<vmem>> -> memref<64x128xf32, #tpu.memory_space<vmem>>
    %dma_wait3A_192 = arith.constant 0 : i32
    %dma_wait3A_193 = arith.constant 0 : i32
    %dma_wait3A_194 = tpu.memref_slice %arg2[%dma_wait3A_192, %dma_wait3A_193] : memref<10000x128xf32, #tpu.memory_space<hbm>> -> memref<64x128xf32, #tpu.memory_space<hbm>>
    %dma_wait3A_195 = arith.constant 0 : i32
    %dma_wait3A_196 = arith.constant 0 : i32
    %dma_wait3A_197 = tpu.memref_slice %arg7[%dma_wait3A_187, %dma_wait3A_195, %dma_wait3A_196] : memref<3x64x128xf32, #tpu.memory_space<vmem>> -> memref<1x64x128xf32, #tpu.memory_space<vmem>>
    %dma_wait3A_198 = tpu.memref_squeeze %dma_wait3A_197 : memref<1x64x128xf32, #tpu.memory_space<vmem>> -> memref<64x128xf32, #tpu.memory_space<vmem>>
    %dma_wait3A_199 = arith.constant 0 : i32
    %dma_wait3A_200 = arith.constant 0 : i32
    %dma_wait3A_201 = tpu.memref_slice %arg2[%dma_wait3A_199, %dma_wait3A_200] : memref<10000x128xf32, #tpu.memory_space<hbm>> -> memref<64x128xf32, #tpu.memory_space<hbm>>
    tpu.wait_dma2 semaphore(%arg10 : memref<!tpu.dma_semaphore, #tpu.memory_space<semaphore_mem>>) src(%dma_wait3A_201 : memref<64x128xf32, #tpu.memory_space<hbm>>) dst(%dma_wait3A_198 : memref<64x128xf32, #tpu.memory_space<vmem>>)
    %dma_wait3A_202 = arith.constant 0 : i32
    %dma_wait3A_203 = arith.constant 0 : i32
    %dma_wait3A_204 = arith.constant 0 : i32
    %dma_wait3A_205 = tpu.memref_slice %arg7[%dma_wait3A_202, %dma_wait3A_203, %dma_wait3A_204] : memref<3x64x128xf32, #tpu.memory_space<vmem>> -> memref<1x64x128xf32, #tpu.memory_space<vmem>>
    %dma_wait3A_206 = tpu.memref_squeeze %dma_wait3A_205 : memref<1x64x128xf32, #tpu.memory_space<vmem>> -> memref<64x128xf32, #tpu.memory_space<vmem>>
    %dma_wait3A_207 = arith.constant 0 : i32
    %dma_wait3A_208 = arith.constant 0 : i32
    %dma_wait3A_209 = tpu.memref_slice %arg2[%dma_wait3A_207, %dma_wait3A_208] : memref<10000x128xf32, #tpu.memory_space<hbm>> -> memref<64x128xf32, #tpu.memory_space<hbm>>
    %dma_wait3A_210 = arith.constant 0 : i32
    %dma_wait3A_211 = arith.constant 0 : i32
    %dma_wait3A_212 = tpu.memref_slice %arg7[%dma_wait3A_202, %dma_wait3A_210, %dma_wait3A_211] : memref<3x64x128xf32, #tpu.memory_space<vmem>> -> memref<1x64x128xf32, #tpu.memory_space<vmem>>
    %dma_wait3A_213 = tpu.memref_squeeze %dma_wait3A_212 : memref<1x64x128xf32, #tpu.memory_space<vmem>> -> memref<64x128xf32, #tpu.memory_space<vmem>>
    %dma_wait3A_214 = arith.constant 0 : i32
    %dma_wait3A_215 = arith.constant 0 : i32
    %dma_wait3A_216 = tpu.memref_slice %arg2[%dma_wait3A_214, %dma_wait3A_215] : memref<10000x128xf32, #tpu.memory_space<hbm>> -> memref<64x128xf32, #tpu.memory_space<hbm>>
    tpu.wait_dma2 semaphore(%arg9 : memref<!tpu.dma_semaphore, #tpu.memory_space<semaphore_mem>>) src(%dma_wait3A_216 : memref<64x128xf32, #tpu.memory_space<hbm>>) dst(%dma_wait3A_213 : memref<64x128xf32, #tpu.memory_space<vmem>>)
    %div3A_217 = arith.constant 159 : i32
    %div3A_218 = arith.constant 32 : i32
    %div3A_219 = arith.divsi %div3A_217, %div3A_218 : i32
    %rem3A_220 = arith.constant 2 : i32
    %rem3A_221 = arith.remsi %div3A_219, %rem3A_220 : i32
    %rem3A_222 = arith.constant 159 : i32
    %rem3A_223 = arith.constant 32 : i32
    %rem3A_224 = arith.remsi %rem3A_222, %rem3A_223 : i32
    %add3A_225 = arith.constant 32 : i32
    %add3A_226 = arith.addi %add3A_225, %rem3A_224 : i32
    %dma_start3A_227 = arith.constant 0 : i32
    %dma_start3A_228 = arith.constant 0 : i32
    %dma_start3A_229 = arith.constant 0 : i32
    %dma_start3A_230 = tpu.memref_slice %arg7[%dma_start3A_227, %dma_start3A_228, %dma_start3A_229] : memref<3x64x128xf32, #tpu.memory_space<vmem>> -> memref<1x64x128xf32, #tpu.memory_space<vmem>>
    %dma_start3A_231 = tpu.memref_squeeze %dma_start3A_230 : memref<1x64x128xf32, #tpu.memory_space<vmem>> -> memref<64x128xf32, #tpu.memory_space<vmem>>
    %dma_start3A_232 = arith.constant 0 : i32
    %dma_start3A_233 = tpu.memref_slice %arg6[%rem3A_221, %add3A_226, %dma_start3A_232] : memref<2x64x64xi32, #tpu.memory_space<vmem>> -> memref<1x1x64xi32, #tpu.memory_space<vmem>>
    %dma_start3A_234 = tpu.memref_squeeze %dma_start3A_233 : memref<1x1x64xi32, #tpu.memory_space<vmem>> -> memref<64xi32, #tpu.memory_space<vmem>>
    %dma_start3A_235 = arith.constant 0 : i32
    %dma_start3A_236 = arith.constant 0 : i32
    %dma_start3A_237 = tpu.memref_slice %arg8[%dma_start3A_235, %dma_start3A_236] : memref<10240x128xf32, #tpu.memory_space<vmem_shared>> -> memref<10240x128xf32, #tpu.memory_space<vmem_shared>>
    tpu.enqueue_indirect_dma source(%dma_start3A_231 : memref<64x128xf32, #tpu.memory_space<vmem>>) target(%dma_start3A_237 : memref<10240x128xf32, #tpu.memory_space<vmem_shared>>) offsets(%dma_start3A_234 : memref<64xi32, #tpu.memory_space<vmem>>) semaphore(%arg10 : memref<!tpu.dma_semaphore, #tpu.memory_space<semaphore_mem>>) {add = true}
    %dma_wait3A_238 = arith.constant 0 : i32
    %dma_wait3A_239 = arith.constant 0 : i32
    %dma_wait3A_240 = arith.constant 0 : i32
    %dma_wait3A_241 = tpu.memref_slice %arg7[%dma_wait3A_238, %dma_wait3A_239, %dma_wait3A_240] : memref<3x64x128xf32, #tpu.memory_space<vmem>> -> memref<1x64x128xf32, #tpu.memory_space<vmem>>
    %dma_wait3A_242 = tpu.memref_squeeze %dma_wait3A_241 : memref<1x64x128xf32, #tpu.memory_space<vmem>> -> memref<64x128xf32, #tpu.memory_space<vmem>>
    %dma_wait3A_243 = arith.constant 0 : i32
    %dma_wait3A_244 = arith.constant 0 : i32
    %dma_wait3A_245 = tpu.memref_slice %arg2[%dma_wait3A_243, %dma_wait3A_244] : memref<10000x128xf32, #tpu.memory_space<hbm>> -> memref<64x128xf32, #tpu.memory_space<hbm>>
    %dma_wait3A_246 = arith.constant 0 : i32
    %dma_wait3A_247 = arith.constant 0 : i32
    %dma_wait3A_248 = tpu.memref_slice %arg7[%dma_wait3A_238, %dma_wait3A_246, %dma_wait3A_247] : memref<3x64x128xf32, #tpu.memory_space<vmem>> -> memref<1x64x128xf32, #tpu.memory_space<vmem>>
    %dma_wait3A_249 = tpu.memref_squeeze %dma_wait3A_248 : memref<1x64x128xf32, #tpu.memory_space<vmem>> -> memref<64x128xf32, #tpu.memory_space<vmem>>
    %dma_wait3A_250 = arith.constant 0 : i32
    %dma_wait3A_251 = arith.constant 0 : i32
    %dma_wait3A_252 = tpu.memref_slice %arg2[%dma_wait3A_250, %dma_wait3A_251] : memref<10000x128xf32, #tpu.memory_space<hbm>> -> memref<64x128xf32, #tpu.memory_space<hbm>>
    tpu.wait_dma2 semaphore(%arg10 : memref<!tpu.dma_semaphore, #tpu.memory_space<semaphore_mem>>) src(%dma_wait3A_252 : memref<64x128xf32, #tpu.memory_space<hbm>>) dst(%dma_wait3A_249 : memref<64x128xf32, #tpu.memory_space<vmem>>)
    %dma_wait3A_253 = arith.constant 0 : i32
    %dma_wait3A_254 = arith.constant 0 : i32
    %dma_wait3A_255 = arith.constant 0 : i32
    %dma_wait3A_256 = tpu.memref_slice %arg7[%dma_wait3A_253, %dma_wait3A_254, %dma_wait3A_255] : memref<3x64x128xf32, #tpu.memory_space<vmem>> -> memref<1x64x128xf32, #tpu.memory_space<vmem>>
    %dma_wait3A_257 = tpu.memref_squeeze %dma_wait3A_256 : memref<1x64x128xf32, #tpu.memory_space<vmem>> -> memref<64x128xf32, #tpu.memory_space<vmem>>
    %dma_wait3A_258 = arith.constant 0 : i32
    %dma_wait3A_259 = arith.constant 0 : i32
    %dma_wait3A_260 = tpu.memref_slice %arg2[%dma_wait3A_258, %dma_wait3A_259] : memref<10000x128xf32, #tpu.memory_space<hbm>> -> memref<64x128xf32, #tpu.memory_space<hbm>>
    %dma_wait3A_261 = arith.constant 0 : i32
    %dma_wait3A_262 = arith.constant 0 : i32
    %dma_wait3A_263 = tpu.memref_slice %arg7[%dma_wait3A_253, %dma_wait3A_261, %dma_wait3A_262] : memref<3x64x128xf32, #tpu.memory_space<vmem>> -> memref<1x64x128xf32, #tpu.memory_space<vmem>>
    %dma_wait3A_264 = tpu.memref_squeeze %dma_wait3A_263 : memref<1x64x128xf32, #tpu.memory_space<vmem>> -> memref<64x128xf32, #tpu.memory_space<vmem>>
    %dma_wait3A_265 = arith.constant 0 : i32
    %dma_wait3A_266 = arith.constant 0 : i32
    %dma_wait3A_267 = tpu.memref_slice %arg2[%dma_wait3A_265, %dma_wait3A_266] : memref<10000x128xf32, #tpu.memory_space<hbm>> -> memref<64x128xf32, #tpu.memory_space<hbm>>
    tpu.wait_dma2 semaphore(%arg10 : memref<!tpu.dma_semaphore, #tpu.memory_space<semaphore_mem>>) src(%dma_wait3A_267 : memref<64x128xf32, #tpu.memory_space<hbm>>) dst(%dma_wait3A_264 : memref<64x128xf32, #tpu.memory_space<vmem>>)
    %barrier3A_268 = arith.constant 0 : index
    tpu.barrier barrier_id(%barrier3A_268)
    %mul3A_269 = arith.constant 640 : i32
    %mul3A_270 = arith.muli %arg1, %mul3A_269 : i32
    %mul3A_271 = arith.constant 640 : i32
    %mul3A_272 = arith.muli %arg1, %mul3A_271 : i32
    "tpu.region"() ({
      %run_scoped3A_273 = tpu.sem_alloc : memref<!tpu.dma_semaphore, #tpu.memory_space<semaphore_mem>>
      %dma_start3A_274 = arith.constant 0 : i32
      %dma_start3A_275 = tpu.memref_slice %arg5[%arg0, %mul3A_272, %dma_start3A_274] : memref<2x10240x128xf32, #tpu.memory_space<hbm>> -> memref<1x640x128xf32, #tpu.memory_space<hbm>>
      %dma_start3A_276 = tpu.memref_squeeze %dma_start3A_275 : memref<1x640x128xf32, #tpu.memory_space<hbm>> -> memref<640x128xf32, #tpu.memory_space<hbm>>
      %dma_start3A_277 = arith.constant 0 : i32
      %dma_start3A_278 = tpu.memref_slice %arg8[%mul3A_270, %dma_start3A_277] : memref<10240x128xf32, #tpu.memory_space<vmem_shared>> -> memref<640x128xf32, #tpu.memory_space<vmem_shared>>
      tpu.enqueue_dma source(%dma_start3A_278 : memref<640x128xf32, #tpu.memory_space<vmem_shared>>) target(%dma_start3A_276 : memref<640x128xf32, #tpu.memory_space<hbm>>) target_semaphore(%run_scoped3A_273 : memref<!tpu.dma_semaphore, #tpu.memory_space<semaphore_mem>>)
      %dma_wait3A_279 = arith.constant 0 : i32
      %dma_wait3A_280 = tpu.memref_slice %arg5[%arg0, %mul3A_272, %dma_wait3A_279] : memref<2x10240x128xf32, #tpu.memory_space<hbm>> -> memref<1x640x128xf32, #tpu.memory_space<hbm>>
      %dma_wait3A_281 = tpu.memref_squeeze %dma_wait3A_280 : memref<1x640x128xf32, #tpu.memory_space<hbm>> -> memref<640x128xf32, #tpu.memory_space<hbm>>
      %dma_wait3A_282 = arith.constant 0 : i32
      %dma_wait3A_283 = tpu.memref_slice %arg8[%mul3A_270, %dma_wait3A_282] : memref<10240x128xf32, #tpu.memory_space<vmem_shared>> -> memref<640x128xf32, #tpu.memory_space<vmem_shared>>
      tpu.wait_dma2 semaphore(%run_scoped3A_273 : memref<!tpu.dma_semaphore, #tpu.memory_space<semaphore_mem>>) src(%dma_wait3A_283 : memref<640x128xf32, #tpu.memory_space<vmem_shared>>) dst(%dma_wait3A_281 : memref<640x128xf32, #tpu.memory_space<hbm>>)
      tpu.yield
    }) : () -> ()
    return
  }
}

module attributes {stable_mosaic.version = 14 : i64} {
  func.func @_mm1_body(%arg0: i32, %arg1: memref<2048x128xf32, #tpu.memory_space<vmem>>, %arg2: memref<128x128xf32, #tpu.memory_space<vmem>>, %arg3: memref<2x2048xf32, #tpu.memory_space<vmem>>, %arg4: memref<2048x128xf32, #tpu.memory_space<vmem>>) attributes {dimension_semantics = [#tpu.dimension_semantics<arbitrary>], iteration_bounds = array<i64: 5>, scalar_prefetch = 0 : i64, scratch_operands = 0 : i64, tpu.core_type = #tpu.core_type<tc>, window_params = [{transform_indices = @transform_0, window_bounds = array<i64: 2048, 128>}, {pipeline_mode = #tpu.pipeline_mode<synchronous>, transform_indices = @transform_1, window_bounds = array<i64: 128, 128>}, {transform_indices = @transform_2, window_bounds = array<i64: 2, 2048>}, {transform_indices = @transform_3, window_bounds = array<i64: 2048, 128>}]} {
    %get3A = arith.constant 0 : index
    %get3A_0 = arith.constant 0 : index
    %get3A_1 = vector.load %arg3[%get3A, %get3A_0] : memref<2x2048xf32, #tpu.memory_space<vmem>>, vector<1x2048xf32>
    %get3A_2 = vector.shape_cast %get3A_1 : vector<1x2048xf32> to vector<2048xf32>
    %get3A_3 = arith.constant 1 : index
    %get3A_4 = arith.constant 0 : index
    %get3A_5 = vector.load %arg3[%get3A_3, %get3A_4] : memref<2x2048xf32, #tpu.memory_space<vmem>>, vector<1x2048xf32>
    %get3A_6 = vector.shape_cast %get3A_5 : vector<1x2048xf32> to vector<2048xf32>
    %add3A = arith.addf %get3A_2, %get3A_6 : vector<2048xf32>
    %gt3A = arith.constant 0.000000e+00 : f32
    %gt3A_7 = vector.broadcast %gt3A : f32 to vector<2048xf32>
    %gt3A_8 = arith.cmpf ogt, %add3A, %gt3A_7 : vector<2048xf32>
    %rsqrt3A = math.rsqrt %add3A : vector<2048xf32>
    %jit3A = arith.constant 0.000000e+00 : f32
    %broadcast_in_dim3A = vector.broadcast %jit3A : f32 to vector<2048xf32>
    %select_n3A = arith.select %gt3A_8, %rsqrt3A, %broadcast_in_dim3A : vector<2048xi1>, vector<2048xf32>
    %get3A_9 = arith.constant 0 : index
    %get3A_10 = arith.constant 0 : index
    %get3A_11 = vector.load %arg1[%get3A_9, %get3A_10] : memref<2048x128xf32, #tpu.memory_space<vmem>>, vector<2048x128xf32>
    %get3A_12 = arith.constant 0 : index
    %get3A_13 = arith.constant 0 : index
    %get3A_14 = vector.load %arg2[%get3A_12, %get3A_13] : memref<128x128xf32, #tpu.memory_space<vmem>>, vector<128x128xf32>
    %dot_general3A = arith.constant dense<0.000000e+00> : vector<2048x128xf32>
    %dot_general3A_15 = tpu.matmul %get3A_11, %get3A_14, %dot_general3A {dimension_numbers = #tpu.dot_dimension_numbers<[1], [0], [0], [1], [0, 0, 1, 1], [], []>, precision = #tpu.contract_precision<fp32>, transpose_lhs_hint = false} : vector<2048x128xf32>, vector<128x128xf32>, vector<2048x128xf32> -> vector<2048x128xf32>
    %broadcast_in_dim3A_16 = vector.shape_cast %select_n3A : vector<2048xf32> to vector<2048x1xf32>
    %mul3A = vector.broadcast %broadcast_in_dim3A_16 : vector<2048x1xf32> to vector<2048x128xf32>
    %mul3A_17 = arith.mulf %dot_general3A_15, %mul3A : vector<2048x128xf32>
    %swap3A = arith.constant 0 : index
    %swap3A_18 = arith.constant 0 : index
    %swap3A_19 = vector.load %arg4[%swap3A, %swap3A_18] : memref<2048x128xf32, #tpu.memory_space<vmem>>, vector<2048x128xf32>
    tpu.vector_store %arg4[%swap3A, %swap3A_18], %mul3A_17 {strides = array<i32>} : memref<2048x128xf32, #tpu.memory_space<vmem>>, vector<2048x128xf32>,
    return
  }
  func.func @transform_0(%arg0: i32) -> (i32, i32) {
    %c0_i32 = arith.constant 0 : i32
    %c0_i32_0 = arith.constant 0 : i32
    return %arg0, %c0_i32 : i32, i32
  }
  func.func @transform_1(%arg0: i32) -> (i32, i32) {
    %c0_i32 = arith.constant 0 : i32
    %c0_i32_0 = arith.constant 0 : i32
    %c0_i32_1 = arith.constant 0 : i32
    return %c0_i32, %c0_i32_0 : i32, i32
  }
  func.func @transform_2(%arg0: i32) -> (i32, i32) {
    %c0_i32 = arith.constant 0 : i32
    %c0_i32_0 = arith.constant 0 : i32
    return %c0_i32, %arg0 : i32, i32
  }
  func.func @transform_3(%arg0: i32) -> (i32, i32) {
    %c0_i32 = arith.constant 0 : i32
    %c0_i32_0 = arith.constant 0 : i32
    return %arg0, %c0_i32 : i32, i32
  }
}

module attributes {stable_mosaic.version = 14 : i64} {
  func.func @_mm2_body(%arg0: i32, %arg1: memref<2x2048x128xf32, #tpu.memory_space<vmem>>, %arg2: memref<2x2048xf32, #tpu.memory_space<vmem>>, %arg3: memref<128x128xf32, #tpu.memory_space<vmem>>, %arg4: memref<1x128xf32, #tpu.memory_space<vmem>>, %arg5: memref<2048x128xf32, #tpu.memory_space<vmem>>) attributes {dimension_semantics = [#tpu.dimension_semantics<arbitrary>], iteration_bounds = array<i64: 5>, scalar_prefetch = 0 : i64, scratch_operands = 0 : i64, tpu.core_type = #tpu.core_type<tc>, window_params = [{transform_indices = @transform_0, window_bounds = array<i64: 2, 2048, 128>}, {transform_indices = @transform_1, window_bounds = array<i64: 2, 2048>}, {pipeline_mode = #tpu.pipeline_mode<synchronous>, transform_indices = @transform_2, window_bounds = array<i64: 128, 128>}, {pipeline_mode = #tpu.pipeline_mode<synchronous>, transform_indices = @transform_3, window_bounds = array<i64: 1, 128>}, {transform_indices = @transform_4, window_bounds = array<i64: 2048, 128>}]} {
    %get3A = arith.constant 0 : index
    %get3A_0 = arith.constant 0 : index
    %get3A_1 = vector.load %arg2[%get3A, %get3A_0] : memref<2x2048xf32, #tpu.memory_space<vmem>>, vector<1x2048xf32>
    %get3A_2 = vector.shape_cast %get3A_1 : vector<1x2048xf32> to vector<2048xf32>
    %get3A_3 = arith.constant 1 : index
    %get3A_4 = arith.constant 0 : index
    %get3A_5 = vector.load %arg2[%get3A_3, %get3A_4] : memref<2x2048xf32, #tpu.memory_space<vmem>>, vector<1x2048xf32>
    %get3A_6 = vector.shape_cast %get3A_5 : vector<1x2048xf32> to vector<2048xf32>
    %add3A = arith.addf %get3A_2, %get3A_6 : vector<2048xf32>
    %gt3A = arith.constant 0.000000e+00 : f32
    %gt3A_7 = vector.broadcast %gt3A : f32 to vector<2048xf32>
    %gt3A_8 = arith.cmpf ogt, %add3A, %gt3A_7 : vector<2048xf32>
    %rsqrt3A = math.rsqrt %add3A : vector<2048xf32>
    %jit3A = arith.constant 0.000000e+00 : f32
    %broadcast_in_dim3A = vector.broadcast %jit3A : f32 to vector<2048xf32>
    %select_n3A = arith.select %gt3A_8, %rsqrt3A, %broadcast_in_dim3A : vector<2048xi1>, vector<2048xf32>
    %get3A_9 = arith.constant 0 : index
    %get3A_10 = arith.constant 0 : index
    %get3A_11 = arith.constant 0 : index
    %get3A_12 = vector.load %arg1[%get3A_9, %get3A_10, %get3A_11] : memref<2x2048x128xf32, #tpu.memory_space<vmem>>, vector<1x2048x128xf32>
    %get3A_13 = vector.shape_cast %get3A_12 : vector<1x2048x128xf32> to vector<2048x128xf32>
    %get3A_14 = arith.constant 1 : index
    %get3A_15 = arith.constant 0 : index
    %get3A_16 = arith.constant 0 : index
    %get3A_17 = vector.load %arg1[%get3A_14, %get3A_15, %get3A_16] : memref<2x2048x128xf32, #tpu.memory_space<vmem>>, vector<1x2048x128xf32>
    %get3A_18 = vector.shape_cast %get3A_17 : vector<1x2048x128xf32> to vector<2048x128xf32>
    %add3A_19 = arith.addf %get3A_13, %get3A_18 : vector<2048x128xf32>
    %broadcast_in_dim3A_20 = vector.shape_cast %select_n3A : vector<2048xf32> to vector<2048x1xf32>
    %mul3A = vector.broadcast %broadcast_in_dim3A_20 : vector<2048x1xf32> to vector<2048x128xf32>
    %mul3A_21 = arith.mulf %add3A_19, %mul3A : vector<2048x128xf32>
    %get3A_22 = arith.constant 0 : index
    %get3A_23 = arith.constant 0 : index
    %get3A_24 = vector.load %arg4[%get3A_22, %get3A_23] : memref<1x128xf32, #tpu.memory_space<vmem>>, vector<1x128xf32>
    %add3A_25 = vector.broadcast %get3A_24 : vector<1x128xf32> to vector<2048x128xf32>
    %add3A_26 = arith.addf %mul3A_21, %add3A_25 : vector<2048x128xf32>
    %max3A = arith.constant 0.000000e+00 : f32
    %max3A_27 = vector.broadcast %max3A : f32 to vector<2048x128xf32>
    %max3A_28 = arith.maximumf %add3A_26, %max3A_27 : vector<2048x128xf32>
    %get3A_29 = arith.constant 0 : index
    %get3A_30 = arith.constant 0 : index
    %get3A_31 = vector.load %arg3[%get3A_29, %get3A_30] : memref<128x128xf32, #tpu.memory_space<vmem>>, vector<128x128xf32>
    %dot_general3A = arith.constant dense<0.000000e+00> : vector<2048x128xf32>
    %dot_general3A_32 = tpu.matmul %max3A_28, %get3A_31, %dot_general3A {dimension_numbers = #tpu.dot_dimension_numbers<[1], [0], [0], [1], [0, 0, 1, 1], [], []>, precision = #tpu.contract_precision<fp32>, transpose_lhs_hint = false} : vector<2048x128xf32>, vector<128x128xf32>, vector<2048x128xf32> -> vector<2048x128xf32>
    %broadcast_in_dim3A_33 = vector.shape_cast %select_n3A : vector<2048xf32> to vector<2048x1xf32>
    %mul3A_34 = vector.broadcast %broadcast_in_dim3A_33 : vector<2048x1xf32> to vector<2048x128xf32>
    %mul3A_35 = arith.mulf %dot_general3A_32, %mul3A_34 : vector<2048x128xf32>
    %swap3A = arith.constant 0 : index
    %swap3A_36 = arith.constant 0 : index
    %swap3A_37 = vector.load %arg5[%swap3A, %swap3A_36] : memref<2048x128xf32, #tpu.memory_space<vmem>>, vector<2048x128xf32>
    tpu.vector_store %arg5[%swap3A, %swap3A_36], %mul3A_35 {strides = array<i32>} : memref<2048x128xf32, #tpu.memory_space<vmem>>, vector<2048x128xf32>,
    return
  }
  func.func @transform_0(%arg0: i32) -> (i32, i32, i32) {
    %c0_i32 = arith.constant 0 : i32
    %c0_i32_0 = arith.constant 0 : i32
    %c0_i32_1 = arith.constant 0 : i32
    return %c0_i32, %arg0, %c0_i32_0 : i32, i32, i32
  }
  func.func @transform_1(%arg0: i32) -> (i32, i32) {
    %c0_i32 = arith.constant 0 : i32
    %c0_i32_0 = arith.constant 0 : i32
    return %c0_i32, %arg0 : i32, i32
  }
  func.func @transform_2(%arg0: i32) -> (i32, i32) {
    %c0_i32 = arith.constant 0 : i32
    %c0_i32_0 = arith.constant 0 : i32
    %c0_i32_1 = arith.constant 0 : i32
    return %c0_i32, %c0_i32_0 : i32, i32
  }
  func.func @transform_3(%arg0: i32) -> (i32, i32) {
    %c0_i32 = arith.constant 0 : i32
    %c0_i32_0 = arith.constant 0 : i32
    %c0_i32_1 = arith.constant 0 : i32
    return %c0_i32, %c0_i32_0 : i32, i32
  }
  func.func @transform_4(%arg0: i32) -> (i32, i32) {
    %c0_i32 = arith.constant 0 : i32
    %c0_i32_0 = arith.constant 0 : i32
    return %arg0, %c0_i32 : i32, i32
  }
}

module attributes {stable_mosaic.version = 14 : i64} {
  func.func @_final_body(%arg0: i32, %arg1: memref<2x2048x128xf32, #tpu.memory_space<vmem>>, %arg2: memref<2x2048xf32, #tpu.memory_space<vmem>>, %arg3: memref<1x128xf32, #tpu.memory_space<vmem>>, %arg4: memref<2048x128xf32, #tpu.memory_space<vmem>>) attributes {dimension_semantics = [#tpu.dimension_semantics<arbitrary>], iteration_bounds = array<i64: 5>, scalar_prefetch = 0 : i64, scratch_operands = 0 : i64, tpu.core_type = #tpu.core_type<tc>, window_params = [{transform_indices = @transform_0, window_bounds = array<i64: 2, 2048, 128>}, {transform_indices = @transform_1, window_bounds = array<i64: 2, 2048>}, {pipeline_mode = #tpu.pipeline_mode<synchronous>, transform_indices = @transform_2, window_bounds = array<i64: 1, 128>}, {transform_indices = @transform_3, window_bounds = array<i64: 2048, 128>}]} {
    %get3A = arith.constant 0 : index
    %get3A_0 = arith.constant 0 : index
    %get3A_1 = vector.load %arg2[%get3A, %get3A_0] : memref<2x2048xf32, #tpu.memory_space<vmem>>, vector<1x2048xf32>
    %get3A_2 = vector.shape_cast %get3A_1 : vector<1x2048xf32> to vector<2048xf32>
    %get3A_3 = arith.constant 1 : index
    %get3A_4 = arith.constant 0 : index
    %get3A_5 = vector.load %arg2[%get3A_3, %get3A_4] : memref<2x2048xf32, #tpu.memory_space<vmem>>, vector<1x2048xf32>
    %get3A_6 = vector.shape_cast %get3A_5 : vector<1x2048xf32> to vector<2048xf32>
    %add3A = arith.addf %get3A_2, %get3A_6 : vector<2048xf32>
    %gt3A = arith.constant 0.000000e+00 : f32
    %gt3A_7 = vector.broadcast %gt3A : f32 to vector<2048xf32>
    %gt3A_8 = arith.cmpf ogt, %add3A, %gt3A_7 : vector<2048xf32>
    %rsqrt3A = math.rsqrt %add3A : vector<2048xf32>
    %jit3A = arith.constant 0.000000e+00 : f32
    %broadcast_in_dim3A = vector.broadcast %jit3A : f32 to vector<2048xf32>
    %select_n3A = arith.select %gt3A_8, %rsqrt3A, %broadcast_in_dim3A : vector<2048xi1>, vector<2048xf32>
    %get3A_9 = arith.constant 0 : index
    %get3A_10 = arith.constant 0 : index
    %get3A_11 = arith.constant 0 : index
    %get3A_12 = vector.load %arg1[%get3A_9, %get3A_10, %get3A_11] : memref<2x2048x128xf32, #tpu.memory_space<vmem>>, vector<1x2048x128xf32>
    %get3A_13 = vector.shape_cast %get3A_12 : vector<1x2048x128xf32> to vector<2048x128xf32>
    %get3A_14 = arith.constant 1 : index
    %get3A_15 = arith.constant 0 : index
    %get3A_16 = arith.constant 0 : index
    %get3A_17 = vector.load %arg1[%get3A_14, %get3A_15, %get3A_16] : memref<2x2048x128xf32, #tpu.memory_space<vmem>>, vector<1x2048x128xf32>
    %get3A_18 = vector.shape_cast %get3A_17 : vector<1x2048x128xf32> to vector<2048x128xf32>
    %add3A_19 = arith.addf %get3A_13, %get3A_18 : vector<2048x128xf32>
    %broadcast_in_dim3A_20 = vector.shape_cast %select_n3A : vector<2048xf32> to vector<2048x1xf32>
    %mul3A = vector.broadcast %broadcast_in_dim3A_20 : vector<2048x1xf32> to vector<2048x128xf32>
    %mul3A_21 = arith.mulf %add3A_19, %mul3A : vector<2048x128xf32>
    %get3A_22 = arith.constant 0 : index
    %get3A_23 = arith.constant 0 : index
    %get3A_24 = vector.load %arg3[%get3A_22, %get3A_23] : memref<1x128xf32, #tpu.memory_space<vmem>>, vector<1x128xf32>
    %add3A_25 = vector.broadcast %get3A_24 : vector<1x128xf32> to vector<2048x128xf32>
    %add3A_26 = arith.addf %mul3A_21, %add3A_25 : vector<2048x128xf32>
    %swap3A = arith.constant 0 : index
    %swap3A_27 = arith.constant 0 : index
    %swap3A_28 = vector.load %arg4[%swap3A, %swap3A_27] : memref<2048x128xf32, #tpu.memory_space<vmem>>, vector<2048x128xf32>
    tpu.vector_store %arg4[%swap3A, %swap3A_27], %add3A_26 {strides = array<i32>} : memref<2048x128xf32, #tpu.memory_space<vmem>>, vector<2048x128xf32>,
    return
  }
  func.func @transform_0(%arg0: i32) -> (i32, i32, i32) {
    %c0_i32 = arith.constant 0 : i32
    %c0_i32_0 = arith.constant 0 : i32
    %c0_i32_1 = arith.constant 0 : i32
    return %c0_i32, %arg0, %c0_i32_0 : i32, i32, i32
  }
  func.func @transform_1(%arg0: i32) -> (i32, i32) {
    %c0_i32 = arith.constant 0 : i32
    %c0_i32_0 = arith.constant 0 : i32
    return %c0_i32, %arg0 : i32, i32
  }
  func.func @transform_2(%arg0: i32) -> (i32, i32) {
    %c0_i32 = arith.constant 0 : i32
    %c0_i32_0 = arith.constant 0 : i32
    %c0_i32_1 = arith.constant 0 : i32
    return %c0_i32, %c0_i32_0 : i32, i32
  }
  func.func @transform_3(%arg0: i32) -> (i32, i32) {
    %c0_i32 = arith.constant 0 : i32
    %c0_i32_0 = arith.constant 0 : i32
    return %arg0, %c0_i32 : i32, i32
  }
}

</mosaic_0001>

<sc_bundles>
// kernel: kernel.11.cloned.1.call-start
scs
__scs_entry_jumppad:
0x0: {  	(pc) =	sbr.rel $0x88, $3  }
0x1: {  	(tag) =	ssettag $0x0;
	lr =	simm.s32 $0x1  }
0x2: {  	[smem:$0x3F9B] =	sst lr;
	_ =	strace $0xD0000000  }
0x3: {  	_ = 	snop  }
0x4: {  	_ = 	snop  }
0x5: {  	_ = 	snop  }
0x6: {  	_ = 	snop  }
0x7: {  	_ = 	snop  }
__scs_overlays_trampoline_lowered:
0x8: {  	[smem:$0x3FAA] =	sst s0  }
0x9: {  	[smem:$0x3FAB] =	sst s1  }
0xa: {  	[smem:$0x3FAC] =	sst s2  }
0xb: {  	[smem:$0x3FAD] =	sst s3  }
0xc: {  	[smem:$0x3FAE] =	sst s4  }
0xd: {  	[smem:$0x3FAF] =	sst s5  }
0xe: {  	[smem:$0x3FB0] =	sst s6  }
0xf: {  	[smem:$0x3FB1] =	sst s7  }
0x10: {  	[smem:$0x3FB2] =	sst s8  }
0x11: {  	[smem:$0x3FB3] =	sst s9;
	s0 =	simm.s32 @!p0 $0x0  }
0x12: {  	s1 =	sld [smem:$0x3F99];
	s0 =	simm.s32 @p0 $0x1  }
0x13: {  	[smem:$0x3FB4] =	sst s0;
	s0 =	simm.s32 @!p1 $0x0  }
0x14: {  	s2 =	sld [smem:$0x3F98];
	s0 =	simm.s32 @p1 $0x1  }
0x15: {  	[smem:$0x3FB5] =	sst s0;
	s0 =	simm.s32 @!p2 $0x0  }
0x16: {  	s3 =	sld [smem:$0x3FDB];
	s0 =	simm.s32 @p2 $0x1  }
0x17: {  	s4 =	simm.s32 $0x1BF5;
	[smem:$0x3FB7] =	sst s0  }
0x18: {  	s0 =	sld [smem:$0x3F9A];
	_ =	swait.ge [sflag:s4], $0x0  }
0x19: {  	s7 =	sld [smem:$0x3F9B]  }
0x1a: {  	s8 =	sadd.s32 $0xFFFFE003, lr  }
0x1b: {  	s9 =	sadd.s32 $0xFFFFFEF7, lr;
	s5 =	simm.s32 $0xFFFFFFFF;
	p2 =	slt.u32 s8, $0xFFFFF086  }
0x1c: {  	p1 =	slt.u32 s9, $0xF7A;
	s5 =	simm.s32 @!p2 $0x0  }
0x1d: {  	s5 =	simm.s32 @p1 $0x1;
	p0 =	seq.s32 s7, s2  }
0x1e: {  	s7 =	smul.u32 @!p0 $0xF7A, s2;
	p2 =	seq.s32 @!p0 s5, $0x0  }
0x1f: {  	s9 =	smul.u32 $0xF7A, s1;
	s8 =	simm.s32 @!p0 $0x1BF5;
	p2 =	por !p2, p0  }
0x20: {  	[sflag:s8] =	ssyncset.s32 @!p0 $0xFFFFF086;
	s6 =	sadd.s32 @!p0 s3, s7;
	s7 =	simm.s32 @!p0 $0x108  }
0x21: {  	s3 =	sadd.s32 s3, s9;
	s6 =	sadd.s32 @!p0 $0x88, s6;
	s7 =	simm.s32 @p2 $0x1082  }
0x22: {  	[simem:s7], [sflag:s8] =	dma.local @!p0 [hbm:s6], $0xF7A  }
0x23: {  	s9 =	sor.u32 $0xD0000000, s2;
	s6 =	simm.s32 $0x108;
	_ =	swait.ge @!p0 [sflag:s8], $0x0  }
0x24: {  	s3 =	sadd.s32 $0x88, s3;
	s6 =	simm.s32 @!p1 $0x1082;
	[sflag:s4] =	ssyncset.s32 $0xFFFFF086  }
0x25: {  	[simem:s6], [sflag:s4] =	dma.local [hbm:s3], $0xF7A  }
0x26: {  	[smem:$0x3F9B] =	sst s1;
	(tag) =	ssettag s2;
	_ =	strace s9  }
0x27: {  	s1 =	sld [smem:$0x3FAB]  }
0x28: {  	s2 =	sld [smem:$0x3FAC]  }
0x29: {  	s4 =	sld [smem:$0x3FAE]  }
0x2a: {  	p0 =	seq.s32 s5, $0x0;
	s5 =	sld [smem:$0x3FAF]  }
0x2b: {  	s6 =	sld [smem:$0x3FB0]  }
0x2c: {  	s7 =	sld [smem:$0x3FB1]  }
0x2d: {  	s3 =	simm.s32 $0x108;
	s8 =	sld [smem:$0x3FB2]  }
0x2e: {  	s3 =	simm.s32 @!p0 $0x1082;
	s9 =	sld [smem:$0x3FB3]  }
0x2f: {  	lr =	sadd.s32 s0, s3;
	s0 =	sld [smem:$0x3FAA]  }
0x30: {  	s3 =	sld [smem:$0x3FAD]  }
0x31: {  	[smem:$0x3FB6] =	sst s10  }
0x32: {  	s10 =	sld [smem:$0x3FB4];
	_ =	sdelay $0x3  }
0x33: {  	p0 =	seq.s32 s10, $0x1;
	s10 =	sld [smem:$0x3FB6];
	_ =	sdelay $0x3  }
0x34: {  	[smem:$0x3FB6] =	sst s10  }
0x35: {  	s10 =	sld [smem:$0x3FB5];
	_ =	sdelay $0x3  }
0x36: {  	p1 =	seq.s32 s10, $0x1;
	s10 =	sld [smem:$0x3FB6];
	_ =	sdelay $0x3  }
0x37: {  	[smem:$0x3FB6] =	sst s10  }
0x38: {  	s10 =	sld [smem:$0x3FB7]  }
0x39: {  	_ = 	snop;
	(pc) =	sbr.ind lr, $3  }
0x3a: {  	_ = 	snop  }
0x3b: {  	_ = 	snop  }
0x3c: {  	p2 =	seq.s32 s10, $0x1;
	s10 =	sld [smem:$0x3FB6]  }
0x3d: {  	_ =	shalt  }
0x3e: {  	_ =	shalt  }
0x3f: {  	_ =	shalt  }
0x40: {  	_ =	shalt  }
0x41: {  	_ =	shalt  }
0x42: {  	_ =	shalt  }
0x43: {  	_ =	shalt  }
0x44: {  	_ =	shalt  }
0x45: {  	_ =	shalt  }
0x46: {  	_ =	shalt  }
0x47: {  	_ =	shalt  }
0x48: {  	_ =	shalt  }
0x49: {  	_ =	shalt  }
0x4a: {  	_ =	shalt  }
0x4b: {  	_ =	shalt  }
0x4c: {  	_ =	shalt  }
0x4d: {  	_ =	shalt  }
0x4e: {  	_ =	shalt  }
0x4f: {  	_ =	shalt  }
0x50: {  	_ =	shalt  }
0x51: {  	_ =	shalt  }
0x52: {  	_ =	shalt  }
0x53: {  	_ =	shalt  }
0x54: {  	_ =	shalt  }
0x55: {  	_ =	shalt  }
0x56: {  	_ =	shalt  }
0x57: {  	_ =	shalt  }
0x58: {  	_ =	shalt  }
0x59: {  	_ =	shalt  }
0x5a: {  	_ =	shalt  }
0x5b: {  	_ =	shalt  }
0x5c: {  	_ =	shalt  }
0x5d: {  	_ =	shalt  }
0x5e: {  	_ =	shalt  }
0x5f: {  	_ =	shalt  }
0x60: {  	_ =	shalt  }
0x61: {  	_ =	shalt  }
0x62: {  	_ =	shalt  }
0x63: {  	_ =	shalt  }
0x64: {  	_ =	shalt  }
0x65: {  	_ =	shalt  }
0x66: {  	_ =	shalt  }
0x67: {  	_ =	shalt  }
0x68: {  	_ =	shalt  }
0x69: {  	_ =	shalt  }
0x6a: {  	_ =	shalt  }
0x6b: {  	_ =	shalt  }
0x6c: {  	_ =	shalt  }
0x6d: {  	_ =	shalt  }
0x6e: {  	_ =	shalt  }
0x6f: {  	_ =	shalt  }
0x70: {  	_ =	shalt  }
0x71: {  	_ =	shalt  }
0x72: {  	_ =	shalt  }
0x73: {  	_ =	shalt  }
0x74: {  	_ =	shalt  }
0x75: {  	_ =	shalt  }
0x76: {  	_ =	shalt  }
0x77: {  	_ =	shalt  }
0x78: {  	_ =	shalt  }
0x79: {  	_ =	shalt  }
0x7a: {  	_ =	shalt  }
0x7b: {  	_ =	shalt  }
0x7c: {  	_ =	shalt  }
0x7d: {  	_ =	shalt  }
0x7e: {  	_ =	shalt  }
0x7f: {  	_ =	shalt  }
0x80: {  	_ =	shalt  }
0x81: {  	_ =	shalt  }
0x82: {  	_ =	shalt  }
0x83: {  	_ =	shalt  }
0x84: {  	_ =	shalt  }
0x85: {  	_ =	shalt  }
0x86: {  	_ =	shalt  }
0x87: {  	_ =	shalt  }
.Lfunc_end0:
.L_simem_size_0:
called_computation.1_lowered:
.L_overlay_start_0:
0x88: {  	s2 =	sld [smem:$0x3FD9]  }
0x89: {  	s3 =	sld [smem:$0x3FFE];
	_ =	sdelay $0x1  }
0x8a: {  	s1 =	srdreg.scid  }
0x8b: {  	s0 =	sand.u32 $0x1, s1  }
0x8c: {  	s17 =	sshll.u32 s0, $0xA;
	s2 =	sadd.s32 s3, s2  }
0x8d: {  	s2 =	sadd.s32 s2, s17  }
0x8e: {  	[smem:$0x3FC2] =	sst s2  }
0x8f: {  	_ = 	snop  }
0x90: {  	s2 =	sld [smem:$0x3FD0];
	(tm) =	ssettm $0x1  }
0x91: {  	s18 =	sld [smem:$0x3FFB];
	_ =	sdelay $0x3  }
0x92: {  	_ =	strace s18  }
0x93: {  	s3 =	sld [smem:$0x3FFC];
	_ =	sdelay $0x3  }
0x94: {  	_ =	strace s3  }
0x95: {  	s3 =	sld [smem:$0x3FFD];
	_ =	sdelay $0x3  }
0x96: {  	_ =	strace s3  }
0x97: {  	_ =	strace $0x8FFFFFFF  }
0x98: {  	s19 =	sld [smem:$0x3FDB];
	_ =	sdelay $0x1  }
0x99: {  	s4 =	simm.s32 $_scs_section_size  }
0x9a: {  	s5 =	simm.s32 $_size__tile_overlayer_lowered;
	s6 =	simm.s32 $_tile_overlayer_lowered  }
0x9b: {  	s22 =	simm.s32 $0x1BFF;
	s21 =	sshll.u32 s6, $0x1;
	s3 =	sadd.s32 s4, s19  }
0x9c: {  	s7 =	simm.s32 $0x0;
	s20 =	sshll.u32 s5, $0x1;
	s5 =	sadd.s32 s21, s3  }
0x9d: {  	[timem:s7], [sflag:s22] =	dma.local [hbm:s5], s20  }
0x9e: {  	_ =	swait.ge [sflag:s22], s20  }
0x9f: {  	s4 =	ssub.s32 $0x0, s20;
	[sflag:s22] =	ssyncset.done $0x0  }
0xa0: {  	[sflag:s22] =	ssyncadd.s32 s4;
	_ =	sdelay $0x1  }
0xa1: {  	s23 =	simm.s32 $0x1B8B  }
0xa2: {  	_ =	swait.ge [sflag:s23], $0x1  }
0xa3: {  	[sflag:s23] =	ssyncset.done $0x0  }
0xa4: {  	s25 =	simm.s32 $0x1B8E;
	s24 =	sld [smem:$0x3FFE];
	[sflag:s23] =	ssyncadd.s32 $0xFFFFFFFF  }
0xa5: {  	s26 =	simm.s32 $execute0_lowered;
	[smem:$0x3FD2] =	sst s25  }
0xa6: {  	s5 =	sshll.u32 s26, $0x1;
	_ =	strace $0x80000049;
	[dreg:$0x1] =	wrdreg $0xFFFFFFFF  }
0xa7: {  	s28 =	simm.s32 $_size_execute0_lowered;
	s3 =	sadd.s32 s3, s5;
	[dreg:$0x0] =	wrdreg $0x0  }
0xa8: {  	s5 =	sshll.u32 s28, $0x1;
	[dreg:$0x2] =	wrdreg s3  }
0xa9: {  	[dreg:$0x3] =	wrdreg s5  }
0xaa: {  	[dreg:$0x4] =	wrdreg $0xC0  }
0xab: {  	_ =	task [dreg:s7], $0x5FFFF  }
0xac: {  	[dreg:$0x1] =	wrdreg $0xFFFFFFFF  }
0xad: {  	[dreg:$0x0] =	wrdreg $0x60  }
0xae: {  	[dreg:$0x2] =	wrdreg s2  }
0xaf: {  	[dreg:$0x3] =	wrdreg s24  }
0xb0: {  	[dreg:$0x4] =	wrdreg $0xA0000  }
0xb1: {  	[dreg:$0x5] =	wrdreg $0x9  }
0xb2: {  	_ =	task.clear_ibuf [dreg:s7], $0x6FFFF;
	_ =	strace $0x90000049  }
0xb3: {  	s29 =	simm.s32 $0x9;
	_ =	strace $0x8000004B  }
0xb4: {  	_ =	swait.ge [sflag:s29], $0x1  }
0xb5: {  	[sflag:s29] =	ssyncadd.s32 $0xFFFFFFFF  }
0xb6: {  	_ =	strace $0x9000004B  }
0xb7: {  	_ =	sfence  }
0xb8: {  	s30 =	sld [smem:$0x0];
	_ =	sdelay $0x2  }
0xb9: {  	s31 =	sshll.u32 s1, $0xD;
	s1 =	sshrl.u32 s1, $0x2  }
0xba: {  	s3 =	sand.u32 $0x4000, s31;
	s1 =	sadd.s32 s1, s30  }
0xbb: {  	s0 =	sor.u32 s3, s0;
	s1 =	sshll.u32 s1, $0x11  }
0xbc: {  	s0 =	sor.u32 s1, s0  }
0xbd: {  	s0 =	sadd.s32 $0x8F2B, s0  }
0xbe: {  	[sflag:s0] =	ssyncadd.remote.s32 $0x1  }
0xbf: {  	_ =	sfence.sel $0xFFFF  }
0xc0: {  	[dreg:$0x0] =	wrdreg $0xFFFFFFFF;
	(pc) =	sbr.abs _section_cstart, $3  }
0xc1: {  	[dreg:$0x1] =	wrdreg $0xFFFFFFFF  }
0xc2: {  	_ =	task.clear_ibuf [dreg:s7], $0x2FFFF;
	_ =	strace $0x9FFFFFFF  }
0xc3: {  	(tm) =	ssettm $0x7FFFFFFF  }
tec
execute0_lowered:
.L_overlay_start_1:
0x0: {  	(tag) =	ssettag $0x1  }
0x1: {  	s1 =	rddreg [dreg:$0x0]  }
0x2: {  	s0 =	rddreg [dreg:$0x1];
	s10 =	stileid.u32  }
0x3: {  	s2 =	rddreg [dreg:$0x2];
	s8 =	smul.u32 $0x14000, s10  }
0x4: {  	s3 =	srdreg.scid;
	s16 =	smul.u32 $0x5000, s10  }
0x5: {  	s4 =	simm.s32 $0x0;
	s12 =	simm.s32 $0x1000;
	s10 =	smul.u32 $0x50000, s10  }
0x6: {  	s28 =	simm.s32 $0x6000;
	s29 =	simm.s32 $0x8000;
	s30 =	simm.s32 $0x1  }
0x7: {  	s31 =	simm.s32 $0x0;
	s3 =	sand.u32 $0x1, s3;
	s17 =	sshrl.u32 s10, $0x2  }
0x8: {  	[smem:$0x7FF] =	sst s4;
	s5 =	sadd.s32 $0x16A00, s0;
	s10 =	sadd.s32 s17, s2  }
0x9: {  	s6 =	sadd.s32 $0x2A00, s0;
	s7 =	smul.u32 $0x140000, s3;
	s19 =	sadd.s32 $0x2000, s10  }
0xa: {  	_ =	strace $0x8000004A;
	s20 =	sadd.s32 $0x4000, s10;
	[dreg:$0x6] =	wrdreg s19  }
0xb: {  	s9 =	smul.u32 $0x50000, s3;
	s21 =	sadd.s32 $0x6000, s10;
	[dreg:$0x7] =	wrdreg s20  }
0xc: {  	s3 =	ssub.s32 $0x2, s3;
	s22 =	sadd.s32 $0x8000, s10;
	[dreg:$0x8] =	wrdreg s21  }
0xd: {  	s11 =	sshrl.u32 s3, $0x1;
	s23 =	sadd.s32 $0xA000, s10;
	[dreg:$0x9] =	wrdreg s22  }
0xe: {  	s7 =	sadd.s32 s8, s7;
	s24 =	sadd.s32 $0xC000, s10;
	[dreg:$0xa] =	wrdreg s23  }
0xf: {  	s3 =	ssub.s32 s3, s11;
	s25 =	sadd.s32 $0xE000, s10;
	[dreg:$0xb] =	wrdreg s24  }
0x10: {  	s7 =	sshrl.u32 s7, $0x3;
	s26 =	sadd.s32 $0x10000, s10;
	[dreg:$0xc] =	wrdreg s25  }
0x11: {  	s0 =	sadd.s32 s7, s0;
	s7 =	sadd.s32 s16, s9;
	[dreg:$0xd] =	wrdreg s26  }
0x12: {  	s19 =	sadd.s32 $0x12000, s10;
	s21 =	smax.u32 s3, $0x1;
	s8 =	sshrl.u32 s7, $0x3  }
0x13: {  	s22 =	simm.s32 $0x3;
	s24 =	simm.s32 $0x40;
	s18 =	sadd.s32 s5, s8  }
0x14: {  	s25 =	simm.s32 $0x4000;
	s8 =	sadd.s32 s6, s8;
	[dreg:$0x4] =	wrdreg s18  }
0x15: {  	v0 =	vimm.f32 $0.0e+00;
	s3 =	simm.s32 $0x2;
	s20 =	sadd.s32 $0x2AA00, s0;
	[dreg:$0x5] =	wrdreg s8  }
.LBB2_1:
0x16: {  	s0 =	rddreg [dreg:$0x4]  }
0x17: {  	[tilespmem:s4], [sflag:$0x3] =	stream.linear.gather [hbm4b:s0+s4], $0x1000, $0x38;
	[tilespmem:$0x1E000] =	vst v63  }
0x18: {  	_ =	swait.ge [sflag:s22], $0x1000  }
0x19: {  	[sflag:s22] =	ssyncset.done $0x0  }
0x1a: {  	s18 =	rddreg [dreg:$0x5];
	[sflag:s22] =	ssyncadd.s32 $0xFFFFF000  }
0x1b: {  	[tilespmem:s12], [sflag:$0x3] =	stream.linear.gather [hbm4b:s18+s4], $0x1000, $0x38;
	[tilespmem:$0x1E000] =	vst v63  }
0x1c: {  	_ =	swait.ge [sflag:s22], $0x1000  }
0x1d: {  	s23 =	simm.s32 $0x80;
	s26 =	sand.u32 $0x7E00, s4;
	[sflag:s22] =	ssyncset.done $0x0  }
0x1e: {  	s8 =	sand.u32 $0x70, s4;
	s9 =	sshrl.u32 s26, $0x2;
	[sflag:s22] =	ssyncadd.s32 $0xFFFFF000  }
0x1f: {  	[tilespmem:s25], [sflag:$0x1] =	stream.indirect.gather [hbm4b:s1+s24], $0x80, s4, s24, $0xb8;
	[tilespmem:$0x1E000] =	vst v63  }
0x20: {  	s0 =	simm.s32 $0x40;
	s9 =	sor.u32 s8, s9;
	s8 =	simm.s32 $0x0  }
0x21: {  	[tilespmem:s28], [sflag:$0x1] =	stream.indirect.gather [hbm4b:s1+s24], $0x80, s23, s24, $0xb8;
	[tilespmem:$0x1E000] =	vst v63  }
.LBB2_2:
0x22: {  	p0 =	sne.s32 s0, $0x7FC0  }
0x23: {  	[tilespmem:s9+$0x8000] =	vst v0;
	s8 =	sadd.s32 $0x10, s8;
	s9 =	smov.u32 s0;
	s0 =	sadd.s32 $0x40, s0  }
.Ltmp0:
0x24: {  	(pc) =	sbr.rel @p0 .LBB2_2-.Ltmp0, $4  }
0x25: {  	_ = 	snop  }
0x26: {  	s9 =	sand.u32 $0x7E00, s9  }
0x27: {  	s11 =	sand.u32 $0x70, s8;
	s9 =	sshrl.u32 s9, $0x2  }
0x28: {  	s9 =	sor.u32 s11, s9  }
0x29: {  	[tilespmem:s9+$0x8000] =	vst v0;
	s0 =	simm.s32 $0x3  }
0x2a: {  	[spmem:s10] =	stream.linear.scatter [tilespmem:s29], [sflag:$0x3], $0x2000, $0x38;
	[tilespmem:$0x1E000] =	vst v63  }
0x2b: {  	_ =	swait.ge [sflag:s0], $0x2000  }
0x2c: {  	[sflag:s0] =	ssyncset.done $0x0  }
0x2d: {  	s8 =	rddreg [dreg:$0x6];
	[sflag:s0] =	ssyncadd.s32 $0xFFFFE000  }
0x2e: {  	[spmem:s8] =	stream.linear.scatter [tilespmem:s29], [sflag:$0x3], $0x2000, $0x38;
	[tilespmem:$0x1E000] =	vst v63  }
0x2f: {  	_ =	swait.ge [sflag:s0], $0x2000  }
0x30: {  	[sflag:s0] =	ssyncset.done $0x0  }
0x31: {  	s26 =	rddreg [dreg:$0x7];
	[sflag:s0] =	ssyncadd.s32 $0xFFFFE000  }
0x32: {  	[spmem:s26] =	stream.linear.scatter [tilespmem:s29], [sflag:$0x3], $0x2000, $0x38;
	[tilespmem:$0x1E000] =	vst v63  }
0x33: {  	_ =	swait.ge [sflag:s0], $0x2000  }
0x34: {  	[sflag:s0] =	ssyncset.done $0x0  }
0x35: {  	s9 =	rddreg [dreg:$0x8];
	[sflag:s0] =	ssyncadd.s32 $0xFFFFE000  }
0x36: {  	[spmem:s9] =	stream.linear.scatter [tilespmem:s29], [sflag:$0x3], $0x2000, $0x38;
	[tilespmem:$0x1E000] =	vst v63  }
0x37: {  	_ =	swait.ge [sflag:s0], $0x2000  }
0x38: {  	[sflag:s0] =	ssyncset.done $0x0  }
0x39: {  	s11 =	rddreg [dreg:$0x9];
	[sflag:s0] =	ssyncadd.s32 $0xFFFFE000  }
0x3a: {  	[spmem:s11] =	stream.linear.scatter [tilespmem:s29], [sflag:$0x3], $0x2000, $0x38;
	[tilespmem:$0x1E000] =	vst v63  }
0x3b: {  	_ =	swait.ge [sflag:s0], $0x2000  }
0x3c: {  	[sflag:s0] =	ssyncset.done $0x0  }
0x3d: {  	s13 =	rddreg [dreg:$0xa];
	[sflag:s0] =	ssyncadd.s32 $0xFFFFE000  }
0x3e: {  	[spmem:s13] =	stream.linear.scatter [tilespmem:s29], [sflag:$0x3], $0x2000, $0x38;
	[tilespmem:$0x1E000] =	vst v63  }
0x3f: {  	_ =	swait.ge [sflag:s0], $0x2000  }
0x40: {  	[sflag:s0] =	ssyncset.done $0x0  }
0x41: {  	s14 =	rddreg [dreg:$0xb];
	[sflag:s0] =	ssyncadd.s32 $0xFFFFE000  }
0x42: {  	[spmem:s14] =	stream.linear.scatter [tilespmem:s29], [sflag:$0x3], $0x2000, $0x38;
	[tilespmem:$0x1E000] =	vst v63  }
0x43: {  	_ =	swait.ge [sflag:s0], $0x2000  }
0x44: {  	[sflag:s0] =	ssyncset.done $0x0  }
0x45: {  	s15 =	rddreg [dreg:$0xc];
	[sflag:s0] =	ssyncadd.s32 $0xFFFFE000  }
0x46: {  	[spmem:s15] =	stream.linear.scatter [tilespmem:s29], [sflag:$0x3], $0x2000, $0x38;
	[tilespmem:$0x1E000] =	vst v63  }
0x47: {  	_ =	swait.ge [sflag:s0], $0x2000  }
0x48: {  	[sflag:s0] =	ssyncset.done $0x0  }
0x49: {  	s16 =	rddreg [dreg:$0xd];
	[sflag:s0] =	ssyncadd.s32 $0xFFFFE000  }
0x4a: {  	[spmem:s16] =	stream.linear.scatter [tilespmem:s29], [sflag:$0x3], $0x2000, $0x38;
	[tilespmem:$0x1E000] =	vst v63  }
0x4b: {  	_ =	swait.ge [sflag:s0], $0x2000  }
0x4c: {  	[sflag:s0] =	ssyncset.done $0x0  }
0x4d: {  	[sflag:s0] =	ssyncadd.s32 $0xFFFFE000  }
0x4e: {  	[spmem:s19] =	stream.linear.scatter [tilespmem:s29], [sflag:$0x3], $0x2000, $0x38;
	[tilespmem:$0x1E000] =	vst v63  }
0x4f: {  	_ =	swait.ge [sflag:s0], $0x2000  }
0x50: {  	s23 =	simm.s32 $0x2;
	[sflag:s0] =	ssyncset.done $0x0  }
0x51: {  	s8 =	smul.u32 $0xAB, s23;
	[sflag:s0] =	ssyncadd.s32 $0xFFFFE000  }
0x52: {  	[bflag:$0x0] =	sbarrier.arrive $0xFFFF  }
0x53: {  	s8 =	sshrl.u32 s8, $0x9;
	_ =	swait.ge [sflag:s30], $0x2000  }
0x54: {  	s8 =	sand.u32 $0x7F, s8;
	[sflag:s30] =	ssyncset.done $0x0  }
0x55: {  	s17 =	simm.s32 $0x100;
	s8 =	smul.u32 $0x3, s8;
	[sflag:s30] =	ssyncadd.s32 $0xFFFFE000  }
0x56: {  	[spmem:s2] =	stream.indirect.scatter.add.f32 [tilespmem:s25], [sflag:$0x2], $0x80, s12, s24, $0xb8;
	[tilespmem:$0x1E000] =	vst v63  }
0x57: {  	s18 =	simm.s32 $0x1080;
	s8 =	ssub.s32 $0x2, s8;
	s12 =	sand.u32 $0x9F, s23  }
0x58: {  	[tilespmem:s29], [sflag:$0x1] =	stream.indirect.gather [hbm4b:s1+s24], $0x80, s17, s24, $0xb8;
	[tilespmem:$0x1E000] =	vst v63  }
0x59: {  	s0 =	sand.u32 $0xFF, s0;
	p0 =	sne.s32 s12, $0x4;
	_ =	swait.ge [sflag:s30], $0x2000  }
0x5a: {  	s0 =	smul.u32 $0xAB, s0;
	s9 =	sadd.s32 @!p0 $0x1000, s7;
	[sflag:s30] =	ssyncset.done $0x0  }
0x5b: {  	s11 =	simm.s32 @!p0 $0x2000;
	s9 =	sshrl.u32 @!p0 s9, $0x3;
	[sflag:s30] =	ssyncadd.s32 $0xFFFFE000  }
0x5c: {  	[spmem:s2] =	stream.indirect.scatter.add.f32 [tilespmem:s28], [sflag:$0x2], $0x80, s18, s24, $0xb8;
	[tilespmem:$0x1E000] =	vst v63  }
0x5d: {  	s12 =	simm.s32 @!p0 $0x0;
	s11 =	sand.u32 @!p0 $0x2000, s11;
	s26 =	sadd.s32 @!p0 s5, s9  }
0x5e: {  	[tilespmem:s11], [sflag:$0x3] =	stream.linear.gather @!p0 [hbm4b:s26+s12], $0x1000, $0x38;
	[tilespmem:$0x1E000] =	vst v63  }
0x5f: {  	s8 =	sand.u32 $0xFF, s8;
	s26 =	simm.s32 @!p0 $0x3  }
0x60: {  	s13 =	simm.s32 $0xC00;
	s0 =	sshrl.u32 s0, $0x9;
	_ =	swait.ge @!p0 [sflag:s26], $0x1000  }
0x61: {  	s14 =	simm.s32 $0x600;
	s15 =	smul.u32 $0x3, s0;
	[sflag:s26] =	ssyncset.done @!p0 $0x0  }
0x62: {  	s9 =	sadd.s32 @!p0 s6, s9;
	s11 =	sor.u32 @!p0 $0x1000, s11;
	[sflag:s26] =	ssyncadd.s32 @!p0 $0xFFFFF000  }
0x63: {  	[tilespmem:s11], [sflag:$0x3] =	stream.linear.gather @!p0 [hbm4b:s9+s12], $0x1000, $0x38;
	[tilespmem:$0x1E000] =	vst v63  }
0x64: {  	s0 =	simm.s32 $0x1000;
	s23 =	simm.s32 $0x800;
	_ =	swait.ge @!p0 [sflag:s26], $0x1000  }
0x65: {  	s17 =	sshll.u32 s8, $0xD;
	s18 =	simm.s32 $0x400;
	[sflag:s26] =	ssyncset.done @!p0 $0x0  }
0x66: {  	s11 =	sand.u32 $0x3E00, s14;
	s12 =	ssub.s32 $0x3, s15;
	[sflag:s26] =	ssyncadd.s32 @!p0 $0xFFFFF000  }
0x67: {  	s9 =	sand.u32 $0x8000, s13;
	s12 =	sand.u32 $0xFF, s12;
	_ =	swait.ge [sflag:s3], $0x2000  }
0x68: {  	s9 =	sor.u32 s11, s9;
	s16 =	sshll.u32 s12, $0xD;
	[sflag:s3] =	ssyncset.done $0x0  }
0x69: {  	s9 =	sshrl.u32 s9, $0x2;
	s11 =	sadd.s32 $0x4000, s16;
	[sflag:s3] =	ssyncadd.s32 $0xFFFFE000  }
0x6a: {  	[tilespmem:s11], [sflag:$0x1] =	stream.indirect.gather [hbm4b:s1+s24], $0x80, s9, s24, $0xb8;
	[tilespmem:$0x1E000] =	vst v63  }
0x6b: {  	s8 =	sand.u32 $0x3E00, s18;
	s26 =	simm.s32 $0x800;
	s11 =	sand.u32 $0x8000, s23  }
0x6c: {  	s9 =	sadd.s32 $0x4000, s17;
	_ =	swait.ge [sflag:s30], $0x2000;
	s11 =	sor.u32 s8, s11  }
0x6d: {  	s8 =	simm.s32 $0x4;
	[sflag:s30] =	ssyncset.done $0x0;
	s11 =	sshrl.u32 s11, $0x2  }
.LBB2_4:
0x6e: {  	s12 =	sadd.s32 $0xFFFFFFFF, s8;
	[sflag:s30] =	ssyncadd.s32 $0xFFFFE000  }
0x6f: {  	s11 =	sor.u32 $0x1000, s11;
	s13 =	smov.u32 s0;
	s14 =	smov.u32 s26  }
0x70: {  	[spmem:s2] =	stream.indirect.scatter.add.f32 [tilespmem:s9], [sflag:$0x2], $0x80, s11, s24, $0xb8;
	[tilespmem:$0x1E000] =	vst v63  }
0x71: {  	s0 =	sadd.s32 $0x400, s0;
	s9 =	sand.u32 $0x9F, s12;
	s11 =	smul.u32 $0xAB, s12  }
0x72: {  	p0 =	sne.s32 s0, $0x28000;
	p1 =	sne.s32 s9, $0x4  }
0x73: {  	s9 =	sshrl.u32 @!p1 s12, $0x5;
	s11 =	sshrl.u32 s11, $0x9  }
0x74: {  	s9 =	sadd.s32 @!p1 $0x1, s9;
	s11 =	sand.u32 $0x7F, s11  }
0x75: {  	s15 =	sshll.u32 @!p1 s9, $0xC;
	s9 =	sshll.u32 @!p1 s9, $0xD;
	s11 =	smul.u32 $0x3, s11  }
0x76: {  	s15 =	sadd.s32 @!p1 s7, s15;
	s9 =	sand.u32 @!p1 $0x2000, s9  }
0x77: {  	s16 =	simm.s32 @!p1 $0x3;
	s15 =	sshrl.u32 @!p1 s15, $0x3;
	s17 =	sor.u32 @!p1 $0x1000, s9  }
0x78: {  	s23 =	simm.s32 @!p1 $0x0;
	s18 =	sadd.s32 @!p1 s5, s15;
	s15 =	sadd.s32 @!p1 s6, s15  }
0x79: {  	[tilespmem:s9], [sflag:$0x3] =	stream.linear.gather @!p1 [hbm4b:s18+s23], $0x1000, $0x38;
	[tilespmem:$0x1E000] =	vst v63  }
0x7a: {  	s11 =	ssub.s32 s12, s11;
	s9 =	sand.u32 $0xFF, s8;
	_ =	swait.ge @!p1 [sflag:s16], $0x1000  }
0x7b: {  	s11 =	sand.u32 $0xFF, s11;
	s9 =	smul.u32 $0xAB, s9;
	[sflag:s16] =	ssyncset.done @!p1 $0x0  }
0x7c: {  	s26 =	sadd.s32 $0x200, s26;
	s11 =	sshll.u32 s11, $0xD;
	[sflag:s16] =	ssyncadd.s32 @!p1 $0xFFFFF000  }
0x7d: {  	[tilespmem:s17], [sflag:$0x3] =	stream.linear.gather @!p1 [hbm4b:s15+s23], $0x1000, $0x38;
	[tilespmem:$0x1E000] =	vst v63  }
0x7e: {  	s12 =	sadd.s32 $0xFFFFFE00, s14;
	s9 =	sshrl.u32 s9, $0x9;
	_ =	swait.ge @!p1 [sflag:s16], $0x1000  }
0x7f: {  	s14 =	sand.u32 $0x3E00, s14;
	s9 =	smul.u32 $0x3, s9;
	[sflag:s16] =	ssyncset.done @!p1 $0x0  }
0x80: {  	s15 =	sadd.s32 $0xFFFFFC00, s13;
	s13 =	sand.u32 $0x8000, s13;
	[sflag:s16] =	ssyncadd.s32 @!p1 $0xFFFFF000  }
0x81: {  	s13 =	sor.u32 s14, s13;
	s9 =	ssub.s32 s8, s9;
	_ =	swait.ge [sflag:s3], $0x2000  }
0x82: {  	s13 =	sshrl.u32 s13, $0x2;
	s9 =	sand.u32 $0xFF, s9;
	[sflag:s3] =	ssyncset.done $0x0  }
.Ltmp1:
0x83: {  	s9 =	sshll.u32 s9, $0xD;
	[sflag:s3] =	ssyncadd.s32 $0xFFFFE000;
	(pc) =	sbr.rel @p0 .LBB2_4-.Ltmp1, $4  }
0x84: {  	s12 =	sand.u32 $0x3E00, s12;
	s14 =	sand.u32 $0x8000, s15;
	s9 =	sadd.s32 $0x4000, s9  }
0x85: {  	[tilespmem:s9], [sflag:$0x1] =	stream.indirect.gather [hbm4b:s1+s24], $0x80, s13, s24, $0xb8;
	[tilespmem:$0x1E000] =	vst v63  }
0x86: {  	s12 =	sor.u32 s12, s14;
	s8 =	sadd.s32 $0x1, s8;
	_ =	swait.ge [sflag:s30], $0x2000  }
0x87: {  	s9 =	sadd.s32 $0x4000, s11;
	s11 =	sshrl.u32 s12, $0x2;
	[sflag:s30] =	ssyncset.done $0x0  }
0x88: {  	[sflag:s30] =	ssyncadd.s32 $0xFFFFE000;
	s0 =	sor.u32 $0x1000, s11  }
0x89: {  	[spmem:s2] =	stream.indirect.scatter.add.f32 [tilespmem:s9], [sflag:$0x2], $0x80, s0, s24, $0xb8;
	[tilespmem:$0x1E000] =	vst v63  }
0x8a: {  	_ =	swait.ge [sflag:s3], $0x2000  }
0x8b: {  	[sflag:s3] =	ssyncset.done $0x0  }
0x8c: {  	[sflag:s3] =	ssyncadd.s32 $0xFFFFE000  }
0x8d: {  	_ =	swait.ge [sflag:s30], $0x2000  }
0x8e: {  	[sflag:s30] =	ssyncset.done $0x0  }
0x8f: {  	s23 =	simm.s32 $0x1F80;
	[sflag:s30] =	ssyncadd.s32 $0xFFFFE000  }
0x90: {  	[spmem:s2] =	stream.indirect.scatter.add.f32 [tilespmem:s25], [sflag:$0x2], $0x80, s23, s24, $0xb8;
	[tilespmem:$0x1E000] =	vst v63  }
0x91: {  	_ =	swait.ge [sflag:s3], $0x2000  }
0x92: {  	[sflag:s3] =	ssyncset.done $0x0  }
0x93: {  	[sflag:s3] =	ssyncadd.s32 $0xFFFFE000  }
0x94: {  	s26 =	stileid.u32;
	_ =	swait.ge [sflag:s3], $0x2000  }
0x95: {  	s8 =	sshrl.u32 s10, $0x3;
	s31 =	sadd.s32 $0x1, s31;
	[sflag:s3] =	ssyncset.done $0x0  }
0x96: {  	s0 =	sshll.u32 s26, $0x6;
	p0 =	sne.s32 s31, s21;
	[sflag:s3] =	ssyncadd.s32 $0xFFFFE000  }
.Ltmp2:
0x97: {  	s0 =	sor.u32 $0x1C03, s0;
	[bflag:$0x0] =	sbarrier.arrive $0xFFFF;
	(pc) =	sbr.rel @p0 .LBB2_1-.Ltmp2, $4  }
0x98: {  	[hbm:s20], [sflag:s0] =	dma.local [spmem:s8], $0x2800  }
0x99: {  	_ =	swait.ge [sflag:s22], $0x2800  }
0x9a: {  	[sflag:s22] =	ssyncset.done $0x0  }
0x9b: {  	s12 =	simm.s32 $0x1000;
	[sflag:s22] =	ssyncadd.s32 $0xFFFFD800  }
0x9c: {  	_ =	sfence.sel $0x180000  }
0x9d: {  	[bflag:$0x0] =	sbarrier.arrive $0xFFFF  }
0x9e: {  	_ =	strace $0x9000004A  }
0x9f: {  	s0 =	stileid.u32;
	[bflag:$0x2] =	sbarrier.arrive $0xFFFF  }
0xa0: {  	p0 =	sne.s32 s0, $0x0;
	s0 =	rddreg [dreg:$0x3]  }
0xa1: {  	s0 =	sadd.s32 @!p0 $0x100000, s0  }
0xa2: {  	[sflag:s0] =	ssyncadd.tile.s32 @!p0 $0x1;
	_ =	shalt  }
.Lfunc_end2:
_tile_overlayer_lowered:
.L_overlay_start_2:
0xa3: {  	(tag) =	ssettag $0x2  }
0xa4: {  	s0 =	rddreg [dreg:$0x0];
	s2 =	stileid.u32  }
0xa5: {  	s1 =	rddreg [dreg:$0x1];
	p0 =	sne.s32 s2, $0x0  }
0xa6: {  	s3 =	rddreg [dreg:$0x2];
	[bflag:$0x3] =	sbarrier.arrive $0xFFFF;
	s2 =	simm.s32 @!p0 $0x1C03  }
0xa7: {  	[timem:s3], [sflag:s2] =	dma.local @!p0 [hbm:s0], s1  }
0xa8: {  	s0 =	simm.s32 @!p0 $0x3  }
0xa9: {  	_ =	swait.ge @!p0 [sflag:s0], s1  }
0xaa: {  	s1 =	ssub.s32 @!p0 $0x0, s1;
	[sflag:s0] =	ssyncset.done @!p0 $0x0  }
0xab: {  	[sflag:s0] =	ssyncadd.s32 @!p0 s1  }
0xac: {  	[bflag:$0x3] =	sbarrier.arrive $0xFFFF  }
0xad: {  	_ =	shalt  }

// kernel: kernel.14.cloned.1.call-start
scs
__scs_entry_jumppad:
0x0: {  	(pc) =	sbr.rel $0x88, $3  }
0x1: {  	(tag) =	ssettag $0x0;
	lr =	simm.s32 $0x1  }
0x2: {  	[smem:$0x3F9B] =	sst lr;
	_ =	strace $0xD0000000  }
0x3: {  	_ = 	snop  }
0x4: {  	_ = 	snop  }
0x5: {  	_ = 	snop  }
0x6: {  	_ = 	snop  }
0x7: {  	_ = 	snop  }
__scs_overlays_trampoline_lowered:
0x8: {  	[smem:$0x3FAA] =	sst s0  }
0x9: {  	[smem:$0x3FAB] =	sst s1  }
0xa: {  	[smem:$0x3FAC] =	sst s2  }
0xb: {  	[smem:$0x3FAD] =	sst s3  }
0xc: {  	[smem:$0x3FAE] =	sst s4  }
0xd: {  	[smem:$0x3FAF] =	sst s5  }
0xe: {  	[smem:$0x3FB0] =	sst s6  }
0xf: {  	[smem:$0x3FB1] =	sst s7  }
0x10: {  	[smem:$0x3FB2] =	sst s8  }
0x11: {  	[smem:$0x3FB3] =	sst s9;
	s0 =	simm.s32 @!p0 $0x0  }
0x12: {  	s1 =	sld [smem:$0x3F99];
	s0 =	simm.s32 @p0 $0x1  }
0x13: {  	[smem:$0x3FB4] =	sst s0;
	s0 =	simm.s32 @!p1 $0x0  }
0x14: {  	s2 =	sld [smem:$0x3F98];
	s0 =	simm.s32 @p1 $0x1  }
0x15: {  	[smem:$0x3FB5] =	sst s0;
	s0 =	simm.s32 @!p2 $0x0  }
0x16: {  	s3 =	sld [smem:$0x3FDB];
	s0 =	simm.s32 @p2 $0x1  }
0x17: {  	s4 =	simm.s32 $0x1BF5;
	[smem:$0x3FB7] =	sst s0  }
0x18: {  	s0 =	sld [smem:$0x3F9A];
	_ =	swait.ge [sflag:s4], $0x0  }
0x19: {  	s7 =	sld [smem:$0x3F9B]  }
0x1a: {  	s8 =	sadd.s32 $0xFFFFE003, lr  }
0x1b: {  	s9 =	sadd.s32 $0xFFFFFEF7, lr;
	s5 =	simm.s32 $0xFFFFFFFF;
	p2 =	slt.u32 s8, $0xFFFFF086  }
0x1c: {  	p1 =	slt.u32 s9, $0xF7A;
	s5 =	simm.s32 @!p2 $0x0  }
0x1d: {  	s5 =	simm.s32 @p1 $0x1;
	p0 =	seq.s32 s7, s2  }
0x1e: {  	s7 =	smul.u32 @!p0 $0xF7A, s2;
	p2 =	seq.s32 @!p0 s5, $0x0  }
0x1f: {  	s9 =	smul.u32 $0xF7A, s1;
	s8 =	simm.s32 @!p0 $0x1BF5;
	p2 =	por !p2, p0  }
0x20: {  	[sflag:s8] =	ssyncset.s32 @!p0 $0xFFFFF086;
	s6 =	sadd.s32 @!p0 s3, s7;
	s7 =	simm.s32 @!p0 $0x108  }
0x21: {  	s3 =	sadd.s32 s3, s9;
	s6 =	sadd.s32 @!p0 $0x88, s6;
	s7 =	simm.s32 @p2 $0x1082  }
0x22: {  	[simem:s7], [sflag:s8] =	dma.local @!p0 [hbm:s6], $0xF7A  }
0x23: {  	s9 =	sor.u32 $0xD0000000, s2;
	s6 =	simm.s32 $0x108;
	_ =	swait.ge @!p0 [sflag:s8], $0x0  }
0x24: {  	s3 =	sadd.s32 $0x88, s3;
	s6 =	simm.s32 @!p1 $0x1082;
	[sflag:s4] =	ssyncset.s32 $0xFFFFF086  }
0x25: {  	[simem:s6], [sflag:s4] =	dma.local [hbm:s3], $0xF7A  }
0x26: {  	[smem:$0x3F9B] =	sst s1;
	(tag) =	ssettag s2;
	_ =	strace s9  }
0x27: {  	s1 =	sld [smem:$0x3FAB]  }
0x28: {  	s2 =	sld [smem:$0x3FAC]  }
0x29: {  	s4 =	sld [smem:$0x3FAE]  }
0x2a: {  	p0 =	seq.s32 s5, $0x0;
	s5 =	sld [smem:$0x3FAF]  }
0x2b: {  	s6 =	sld [smem:$0x3FB0]  }
0x2c: {  	s7 =	sld [smem:$0x3FB1]  }
0x2d: {  	s3 =	simm.s32 $0x108;
	s8 =	sld [smem:$0x3FB2]  }
0x2e: {  	s3 =	simm.s32 @!p0 $0x1082;
	s9 =	sld [smem:$0x3FB3]  }
0x2f: {  	lr =	sadd.s32 s0, s3;
	s0 =	sld [smem:$0x3FAA]  }
0x30: {  	s3 =	sld [smem:$0x3FAD]  }
0x31: {  	[smem:$0x3FB6] =	sst s10  }
0x32: {  	s10 =	sld [smem:$0x3FB4];
	_ =	sdelay $0x3  }
0x33: {  	p0 =	seq.s32 s10, $0x1;
	s10 =	sld [smem:$0x3FB6];
	_ =	sdelay $0x3  }
0x34: {  	[smem:$0x3FB6] =	sst s10  }
0x35: {  	s10 =	sld [smem:$0x3FB5];
	_ =	sdelay $0x3  }
0x36: {  	p1 =	seq.s32 s10, $0x1;
	s10 =	sld [smem:$0x3FB6];
	_ =	sdelay $0x3  }
0x37: {  	[smem:$0x3FB6] =	sst s10  }
0x38: {  	s10 =	sld [smem:$0x3FB7]  }
0x39: {  	_ = 	snop;
	(pc) =	sbr.ind lr, $3  }
0x3a: {  	_ = 	snop  }
0x3b: {  	_ = 	snop  }
0x3c: {  	p2 =	seq.s32 s10, $0x1;
	s10 =	sld [smem:$0x3FB6]  }
0x3d: {  	_ =	shalt  }
0x3e: {  	_ =	shalt  }
0x3f: {  	_ =	shalt  }
0x40: {  	_ =	shalt  }
0x41: {  	_ =	shalt  }
0x42: {  	_ =	shalt  }
0x43: {  	_ =	shalt  }
0x44: {  	_ =	shalt  }
0x45: {  	_ =	shalt  }
0x46: {  	_ =	shalt  }
0x47: {  	_ =	shalt  }
0x48: {  	_ =	shalt  }
0x49: {  	_ =	shalt  }
0x4a: {  	_ =	shalt  }
0x4b: {  	_ =	shalt  }
0x4c: {  	_ =	shalt  }
0x4d: {  	_ =	shalt  }
0x4e: {  	_ =	shalt  }
0x4f: {  	_ =	shalt  }
0x50: {  	_ =	shalt  }
0x51: {  	_ =	shalt  }
0x52: {  	_ =	shalt  }
0x53: {  	_ =	shalt  }
0x54: {  	_ =	shalt  }
0x55: {  	_ =	shalt  }
0x56: {  	_ =	shalt  }
0x57: {  	_ =	shalt  }
0x58: {  	_ =	shalt  }
0x59: {  	_ =	shalt  }
0x5a: {  	_ =	shalt  }
0x5b: {  	_ =	shalt  }
0x5c: {  	_ =	shalt  }
0x5d: {  	_ =	shalt  }
0x5e: {  	_ =	shalt  }
0x5f: {  	_ =	shalt  }
0x60: {  	_ =	shalt  }
0x61: {  	_ =	shalt  }
0x62: {  	_ =	shalt  }
0x63: {  	_ =	shalt  }
0x64: {  	_ =	shalt  }
0x65: {  	_ =	shalt  }
0x66: {  	_ =	shalt  }
0x67: {  	_ =	shalt  }
0x68: {  	_ =	shalt  }
0x69: {  	_ =	shalt  }
0x6a: {  	_ =	shalt  }
0x6b: {  	_ =	shalt  }
0x6c: {  	_ =	shalt  }
0x6d: {  	_ =	shalt  }
0x6e: {  	_ =	shalt  }
0x6f: {  	_ =	shalt  }
0x70: {  	_ =	shalt  }
0x71: {  	_ =	shalt  }
0x72: {  	_ =	shalt  }
0x73: {  	_ =	shalt  }
0x74: {  	_ =	shalt  }
0x75: {  	_ =	shalt  }
0x76: {  	_ =	shalt  }
0x77: {  	_ =	shalt  }
0x78: {  	_ =	shalt  }
0x79: {  	_ =	shalt  }
0x7a: {  	_ =	shalt  }
0x7b: {  	_ =	shalt  }
0x7c: {  	_ =	shalt  }
0x7d: {  	_ =	shalt  }
0x7e: {  	_ =	shalt  }
0x7f: {  	_ =	shalt  }
0x80: {  	_ =	shalt  }
0x81: {  	_ =	shalt  }
0x82: {  	_ =	shalt  }
0x83: {  	_ =	shalt  }
0x84: {  	_ =	shalt  }
0x85: {  	_ =	shalt  }
0x86: {  	_ =	shalt  }
0x87: {  	_ =	shalt  }
.Lfunc_end0:
.L_simem_size_0:
called_computation.2_lowered:
.L_overlay_start_0:
0x88: {  	s2 =	sld [smem:$0x3FD9]  }
0x89: {  	s3 =	sld [smem:$0x3FFE];
	_ =	sdelay $0x1  }
0x8a: {  	s1 =	srdreg.scid  }
0x8b: {  	s0 =	sand.u32 $0x1, s1  }
0x8c: {  	s17 =	sshll.u32 s0, $0xA;
	s2 =	sadd.s32 s3, s2  }
0x8d: {  	s2 =	sadd.s32 s2, s17  }
0x8e: {  	[smem:$0x3FC2] =	sst s2  }
0x8f: {  	_ = 	snop  }
0x90: {  	s2 =	sld [smem:$0x3FD0];
	(tm) =	ssettm $0x1  }
0x91: {  	s18 =	sld [smem:$0x3FFB];
	_ =	sdelay $0x3  }
0x92: {  	_ =	strace s18  }
0x93: {  	s3 =	sld [smem:$0x3FFC];
	_ =	sdelay $0x3  }
0x94: {  	_ =	strace s3  }
0x95: {  	s3 =	sld [smem:$0x3FFD];
	_ =	sdelay $0x3  }
0x96: {  	_ =	strace s3  }
0x97: {  	_ =	strace $0x8FFFFFFF  }
0x98: {  	s19 =	sld [smem:$0x3FDB];
	_ =	sdelay $0x1  }
0x99: {  	s4 =	simm.s32 $_scs_section_size  }
0x9a: {  	s5 =	simm.s32 $_size__tile_overlayer_lowered;
	s6 =	simm.s32 $_tile_overlayer_lowered  }
0x9b: {  	s22 =	simm.s32 $0x1BFF;
	s21 =	sshll.u32 s6, $0x1;
	s3 =	sadd.s32 s4, s19  }
0x9c: {  	s7 =	simm.s32 $0x0;
	s20 =	sshll.u32 s5, $0x1;
	s5 =	sadd.s32 s21, s3  }
0x9d: {  	[timem:s7], [sflag:s22] =	dma.local [hbm:s5], s20  }
0x9e: {  	_ =	swait.ge [sflag:s22], s20  }
0x9f: {  	s4 =	ssub.s32 $0x0, s20;
	[sflag:s22] =	ssyncset.done $0x0  }
0xa0: {  	[sflag:s22] =	ssyncadd.s32 s4;
	_ =	sdelay $0x1  }
0xa1: {  	s23 =	simm.s32 $0x1B8B  }
0xa2: {  	_ =	swait.ge [sflag:s23], $0x1  }
0xa3: {  	[sflag:s23] =	ssyncset.done $0x0  }
0xa4: {  	s25 =	simm.s32 $0x1B8E;
	s24 =	sld [smem:$0x3FFE];
	[sflag:s23] =	ssyncadd.s32 $0xFFFFFFFF  }
0xa5: {  	s26 =	simm.s32 $execute0_lowered;
	[smem:$0x3FD2] =	sst s25  }
0xa6: {  	s5 =	sshll.u32 s26, $0x1;
	_ =	strace $0x8000004C;
	[dreg:$0x1] =	wrdreg $0xFFFFFFFF  }
0xa7: {  	s28 =	simm.s32 $_size_execute0_lowered;
	s3 =	sadd.s32 s3, s5;
	[dreg:$0x0] =	wrdreg $0x0  }
0xa8: {  	s5 =	sshll.u32 s28, $0x1;
	[dreg:$0x2] =	wrdreg s3  }
0xa9: {  	[dreg:$0x3] =	wrdreg s5  }
0xaa: {  	[dreg:$0x4] =	wrdreg $0xC0  }
0xab: {  	_ =	task [dreg:s7], $0x5FFFF  }
0xac: {  	[dreg:$0x1] =	wrdreg $0xFFFFFFFF  }
0xad: {  	[dreg:$0x0] =	wrdreg $0x60  }
0xae: {  	[dreg:$0x2] =	wrdreg s2  }
0xaf: {  	[dreg:$0x3] =	wrdreg s24  }
0xb0: {  	[dreg:$0x4] =	wrdreg $0xA0000  }
0xb1: {  	[dreg:$0x5] =	wrdreg $0x9  }
0xb2: {  	_ =	task.clear_ibuf [dreg:s7], $0x6FFFF;
	_ =	strace $0x9000004C  }
0xb3: {  	s29 =	simm.s32 $0x9;
	_ =	strace $0x8000004E  }
0xb4: {  	_ =	swait.ge [sflag:s29], $0x1  }
0xb5: {  	[sflag:s29] =	ssyncadd.s32 $0xFFFFFFFF  }
0xb6: {  	_ =	strace $0x9000004E  }
0xb7: {  	_ =	sfence  }
0xb8: {  	s30 =	sld [smem:$0x0];
	_ =	sdelay $0x2  }
0xb9: {  	s31 =	sshll.u32 s1, $0xD;
	s1 =	sshrl.u32 s1, $0x2  }
0xba: {  	s3 =	sand.u32 $0x4000, s31;
	s1 =	sadd.s32 s1, s30  }
0xbb: {  	s0 =	sor.u32 s3, s0;
	s1 =	sshll.u32 s1, $0x11  }
0xbc: {  	s0 =	sor.u32 s1, s0  }
0xbd: {  	s0 =	sadd.s32 $0x8F2B, s0  }
0xbe: {  	[sflag:s0] =	ssyncadd.remote.s32 $0x1  }
0xbf: {  	_ =	sfence.sel $0xFFFF  }
0xc0: {  	[dreg:$0x0] =	wrdreg $0xFFFFFFFF;
	(pc) =	sbr.abs _section_cstart, $3  }
0xc1: {  	[dreg:$0x1] =	wrdreg $0xFFFFFFFF  }
0xc2: {  	_ =	task.clear_ibuf [dreg:s7], $0x2FFFF;
	_ =	strace $0x9FFFFFFF  }
0xc3: {  	(tm) =	ssettm $0x7FFFFFFF  }
tec
execute0_lowered:
.L_overlay_start_1:
0x0: {  	(tag) =	ssettag $0x1  }
0x1: {  	s1 =	rddreg [dreg:$0x0]  }
0x2: {  	s0 =	rddreg [dreg:$0x1];
	s10 =	stileid.u32  }
0x3: {  	s2 =	rddreg [dreg:$0x2];
	s8 =	smul.u32 $0x14000, s10  }
0x4: {  	s3 =	srdreg.scid;
	s16 =	smul.u32 $0x5000, s10  }
0x5: {  	s4 =	simm.s32 $0x0;
	s12 =	simm.s32 $0x1000;
	s10 =	smul.u32 $0x50000, s10  }
0x6: {  	s28 =	simm.s32 $0x6000;
	s29 =	simm.s32 $0x8000;
	s30 =	simm.s32 $0x1  }
0x7: {  	s31 =	simm.s32 $0x0;
	s3 =	sand.u32 $0x1, s3;
	s17 =	sshrl.u32 s10, $0x2  }
0x8: {  	[smem:$0x7FF] =	sst s4;
	s5 =	sadd.s32 $0x16A00, s0;
	s10 =	sadd.s32 s17, s2  }
0x9: {  	s6 =	sadd.s32 $0x2A00, s0;
	s7 =	smul.u32 $0x140000, s3;
	s19 =	sadd.s32 $0x2000, s10  }
0xa: {  	_ =	strace $0x8000004D;
	s20 =	sadd.s32 $0x4000, s10;
	[dreg:$0x6] =	wrdreg s19  }
0xb: {  	s9 =	smul.u32 $0x50000, s3;
	s21 =	sadd.s32 $0x6000, s10;
	[dreg:$0x7] =	wrdreg s20  }
0xc: {  	s3 =	ssub.s32 $0x2, s3;
	s22 =	sadd.s32 $0x8000, s10;
	[dreg:$0x8] =	wrdreg s21  }
0xd: {  	s11 =	sshrl.u32 s3, $0x1;
	s23 =	sadd.s32 $0xA000, s10;
	[dreg:$0x9] =	wrdreg s22  }
0xe: {  	s7 =	sadd.s32 s8, s7;
	s24 =	sadd.s32 $0xC000, s10;
	[dreg:$0xa] =	wrdreg s23  }
0xf: {  	s3 =	ssub.s32 s3, s11;
	s25 =	sadd.s32 $0xE000, s10;
	[dreg:$0xb] =	wrdreg s24  }
0x10: {  	s7 =	sshrl.u32 s7, $0x3;
	s26 =	sadd.s32 $0x10000, s10;
	[dreg:$0xc] =	wrdreg s25  }
0x11: {  	s0 =	sadd.s32 s7, s0;
	s7 =	sadd.s32 s16, s9;
	[dreg:$0xd] =	wrdreg s26  }
0x12: {  	s19 =	sadd.s32 $0x12000, s10;
	s21 =	smax.u32 s3, $0x1;
	s8 =	sshrl.u32 s7, $0x3  }
0x13: {  	s22 =	simm.s32 $0x3;
	s24 =	simm.s32 $0x40;
	s18 =	sadd.s32 s5, s8  }
0x14: {  	s25 =	simm.s32 $0x4000;
	s8 =	sadd.s32 s6, s8;
	[dreg:$0x4] =	wrdreg s18  }
0x15: {  	v0 =	vimm.f32 $0.0e+00;
	s3 =	simm.s32 $0x2;
	s20 =	sadd.s32 $0x2AA00, s0;
	[dreg:$0x5] =	wrdreg s8  }
.LBB2_1:
0x16: {  	s0 =	rddreg [dreg:$0x4]  }
0x17: {  	[tilespmem:s4], [sflag:$0x3] =	stream.linear.gather [hbm4b:s0+s4], $0x1000, $0x38;
	[tilespmem:$0x1E000] =	vst v63  }
0x18: {  	_ =	swait.ge [sflag:s22], $0x1000  }
0x19: {  	[sflag:s22] =	ssyncset.done $0x0  }
0x1a: {  	s18 =	rddreg [dreg:$0x5];
	[sflag:s22] =	ssyncadd.s32 $0xFFFFF000  }
0x1b: {  	[tilespmem:s12], [sflag:$0x3] =	stream.linear.gather [hbm4b:s18+s4], $0x1000, $0x38;
	[tilespmem:$0x1E000] =	vst v63  }
0x1c: {  	_ =	swait.ge [sflag:s22], $0x1000  }
0x1d: {  	s23 =	simm.s32 $0x80;
	s26 =	sand.u32 $0x7E00, s4;
	[sflag:s22] =	ssyncset.done $0x0  }
0x1e: {  	s8 =	sand.u32 $0x70, s4;
	s9 =	sshrl.u32 s26, $0x2;
	[sflag:s22] =	ssyncadd.s32 $0xFFFFF000  }
0x1f: {  	[tilespmem:s25], [sflag:$0x1] =	stream.indirect.gather [hbm4b:s1+s24], $0x80, s4, s24, $0xb8;
	[tilespmem:$0x1E000] =	vst v63  }
0x20: {  	s0 =	simm.s32 $0x40;
	s9 =	sor.u32 s8, s9;
	s8 =	simm.s32 $0x0  }
0x21: {  	[tilespmem:s28], [sflag:$0x1] =	stream.indirect.gather [hbm4b:s1+s24], $0x80, s23, s24, $0xb8;
	[tilespmem:$0x1E000] =	vst v63  }
.LBB2_2:
0x22: {  	p0 =	sne.s32 s0, $0x7FC0  }
0x23: {  	[tilespmem:s9+$0x8000] =	vst v0;
	s8 =	sadd.s32 $0x10, s8;
	s9 =	smov.u32 s0;
	s0 =	sadd.s32 $0x40, s0  }
.Ltmp0:
0x24: {  	(pc) =	sbr.rel @p0 .LBB2_2-.Ltmp0, $4  }
0x25: {  	_ = 	snop  }
0x26: {  	s9 =	sand.u32 $0x7E00, s9  }
0x27: {  	s11 =	sand.u32 $0x70, s8;
	s9 =	sshrl.u32 s9, $0x2  }
0x28: {  	s9 =	sor.u32 s11, s9  }
0x29: {  	[tilespmem:s9+$0x8000] =	vst v0;
	s0 =	simm.s32 $0x3  }
0x2a: {  	[spmem:s10] =	stream.linear.scatter [tilespmem:s29], [sflag:$0x3], $0x2000, $0x38;
	[tilespmem:$0x1E000] =	vst v63  }
0x2b: {  	_ =	swait.ge [sflag:s0], $0x2000  }
0x2c: {  	[sflag:s0] =	ssyncset.done $0x0  }
0x2d: {  	s8 =	rddreg [dreg:$0x6];
	[sflag:s0] =	ssyncadd.s32 $0xFFFFE000  }
0x2e: {  	[spmem:s8] =	stream.linear.scatter [tilespmem:s29], [sflag:$0x3], $0x2000, $0x38;
	[tilespmem:$0x1E000] =	vst v63  }
0x2f: {  	_ =	swait.ge [sflag:s0], $0x2000  }
0x30: {  	[sflag:s0] =	ssyncset.done $0x0  }
0x31: {  	s26 =	rddreg [dreg:$0x7];
	[sflag:s0] =	ssyncadd.s32 $0xFFFFE000  }
0x32: {  	[spmem:s26] =	stream.linear.scatter [tilespmem:s29], [sflag:$0x3], $0x2000, $0x38;
	[tilespmem:$0x1E000] =	vst v63  }
0x33: {  	_ =	swait.ge [sflag:s0], $0x2000  }
0x34: {  	[sflag:s0] =	ssyncset.done $0x0  }
0x35: {  	s9 =	rddreg [dreg:$0x8];
	[sflag:s0] =	ssyncadd.s32 $0xFFFFE000  }
0x36: {  	[spmem:s9] =	stream.linear.scatter [tilespmem:s29], [sflag:$0x3], $0x2000, $0x38;
	[tilespmem:$0x1E000] =	vst v63  }
0x37: {  	_ =	swait.ge [sflag:s0], $0x2000  }
0x38: {  	[sflag:s0] =	ssyncset.done $0x0  }
0x39: {  	s11 =	rddreg [dreg:$0x9];
	[sflag:s0] =	ssyncadd.s32 $0xFFFFE000  }
0x3a: {  	[spmem:s11] =	stream.linear.scatter [tilespmem:s29], [sflag:$0x3], $0x2000, $0x38;
	[tilespmem:$0x1E000] =	vst v63  }
0x3b: {  	_ =	swait.ge [sflag:s0], $0x2000  }
0x3c: {  	[sflag:s0] =	ssyncset.done $0x0  }
0x3d: {  	s13 =	rddreg [dreg:$0xa];
	[sflag:s0] =	ssyncadd.s32 $0xFFFFE000  }
0x3e: {  	[spmem:s13] =	stream.linear.scatter [tilespmem:s29], [sflag:$0x3], $0x2000, $0x38;
	[tilespmem:$0x1E000] =	vst v63  }
0x3f: {  	_ =	swait.ge [sflag:s0], $0x2000  }
0x40: {  	[sflag:s0] =	ssyncset.done $0x0  }
0x41: {  	s14 =	rddreg [dreg:$0xb];
	[sflag:s0] =	ssyncadd.s32 $0xFFFFE000  }
0x42: {  	[spmem:s14] =	stream.linear.scatter [tilespmem:s29], [sflag:$0x3], $0x2000, $0x38;
	[tilespmem:$0x1E000] =	vst v63  }
0x43: {  	_ =	swait.ge [sflag:s0], $0x2000  }
0x44: {  	[sflag:s0] =	ssyncset.done $0x0  }
0x45: {  	s15 =	rddreg [dreg:$0xc];
	[sflag:s0] =	ssyncadd.s32 $0xFFFFE000  }
0x46: {  	[spmem:s15] =	stream.linear.scatter [tilespmem:s29], [sflag:$0x3], $0x2000, $0x38;
	[tilespmem:$0x1E000] =	vst v63  }
0x47: {  	_ =	swait.ge [sflag:s0], $0x2000  }
0x48: {  	[sflag:s0] =	ssyncset.done $0x0  }
0x49: {  	s16 =	rddreg [dreg:$0xd];
	[sflag:s0] =	ssyncadd.s32 $0xFFFFE000  }
0x4a: {  	[spmem:s16] =	stream.linear.scatter [tilespmem:s29], [sflag:$0x3], $0x2000, $0x38;
	[tilespmem:$0x1E000] =	vst v63  }
0x4b: {  	_ =	swait.ge [sflag:s0], $0x2000  }
0x4c: {  	[sflag:s0] =	ssyncset.done $0x0  }
0x4d: {  	[sflag:s0] =	ssyncadd.s32 $0xFFFFE000  }
0x4e: {  	[spmem:s19] =	stream.linear.scatter [tilespmem:s29], [sflag:$0x3], $0x2000, $0x38;
	[tilespmem:$0x1E000] =	vst v63  }
0x4f: {  	_ =	swait.ge [sflag:s0], $0x2000  }
0x50: {  	s23 =	simm.s32 $0x2;
	[sflag:s0] =	ssyncset.done $0x0  }
0x51: {  	s8 =	smul.u32 $0xAB, s23;
	[sflag:s0] =	ssyncadd.s32 $0xFFFFE000  }
0x52: {  	[bflag:$0x0] =	sbarrier.arrive $0xFFFF  }
0x53: {  	s8 =	sshrl.u32 s8, $0x9;
	_ =	swait.ge [sflag:s30], $0x2000  }
0x54: {  	s8 =	sand.u32 $0x7F, s8;
	[sflag:s30] =	ssyncset.done $0x0  }
0x55: {  	s17 =	simm.s32 $0x100;
	s8 =	smul.u32 $0x3, s8;
	[sflag:s30] =	ssyncadd.s32 $0xFFFFE000  }
0x56: {  	[spmem:s2] =	stream.indirect.scatter.add.f32 [tilespmem:s25], [sflag:$0x2], $0x80, s12, s24, $0xb8;
	[tilespmem:$0x1E000] =	vst v63  }
0x57: {  	s18 =	simm.s32 $0x1080;
	s8 =	ssub.s32 $0x2, s8;
	s12 =	sand.u32 $0x9F, s23  }
0x58: {  	[tilespmem:s29], [sflag:$0x1] =	stream.indirect.gather [hbm4b:s1+s24], $0x80, s17, s24, $0xb8;
	[tilespmem:$0x1E000] =	vst v63  }
0x59: {  	s0 =	sand.u32 $0xFF, s0;
	p0 =	sne.s32 s12, $0x4;
	_ =	swait.ge [sflag:s30], $0x2000  }
0x5a: {  	s0 =	smul.u32 $0xAB, s0;
	s9 =	sadd.s32 @!p0 $0x1000, s7;
	[sflag:s30] =	ssyncset.done $0x0  }
0x5b: {  	s11 =	simm.s32 @!p0 $0x2000;
	s9 =	sshrl.u32 @!p0 s9, $0x3;
	[sflag:s30] =	ssyncadd.s32 $0xFFFFE000  }
0x5c: {  	[spmem:s2] =	stream.indirect.scatter.add.f32 [tilespmem:s28], [sflag:$0x2], $0x80, s18, s24, $0xb8;
	[tilespmem:$0x1E000] =	vst v63  }
0x5d: {  	s12 =	simm.s32 @!p0 $0x0;
	s11 =	sand.u32 @!p0 $0x2000, s11;
	s26 =	sadd.s32 @!p0 s5, s9  }
0x5e: {  	[tilespmem:s11], [sflag:$0x3] =	stream.linear.gather @!p0 [hbm4b:s26+s12], $0x1000, $0x38;
	[tilespmem:$0x1E000] =	vst v63  }
0x5f: {  	s8 =	sand.u32 $0xFF, s8;
	s26 =	simm.s32 @!p0 $0x3  }
0x60: {  	s13 =	simm.s32 $0xC00;
	s0 =	sshrl.u32 s0, $0x9;
	_ =	swait.ge @!p0 [sflag:s26], $0x1000  }
0x61: {  	s14 =	simm.s32 $0x600;
	s15 =	smul.u32 $0x3, s0;
	[sflag:s26] =	ssyncset.done @!p0 $0x0  }
0x62: {  	s9 =	sadd.s32 @!p0 s6, s9;
	s11 =	sor.u32 @!p0 $0x1000, s11;
	[sflag:s26] =	ssyncadd.s32 @!p0 $0xFFFFF000  }
0x63: {  	[tilespmem:s11], [sflag:$0x3] =	stream.linear.gather @!p0 [hbm4b:s9+s12], $0x1000, $0x38;
	[tilespmem:$0x1E000] =	vst v63  }
0x64: {  	s0 =	simm.s32 $0x1000;
	s23 =	simm.s32 $0x800;
	_ =	swait.ge @!p0 [sflag:s26], $0x1000  }
0x65: {  	s17 =	sshll.u32 s8, $0xD;
	s18 =	simm.s32 $0x400;
	[sflag:s26] =	ssyncset.done @!p0 $0x0  }
0x66: {  	s11 =	sand.u32 $0x3E00, s14;
	s12 =	ssub.s32 $0x3, s15;
	[sflag:s26] =	ssyncadd.s32 @!p0 $0xFFFFF000  }
0x67: {  	s9 =	sand.u32 $0x8000, s13;
	s12 =	sand.u32 $0xFF, s12;
	_ =	swait.ge [sflag:s3], $0x2000  }
0x68: {  	s9 =	sor.u32 s11, s9;
	s16 =	sshll.u32 s12, $0xD;
	[sflag:s3] =	ssyncset.done $0x0  }
0x69: {  	s9 =	sshrl.u32 s9, $0x2;
	s11 =	sadd.s32 $0x4000, s16;
	[sflag:s3] =	ssyncadd.s32 $0xFFFFE000  }
0x6a: {  	[tilespmem:s11], [sflag:$0x1] =	stream.indirect.gather [hbm4b:s1+s24], $0x80, s9, s24, $0xb8;
	[tilespmem:$0x1E000] =	vst v63  }
0x6b: {  	s8 =	sand.u32 $0x3E00, s18;
	s26 =	simm.s32 $0x800;
	s11 =	sand.u32 $0x8000, s23  }
0x6c: {  	s9 =	sadd.s32 $0x4000, s17;
	_ =	swait.ge [sflag:s30], $0x2000;
	s11 =	sor.u32 s8, s11  }
0x6d: {  	s8 =	simm.s32 $0x4;
	[sflag:s30] =	ssyncset.done $0x0;
	s11 =	sshrl.u32 s11, $0x2  }
.LBB2_4:
0x6e: {  	s12 =	sadd.s32 $0xFFFFFFFF, s8;
	[sflag:s30] =	ssyncadd.s32 $0xFFFFE000  }
0x6f: {  	s11 =	sor.u32 $0x1000, s11;
	s13 =	smov.u32 s0;
	s14 =	smov.u32 s26  }
0x70: {  	[spmem:s2] =	stream.indirect.scatter.add.f32 [tilespmem:s9], [sflag:$0x2], $0x80, s11, s24, $0xb8;
	[tilespmem:$0x1E000] =	vst v63  }
0x71: {  	s0 =	sadd.s32 $0x400, s0;
	s9 =	sand.u32 $0x9F, s12;
	s11 =	smul.u32 $0xAB, s12  }
0x72: {  	p0 =	sne.s32 s0, $0x28000;
	p1 =	sne.s32 s9, $0x4  }
0x73: {  	s9 =	sshrl.u32 @!p1 s12, $0x5;
	s11 =	sshrl.u32 s11, $0x9  }
0x74: {  	s9 =	sadd.s32 @!p1 $0x1, s9;
	s11 =	sand.u32 $0x7F, s11  }
0x75: {  	s15 =	sshll.u32 @!p1 s9, $0xC;
	s9 =	sshll.u32 @!p1 s9, $0xD;
	s11 =	smul.u32 $0x3, s11  }
0x76: {  	s15 =	sadd.s32 @!p1 s7, s15;
	s9 =	sand.u32 @!p1 $0x2000, s9  }
0x77: {  	s16 =	simm.s32 @!p1 $0x3;
	s15 =	sshrl.u32 @!p1 s15, $0x3;
	s17 =	sor.u32 @!p1 $0x1000, s9  }
0x78: {  	s23 =	simm.s32 @!p1 $0x0;
	s18 =	sadd.s32 @!p1 s5, s15;
	s15 =	sadd.s32 @!p1 s6, s15  }
0x79: {  	[tilespmem:s9], [sflag:$0x3] =	stream.linear.gather @!p1 [hbm4b:s18+s23], $0x1000, $0x38;
	[tilespmem:$0x1E000] =	vst v63  }
0x7a: {  	s11 =	ssub.s32 s12, s11;
	s9 =	sand.u32 $0xFF, s8;
	_ =	swait.ge @!p1 [sflag:s16], $0x1000  }
0x7b: {  	s11 =	sand.u32 $0xFF, s11;
	s9 =	smul.u32 $0xAB, s9;
	[sflag:s16] =	ssyncset.done @!p1 $0x0  }
0x7c: {  	s26 =	sadd.s32 $0x200, s26;
	s11 =	sshll.u32 s11, $0xD;
	[sflag:s16] =	ssyncadd.s32 @!p1 $0xFFFFF000  }
0x7d: {  	[tilespmem:s17], [sflag:$0x3] =	stream.linear.gather @!p1 [hbm4b:s15+s23], $0x1000, $0x38;
	[tilespmem:$0x1E000] =	vst v63  }
0x7e: {  	s12 =	sadd.s32 $0xFFFFFE00, s14;
	s9 =	sshrl.u32 s9, $0x9;
	_ =	swait.ge @!p1 [sflag:s16], $0x1000  }
0x7f: {  	s14 =	sand.u32 $0x3E00, s14;
	s9 =	smul.u32 $0x3, s9;
	[sflag:s16] =	ssyncset.done @!p1 $0x0  }
0x80: {  	s15 =	sadd.s32 $0xFFFFFC00, s13;
	s13 =	sand.u32 $0x8000, s13;
	[sflag:s16] =	ssyncadd.s32 @!p1 $0xFFFFF000  }
0x81: {  	s13 =	sor.u32 s14, s13;
	s9 =	ssub.s32 s8, s9;
	_ =	swait.ge [sflag:s3], $0x2000  }
0x82: {  	s13 =	sshrl.u32 s13, $0x2;
	s9 =	sand.u32 $0xFF, s9;
	[sflag:s3] =	ssyncset.done $0x0  }
.Ltmp1:
0x83: {  	s9 =	sshll.u32 s9, $0xD;
	[sflag:s3] =	ssyncadd.s32 $0xFFFFE000;
	(pc) =	sbr.rel @p0 .LBB2_4-.Ltmp1, $4  }
0x84: {  	s12 =	sand.u32 $0x3E00, s12;
	s14 =	sand.u32 $0x8000, s15;
	s9 =	sadd.s32 $0x4000, s9  }
0x85: {  	[tilespmem:s9], [sflag:$0x1] =	stream.indirect.gather [hbm4b:s1+s24], $0x80, s13, s24, $0xb8;
	[tilespmem:$0x1E000] =	vst v63  }
0x86: {  	s12 =	sor.u32 s12, s14;
	s8 =	sadd.s32 $0x1, s8;
	_ =	swait.ge [sflag:s30], $0x2000  }
0x87: {  	s9 =	sadd.s32 $0x4000, s11;
	s11 =	sshrl.u32 s12, $0x2;
	[sflag:s30] =	ssyncset.done $0x0  }
0x88: {  	[sflag:s30] =	ssyncadd.s32 $0xFFFFE000;
	s0 =	sor.u32 $0x1000, s11  }
0x89: {  	[spmem:s2] =	stream.indirect.scatter.add.f32 [tilespmem:s9], [sflag:$0x2], $0x80, s0, s24, $0xb8;
	[tilespmem:$0x1E000] =	vst v63  }
0x8a: {  	_ =	swait.ge [sflag:s3], $0x2000  }
0x8b: {  	[sflag:s3] =	ssyncset.done $0x0  }
0x8c: {  	[sflag:s3] =	ssyncadd.s32 $0xFFFFE000  }
0x8d: {  	_ =	swait.ge [sflag:s30], $0x2000  }
0x8e: {  	[sflag:s30] =	ssyncset.done $0x0  }
0x8f: {  	s23 =	simm.s32 $0x1F80;
	[sflag:s30] =	ssyncadd.s32 $0xFFFFE000  }
0x90: {  	[spmem:s2] =	stream.indirect.scatter.add.f32 [tilespmem:s25], [sflag:$0x2], $0x80, s23, s24, $0xb8;
	[tilespmem:$0x1E000] =	vst v63  }
0x91: {  	_ =	swait.ge [sflag:s3], $0x2000  }
0x92: {  	[sflag:s3] =	ssyncset.done $0x0  }
0x93: {  	[sflag:s3] =	ssyncadd.s32 $0xFFFFE000  }
0x94: {  	s26 =	stileid.u32;
	_ =	swait.ge [sflag:s3], $0x2000  }
0x95: {  	s8 =	sshrl.u32 s10, $0x3;
	s31 =	sadd.s32 $0x1, s31;
	[sflag:s3] =	ssyncset.done $0x0  }
0x96: {  	s0 =	sshll.u32 s26, $0x6;
	p0 =	sne.s32 s31, s21;
	[sflag:s3] =	ssyncadd.s32 $0xFFFFE000  }
.Ltmp2:
0x97: {  	s0 =	sor.u32 $0x1C03, s0;
	[bflag:$0x0] =	sbarrier.arrive $0xFFFF;
	(pc) =	sbr.rel @p0 .LBB2_1-.Ltmp2, $4  }
0x98: {  	[hbm:s20], [sflag:s0] =	dma.local [spmem:s8], $0x2800  }
0x99: {  	_ =	swait.ge [sflag:s22], $0x2800  }
0x9a: {  	[sflag:s22] =	ssyncset.done $0x0  }
0x9b: {  	s12 =	simm.s32 $0x1000;
	[sflag:s22] =	ssyncadd.s32 $0xFFFFD800  }
0x9c: {  	_ =	sfence.sel $0x180000  }
0x9d: {  	[bflag:$0x0] =	sbarrier.arrive $0xFFFF  }
0x9e: {  	_ =	strace $0x9000004D  }
0x9f: {  	s0 =	stileid.u32;
	[bflag:$0x2] =	sbarrier.arrive $0xFFFF  }
0xa0: {  	p0 =	sne.s32 s0, $0x0;
	s0 =	rddreg [dreg:$0x3]  }
0xa1: {  	s0 =	sadd.s32 @!p0 $0x100000, s0  }
0xa2: {  	[sflag:s0] =	ssyncadd.tile.s32 @!p0 $0x1;
	_ =	shalt  }
.Lfunc_end2:
_tile_overlayer_lowered:
.L_overlay_start_2:
0xa3: {  	(tag) =	ssettag $0x2  }
0xa4: {  	s0 =	rddreg [dreg:$0x0];
	s2 =	stileid.u32  }
0xa5: {  	s1 =	rddreg [dreg:$0x1];
	p0 =	sne.s32 s2, $0x0  }
0xa6: {  	s3 =	rddreg [dreg:$0x2];
	[bflag:$0x3] =	sbarrier.arrive $0xFFFF;
	s2 =	simm.s32 @!p0 $0x1C03  }
0xa7: {  	[timem:s3], [sflag:s2] =	dma.local @!p0 [hbm:s0], s1  }
0xa8: {  	s0 =	simm.s32 @!p0 $0x3  }
0xa9: {  	_ =	swait.ge @!p0 [sflag:s0], s1  }
0xaa: {  	s1 =	ssub.s32 @!p0 $0x0, s1;
	[sflag:s0] =	ssyncset.done @!p0 $0x0  }
0xab: {  	[sflag:s0] =	ssyncadd.s32 @!p0 s1  }
0xac: {  	[bflag:$0x3] =	sbarrier.arrive $0xFFFF  }
0xad: {  	_ =	shalt  }

// kernel: kernel.8.cloned.1.call-start
scs
__scs_entry_jumppad:
0x0: {  	(pc) =	sbr.rel $0x88, $3  }
0x1: {  	(tag) =	ssettag $0x0;
	lr =	simm.s32 $0x1  }
0x2: {  	[smem:$0x3F9B] =	sst lr;
	_ =	strace $0xD0000000  }
0x3: {  	_ = 	snop  }
0x4: {  	_ = 	snop  }
0x5: {  	_ = 	snop  }
0x6: {  	_ = 	snop  }
0x7: {  	_ = 	snop  }
__scs_overlays_trampoline_lowered:
0x8: {  	[smem:$0x3FAA] =	sst s0  }
0x9: {  	[smem:$0x3FAB] =	sst s1  }
0xa: {  	[smem:$0x3FAC] =	sst s2  }
0xb: {  	[smem:$0x3FAD] =	sst s3  }
0xc: {  	[smem:$0x3FAE] =	sst s4  }
0xd: {  	[smem:$0x3FAF] =	sst s5  }
0xe: {  	[smem:$0x3FB0] =	sst s6  }
0xf: {  	[smem:$0x3FB1] =	sst s7  }
0x10: {  	[smem:$0x3FB2] =	sst s8  }
0x11: {  	[smem:$0x3FB3] =	sst s9;
	s0 =	simm.s32 @!p0 $0x0  }
0x12: {  	s1 =	sld [smem:$0x3F99];
	s0 =	simm.s32 @p0 $0x1  }
0x13: {  	[smem:$0x3FB4] =	sst s0;
	s0 =	simm.s32 @!p1 $0x0  }
0x14: {  	s2 =	sld [smem:$0x3F98];
	s0 =	simm.s32 @p1 $0x1  }
0x15: {  	[smem:$0x3FB5] =	sst s0;
	s0 =	simm.s32 @!p2 $0x0  }
0x16: {  	s3 =	sld [smem:$0x3FDB];
	s0 =	simm.s32 @p2 $0x1  }
0x17: {  	s4 =	simm.s32 $0x1BF5;
	[smem:$0x3FB7] =	sst s0  }
0x18: {  	s0 =	sld [smem:$0x3F9A];
	_ =	swait.ge [sflag:s4], $0x0  }
0x19: {  	s7 =	sld [smem:$0x3F9B]  }
0x1a: {  	s8 =	sadd.s32 $0xFFFFE003, lr  }
0x1b: {  	s9 =	sadd.s32 $0xFFFFFEF7, lr;
	s5 =	simm.s32 $0xFFFFFFFF;
	p2 =	slt.u32 s8, $0xFFFFF086  }
0x1c: {  	p1 =	slt.u32 s9, $0xF7A;
	s5 =	simm.s32 @!p2 $0x0  }
0x1d: {  	s5 =	simm.s32 @p1 $0x1;
	p0 =	seq.s32 s7, s2  }
0x1e: {  	s7 =	smul.u32 @!p0 $0xF7A, s2;
	p2 =	seq.s32 @!p0 s5, $0x0  }
0x1f: {  	s9 =	smul.u32 $0xF7A, s1;
	s8 =	simm.s32 @!p0 $0x1BF5;
	p2 =	por !p2, p0  }
0x20: {  	[sflag:s8] =	ssyncset.s32 @!p0 $0xFFFFF086;
	s6 =	sadd.s32 @!p0 s3, s7;
	s7 =	simm.s32 @!p0 $0x108  }
0x21: {  	s3 =	sadd.s32 s3, s9;
	s6 =	sadd.s32 @!p0 $0x88, s6;
	s7 =	simm.s32 @p2 $0x1082  }
0x22: {  	[simem:s7], [sflag:s8] =	dma.local @!p0 [hbm:s6], $0xF7A  }
0x23: {  	s9 =	sor.u32 $0xD0000000, s2;
	s6 =	simm.s32 $0x108;
	_ =	swait.ge @!p0 [sflag:s8], $0x0  }
0x24: {  	s3 =	sadd.s32 $0x88, s3;
	s6 =	simm.s32 @!p1 $0x1082;
	[sflag:s4] =	ssyncset.s32 $0xFFFFF086  }
0x25: {  	[simem:s6], [sflag:s4] =	dma.local [hbm:s3], $0xF7A  }
0x26: {  	[smem:$0x3F9B] =	sst s1;
	(tag) =	ssettag s2;
	_ =	strace s9  }
0x27: {  	s1 =	sld [smem:$0x3FAB]  }
0x28: {  	s2 =	sld [smem:$0x3FAC]  }
0x29: {  	s4 =	sld [smem:$0x3FAE]  }
0x2a: {  	p0 =	seq.s32 s5, $0x0;
	s5 =	sld [smem:$0x3FAF]  }
0x2b: {  	s6 =	sld [smem:$0x3FB0]  }
0x2c: {  	s7 =	sld [smem:$0x3FB1]  }
0x2d: {  	s3 =	simm.s32 $0x108;
	s8 =	sld [smem:$0x3FB2]  }
0x2e: {  	s3 =	simm.s32 @!p0 $0x1082;
	s9 =	sld [smem:$0x3FB3]  }
0x2f: {  	lr =	sadd.s32 s0, s3;
	s0 =	sld [smem:$0x3FAA]  }
0x30: {  	s3 =	sld [smem:$0x3FAD]  }
0x31: {  	[smem:$0x3FB6] =	sst s10  }
0x32: {  	s10 =	sld [smem:$0x3FB4];
	_ =	sdelay $0x3  }
0x33: {  	p0 =	seq.s32 s10, $0x1;
	s10 =	sld [smem:$0x3FB6];
	_ =	sdelay $0x3  }
0x34: {  	[smem:$0x3FB6] =	sst s10  }
0x35: {  	s10 =	sld [smem:$0x3FB5];
	_ =	sdelay $0x3  }
0x36: {  	p1 =	seq.s32 s10, $0x1;
	s10 =	sld [smem:$0x3FB6];
	_ =	sdelay $0x3  }
0x37: {  	[smem:$0x3FB6] =	sst s10  }
0x38: {  	s10 =	sld [smem:$0x3FB7]  }
0x39: {  	_ = 	snop;
	(pc) =	sbr.ind lr, $3  }
0x3a: {  	_ = 	snop  }
0x3b: {  	_ = 	snop  }
0x3c: {  	p2 =	seq.s32 s10, $0x1;
	s10 =	sld [smem:$0x3FB6]  }
0x3d: {  	_ =	shalt  }
0x3e: {  	_ =	shalt  }
0x3f: {  	_ =	shalt  }
0x40: {  	_ =	shalt  }
0x41: {  	_ =	shalt  }
0x42: {  	_ =	shalt  }
0x43: {  	_ =	shalt  }
0x44: {  	_ =	shalt  }
0x45: {  	_ =	shalt  }
0x46: {  	_ =	shalt  }
0x47: {  	_ =	shalt  }
0x48: {  	_ =	shalt  }
0x49: {  	_ =	shalt  }
0x4a: {  	_ =	shalt  }
0x4b: {  	_ =	shalt  }
0x4c: {  	_ =	shalt  }
0x4d: {  	_ =	shalt  }
0x4e: {  	_ =	shalt  }
0x4f: {  	_ =	shalt  }
0x50: {  	_ =	shalt  }
0x51: {  	_ =	shalt  }
0x52: {  	_ =	shalt  }
0x53: {  	_ =	shalt  }
0x54: {  	_ =	shalt  }
0x55: {  	_ =	shalt  }
0x56: {  	_ =	shalt  }
0x57: {  	_ =	shalt  }
0x58: {  	_ =	shalt  }
0x59: {  	_ =	shalt  }
0x5a: {  	_ =	shalt  }
0x5b: {  	_ =	shalt  }
0x5c: {  	_ =	shalt  }
0x5d: {  	_ =	shalt  }
0x5e: {  	_ =	shalt  }
0x5f: {  	_ =	shalt  }
0x60: {  	_ =	shalt  }
0x61: {  	_ =	shalt  }
0x62: {  	_ =	shalt  }
0x63: {  	_ =	shalt  }
0x64: {  	_ =	shalt  }
0x65: {  	_ =	shalt  }
0x66: {  	_ =	shalt  }
0x67: {  	_ =	shalt  }
0x68: {  	_ =	shalt  }
0x69: {  	_ =	shalt  }
0x6a: {  	_ =	shalt  }
0x6b: {  	_ =	shalt  }
0x6c: {  	_ =	shalt  }
0x6d: {  	_ =	shalt  }
0x6e: {  	_ =	shalt  }
0x6f: {  	_ =	shalt  }
0x70: {  	_ =	shalt  }
0x71: {  	_ =	shalt  }
0x72: {  	_ =	shalt  }
0x73: {  	_ =	shalt  }
0x74: {  	_ =	shalt  }
0x75: {  	_ =	shalt  }
0x76: {  	_ =	shalt  }
0x77: {  	_ =	shalt  }
0x78: {  	_ =	shalt  }
0x79: {  	_ =	shalt  }
0x7a: {  	_ =	shalt  }
0x7b: {  	_ =	shalt  }
0x7c: {  	_ =	shalt  }
0x7d: {  	_ =	shalt  }
0x7e: {  	_ =	shalt  }
0x7f: {  	_ =	shalt  }
0x80: {  	_ =	shalt  }
0x81: {  	_ =	shalt  }
0x82: {  	_ =	shalt  }
0x83: {  	_ =	shalt  }
0x84: {  	_ =	shalt  }
0x85: {  	_ =	shalt  }
0x86: {  	_ =	shalt  }
0x87: {  	_ =	shalt  }
.Lfunc_end0:
.L_simem_size_0:
called_computation_lowered:
.L_overlay_start_0:
0x88: {  	s2 =	sld [smem:$0x3FD9]  }
0x89: {  	s3 =	sld [smem:$0x3FFE];
	_ =	sdelay $0x1  }
0x8a: {  	s1 =	srdreg.scid  }
0x8b: {  	s0 =	sand.u32 $0x1, s1  }
0x8c: {  	s17 =	sshll.u32 s0, $0xA;
	s2 =	sadd.s32 s3, s2  }
0x8d: {  	s2 =	sadd.s32 s2, s17  }
0x8e: {  	[smem:$0x3FC2] =	sst s2  }
0x8f: {  	_ = 	snop  }
0x90: {  	s2 =	sld [smem:$0x3FD0];
	(tm) =	ssettm $0x1  }
0x91: {  	s18 =	sld [smem:$0x3FFB];
	_ =	sdelay $0x3  }
0x92: {  	_ =	strace s18  }
0x93: {  	s3 =	sld [smem:$0x3FFC];
	_ =	sdelay $0x3  }
0x94: {  	_ =	strace s3  }
0x95: {  	s3 =	sld [smem:$0x3FFD];
	_ =	sdelay $0x3  }
0x96: {  	_ =	strace s3  }
0x97: {  	_ =	strace $0x8FFFFFFF  }
0x98: {  	s19 =	sld [smem:$0x3FDB];
	_ =	sdelay $0x1  }
0x99: {  	s4 =	simm.s32 $_scs_section_size  }
0x9a: {  	s5 =	simm.s32 $_size__tile_overlayer_lowered;
	s6 =	simm.s32 $_tile_overlayer_lowered  }
0x9b: {  	s22 =	simm.s32 $0x1BFF;
	s21 =	sshll.u32 s6, $0x1;
	s3 =	sadd.s32 s4, s19  }
0x9c: {  	s7 =	simm.s32 $0x0;
	s20 =	sshll.u32 s5, $0x1;
	s5 =	sadd.s32 s21, s3  }
0x9d: {  	[timem:s7], [sflag:s22] =	dma.local [hbm:s5], s20  }
0x9e: {  	_ =	swait.ge [sflag:s22], s20  }
0x9f: {  	s4 =	ssub.s32 $0x0, s20;
	[sflag:s22] =	ssyncset.done $0x0  }
0xa0: {  	[sflag:s22] =	ssyncadd.s32 s4;
	_ =	sdelay $0x1  }
0xa1: {  	s23 =	simm.s32 $0x1B8B  }
0xa2: {  	_ =	swait.ge [sflag:s23], $0x1  }
0xa3: {  	[sflag:s23] =	ssyncset.done $0x0  }
0xa4: {  	s25 =	simm.s32 $0x1B8E;
	s24 =	sld [smem:$0x3FFE];
	[sflag:s23] =	ssyncadd.s32 $0xFFFFFFFF  }
0xa5: {  	s26 =	simm.s32 $execute0_lowered;
	[smem:$0x3FD2] =	sst s25  }
0xa6: {  	s5 =	sshll.u32 s26, $0x1;
	_ =	strace $0x80000046;
	[dreg:$0x1] =	wrdreg $0xFFFFFFFF  }
0xa7: {  	s28 =	simm.s32 $_size_execute0_lowered;
	s3 =	sadd.s32 s3, s5;
	[dreg:$0x0] =	wrdreg $0x0  }
0xa8: {  	s5 =	sshll.u32 s28, $0x1;
	[dreg:$0x2] =	wrdreg s3  }
0xa9: {  	[dreg:$0x3] =	wrdreg s5  }
0xaa: {  	[dreg:$0x4] =	wrdreg $0xC0  }
0xab: {  	_ =	task [dreg:s7], $0x5FFFF  }
0xac: {  	[dreg:$0x1] =	wrdreg $0xFFFFFFFF  }
0xad: {  	[dreg:$0x0] =	wrdreg $0x60  }
0xae: {  	[dreg:$0x2] =	wrdreg s2  }
0xaf: {  	[dreg:$0x3] =	wrdreg s24  }
0xb0: {  	[dreg:$0x4] =	wrdreg $0x2B000  }
0xb1: {  	[dreg:$0x5] =	wrdreg $0x9  }
0xb2: {  	_ =	task.clear_ibuf [dreg:s7], $0x6FFFF;
	_ =	strace $0x90000046  }
0xb3: {  	s29 =	simm.s32 $0x9;
	_ =	strace $0x80000048  }
0xb4: {  	_ =	swait.ge [sflag:s29], $0x1  }
0xb5: {  	[sflag:s29] =	ssyncadd.s32 $0xFFFFFFFF  }
0xb6: {  	_ =	strace $0x90000048  }
0xb7: {  	_ =	sfence  }
0xb8: {  	s30 =	sld [smem:$0x0];
	_ =	sdelay $0x2  }
0xb9: {  	s31 =	sshll.u32 s1, $0xD;
	s1 =	sshrl.u32 s1, $0x2  }
0xba: {  	s3 =	sand.u32 $0x4000, s31;
	s1 =	sadd.s32 s1, s30  }
0xbb: {  	s0 =	sor.u32 s3, s0;
	s1 =	sshll.u32 s1, $0x11  }
0xbc: {  	s0 =	sor.u32 s1, s0  }
0xbd: {  	s0 =	sadd.s32 $0x8F2B, s0  }
0xbe: {  	[sflag:s0] =	ssyncadd.remote.s32 $0x1  }
0xbf: {  	_ =	sfence.sel $0xFFFF  }
0xc0: {  	[dreg:$0x0] =	wrdreg $0xFFFFFFFF;
	(pc) =	sbr.abs _section_cstart, $3  }
0xc1: {  	[dreg:$0x1] =	wrdreg $0xFFFFFFFF  }
0xc2: {  	_ =	task.clear_ibuf [dreg:s7], $0x2FFFF;
	_ =	strace $0x9FFFFFFF  }
0xc3: {  	(tm) =	ssettm $0x7FFFFFFF  }
tec
execute0_lowered:
.L_overlay_start_1:
0x0: {  	(tag) =	ssettag $0x1  }
0x1: {  	s5 =	rddreg [dreg:$0x0]  }
0x2: {  	s4 =	rddreg [dreg:$0x1]  }
0x3: {  	s2 =	rddreg [dreg:$0x2]  }
0x4: {  	s0 =	rddreg [dreg:$0x3]  }
0x5: {  	s6 =	srdreg.scid;
	s1 =	stileid.u32  }
0x6: {  	s3 =	simm.s32 $0x0;
	s11 =	simm.s32 $0x2800;
	s12 =	simm.s32 $0x100  }
0x7: {  	s13 =	simm.s32 $0x180;
	s14 =	simm.s32 $0x200;
	s15 =	simm.s32 $0x280  }
0x8: {  	s16 =	simm.s32 $0x300;
	s17 =	simm.s32 $0x380;
	s18 =	simm.s32 $0x1  }
0x9: {  	s21 =	simm.s32 $0x20;
	s22 =	simm.s32 $0x10;
	s7 =	smul.u32 $0x500, s1  }
0xa: {  	s23 =	simm.s32 $0x0;
	s6 =	sand.u32 $0x1, s6;
	s26 =	smul.u32 $0x2800, s1  }
0xb: {  	[smem:$0x7FF] =	sst s3;
	s10 =	smul.u32 $0xA00, s1;
	s19 =	sshll.u32 s1, $0x6  }
0xc: {  	s8 =	sshll.u32 s6, $0x7;
	s9 =	smul.u32 $0x28000, s6;
	_ =	strace $0x80000047  }
0xd: {  	s6 =	ssub.s32 $0x2, s6;
	s19 =	sor.u32 $0x1C02, s19;
	s7 =	sor.u32 s8, s7  }
0xe: {  	s28 =	sshrl.u32 s6, $0x1;
	s30 =	sshrl.u32 s10, $0x2;
	s10 =	simm.s32 $0x80  }
0xf: {  	s7 =	sshrl.u32 s7, $0x3;
	s8 =	sadd.s32 s26, s9;
	s29 =	ssub.s32 s6, s28  }
0x10: {  	s9 =	simm.s32 $0x2;
	s7 =	sadd.s32 s7, s4;
	s31 =	sshrl.u32 s8, $0x3  }
0x11: {  	s4 =	sadd.s32 s30, s2;
	s8 =	simm.s32 $0x2880;
	s5 =	sadd.s32 s5, s31  }
0x12: {  	v0 =	vimm.f32 $1.000000000e+00;
	v1 =	vimm.f32 $0.0e+00;
	s6 =	sadd.s32 $0x2000, s7;
	s7 =	smax.u32 s29, $0x1;
	s20 =	sshrl.u32 s4, $0x3  }
.LBB2_1:
0x13: {  	[tilespmem:$0x2800] =	vst v0  }
0x14: {  	[tilespmem:$0x2810] =	vst v0  }
0x15: {  	[tilespmem:$0x2820] =	vst v0  }
0x16: {  	[tilespmem:$0x2830] =	vst v0  }
0x17: {  	[tilespmem:$0x2840] =	vst v0  }
0x18: {  	[tilespmem:$0x2850] =	vst v0  }
0x19: {  	[tilespmem:$0x2860] =	vst v0  }
0x1a: {  	[tilespmem:$0x2870] =	vst v0  }
0x1b: {  	[tilespmem:$0x2880] =	vst v1  }
0x1c: {  	[tilespmem:$0x2890] =	vst v1  }
0x1d: {  	[tilespmem:$0x28A0] =	vst v1  }
0x1e: {  	[tilespmem:$0x28B0] =	vst v1  }
0x1f: {  	[tilespmem:$0x28C0] =	vst v1  }
0x20: {  	[tilespmem:$0x28D0] =	vst v1  }
0x21: {  	[tilespmem:$0x28E0] =	vst v1  }
0x22: {  	[tilespmem:$0x28F0] =	vst v1  }
0x23: {  	[tilespmem:$0x2900] =	vst v1  }
0x24: {  	[tilespmem:$0x2910] =	vst v1  }
0x25: {  	[tilespmem:$0x2920] =	vst v1  }
0x26: {  	[tilespmem:$0x2930] =	vst v1  }
0x27: {  	[tilespmem:$0x2940] =	vst v1  }
0x28: {  	[tilespmem:$0x2950] =	vst v1  }
0x29: {  	[tilespmem:$0x2960] =	vst v1  }
0x2a: {  	[tilespmem:$0x2970] =	vst v1  }
0x2b: {  	[tilespmem:$0x2980] =	vst v1  }
0x2c: {  	[tilespmem:$0x2990] =	vst v1  }
0x2d: {  	[tilespmem:$0x29A0] =	vst v1  }
0x2e: {  	[tilespmem:$0x29B0] =	vst v1  }
0x2f: {  	[tilespmem:$0x29C0] =	vst v1  }
0x30: {  	[tilespmem:$0x29D0] =	vst v1  }
0x31: {  	[tilespmem:$0x29E0] =	vst v1  }
0x32: {  	[tilespmem:$0x29F0] =	vst v1  }
0x33: {  	[tilespmem:$0x2A00] =	vst v1  }
0x34: {  	[tilespmem:$0x2A10] =	vst v1  }
0x35: {  	[tilespmem:$0x2A20] =	vst v1  }
0x36: {  	[tilespmem:$0x2A30] =	vst v1  }
0x37: {  	[tilespmem:$0x2A40] =	vst v1  }
0x38: {  	[tilespmem:$0x2A50] =	vst v1  }
0x39: {  	[tilespmem:$0x2A60] =	vst v1  }
0x3a: {  	[tilespmem:$0x2A70] =	vst v1  }
0x3b: {  	[tilespmem:$0x2A80] =	vst v1  }
0x3c: {  	[tilespmem:$0x2A90] =	vst v1  }
0x3d: {  	[tilespmem:$0x2AA0] =	vst v1  }
0x3e: {  	[tilespmem:$0x2AB0] =	vst v1  }
0x3f: {  	[tilespmem:$0x2AC0] =	vst v1  }
0x40: {  	[tilespmem:$0x2AD0] =	vst v1  }
0x41: {  	[tilespmem:$0x2AE0] =	vst v1  }
0x42: {  	[tilespmem:$0x2AF0] =	vst v1  }
0x43: {  	[spmem:s4] =	stream.linear.scatter [tilespmem:s8], [sflag:$0x2], $0x280, $0x38;
	[tilespmem:$0x2D80] =	vst v63  }
0x44: {  	_ =	swait.ge [sflag:s9], $0x280  }
0x45: {  	[sflag:s9] =	ssyncset.done $0x0  }
0x46: {  	[sflag:s9] =	ssyncadd.s32 $0xFFFFFD80  }
0x47: {  	[bflag:$0x0] =	sbarrier.arrive $0xFFFF  }
0x48: {  	[tilespmem:s3], [sflag:$0x2] =	stream.linear.gather [hbm4b:s5+s3], $0x2800, $0x38;
	[tilespmem:$0x2D80] =	vst v63  }
0x49: {  	_ =	swait.ge [sflag:s9], $0x2800  }
0x4a: {  	[sflag:s9] =	ssyncset.done $0x0  }
0x4b: {  	[sflag:s9] =	ssyncadd.s32 $0xFFFFD800  }
0x4c: {  	[spmem:s2] =	stream.indirect.scatter.add.f32 [tilespmem:s11], [sflag:$0x1], $0x1, s3, s10, $0xb8;
	[tilespmem:$0x2D80] =	vst v63  }
0x4d: {  	_ = 	snop  }
0x4e: {  	[spmem:s2] =	stream.indirect.scatter.add.f32 [tilespmem:s11], [sflag:$0x1], $0x1, s10, s10, $0xb8;
	[tilespmem:$0x2D80] =	vst v63  }
0x4f: {  	_ = 	snop  }
0x50: {  	[spmem:s2] =	stream.indirect.scatter.add.f32 [tilespmem:s11], [sflag:$0x1], $0x1, s12, s10, $0xb8;
	[tilespmem:$0x2D80] =	vst v63  }
0x51: {  	_ = 	snop  }
0x52: {  	[spmem:s2] =	stream.indirect.scatter.add.f32 [tilespmem:s11], [sflag:$0x1], $0x1, s13, s10, $0xb8;
	[tilespmem:$0x2D80] =	vst v63  }
0x53: {  	_ = 	snop  }
0x54: {  	[spmem:s2] =	stream.indirect.scatter.add.f32 [tilespmem:s11], [sflag:$0x1], $0x1, s14, s10, $0xb8;
	[tilespmem:$0x2D80] =	vst v63  }
0x55: {  	_ = 	snop  }
0x56: {  	[spmem:s2] =	stream.indirect.scatter.add.f32 [tilespmem:s11], [sflag:$0x1], $0x1, s15, s10, $0xb8;
	[tilespmem:$0x2D80] =	vst v63  }
0x57: {  	_ = 	snop  }
0x58: {  	[spmem:s2] =	stream.indirect.scatter.add.f32 [tilespmem:s11], [sflag:$0x1], $0x1, s16, s10, $0xb8;
	[tilespmem:$0x2D80] =	vst v63  }
0x59: {  	_ = 	snop  }
0x5a: {  	[spmem:s2] =	stream.indirect.scatter.add.f32 [tilespmem:s11], [sflag:$0x1], $0x1, s17, s10, $0xb8;
	[tilespmem:$0x2D80] =	vst v63  }
0x5b: {  	_ =	swait.ge [sflag:s18], $0x80  }
0x5c: {  	[sflag:s18] =	ssyncset.done $0x0  }
0x5d: {  	s24 =	simm.s32 $0x1200;
	s25 =	simm.s32 $0x400;
	[sflag:s18] =	ssyncadd.s32 $0xFFFFFF80  }
.LBB2_2:
0x5e: {  	[spmem:s2] =	stream.indirect.scatter.add.f32 [tilespmem:s11], [sflag:$0x1], $0x1, s25, s10, $0xb8;
	[tilespmem:$0x2D80] =	vst v63  }
0x5f: {  	s25 =	smov.u32 s24;
	p0 =	sne.s32 s24, $0x9E00  }
.Ltmp0:
0x60: {  	s24 =	sadd.s32 $0x200, s24;
	(pc) =	sbr.rel @p0 .LBB2_2-.Ltmp0, $4  }
0x61: {  	_ = 	snop  }
0x62: {  	_ =	swait.ge [sflag:s18], $0x80  }
0x63: {  	[sflag:s18] =	ssyncset.done $0x0  }
0x64: {  	s25 =	sshra.s32 s25, $0x2;
	[sflag:s18] =	ssyncadd.s32 $0xFFFFFF80  }
0x65: {  	[spmem:s2] =	stream.indirect.scatter.add.f32 [tilespmem:s11], [sflag:$0x1], $0x1, s25, s10, $0xb8;
	[tilespmem:$0x2D80] =	vst v63  }
0x66: {  	_ =	swait.ge [sflag:s18], $0x80  }
0x67: {  	[sflag:s18] =	ssyncset.done $0x0  }
0x68: {  	[sflag:s18] =	ssyncadd.s32 $0xFFFFFF80  }
0x69: {  	_ =	swait.ge [sflag:s18], $0x80  }
0x6a: {  	[sflag:s18] =	ssyncset.done $0x0  }
0x6b: {  	[sflag:s18] =	ssyncadd.s32 $0xFFFFFF80  }
0x6c: {  	_ =	swait.ge [sflag:s18], $0x80  }
0x6d: {  	[sflag:s18] =	ssyncset.done $0x0  }
0x6e: {  	[sflag:s18] =	ssyncadd.s32 $0xFFFFFF80  }
0x6f: {  	_ =	swait.ge [sflag:s18], $0x80  }
0x70: {  	[sflag:s18] =	ssyncset.done $0x0  }
0x71: {  	[sflag:s18] =	ssyncadd.s32 $0xFFFFFF80  }
0x72: {  	_ =	swait.ge [sflag:s18], $0x80  }
0x73: {  	[sflag:s18] =	ssyncset.done $0x0  }
0x74: {  	[sflag:s18] =	ssyncadd.s32 $0xFFFFFF80  }
0x75: {  	_ =	swait.ge [sflag:s18], $0x80  }
0x76: {  	[sflag:s18] =	ssyncset.done $0x0  }
0x77: {  	[sflag:s18] =	ssyncadd.s32 $0xFFFFFF80  }
0x78: {  	_ =	swait.ge [sflag:s18], $0x80  }
0x79: {  	[sflag:s18] =	ssyncset.done $0x0  }
0x7a: {  	[sflag:s18] =	ssyncadd.s32 $0xFFFFFF80  }
0x7b: {  	_ =	swait.ge [sflag:s18], $0x80  }
0x7c: {  	s23 =	sadd.s32 $0x1, s23;
	[sflag:s18] =	ssyncset.done $0x0  }
0x7d: {  	p0 =	sne.s32 s23, s7;
	[sflag:s18] =	ssyncadd.s32 $0xFFFFFF80  }
.Ltmp1:
0x7e: {  	[bflag:$0x0] =	sbarrier.arrive $0xFFFF;
	(pc) =	sbr.rel @p0 .LBB2_1-.Ltmp1, $4  }
0x7f: {  	[hbm:s6@s21], [sflag:s19] =	dma.strided [spmem:s20@s22], $0x50, s18, $0x10   }
0x80: {  	_ =	swait.ge [sflag:s9], $0x50  }
0x81: {  	[sflag:s9] =	ssyncset.done $0x0  }
0x82: {  	[sflag:s9] =	ssyncadd.s32 $0xFFFFFFB0  }
0x83: {  	_ =	sfence.sel $0x180000  }
0x84: {  	[bflag:$0x0] =	sbarrier.arrive $0xFFFF  }
0x85: {  	p0 =	sne.s32 s1, $0x0;
	_ =	strace $0x90000047  }
0x86: {  	s0 =	sadd.s32 @!p0 $0x100000, s0;
	[bflag:$0x2] =	sbarrier.arrive $0xFFFF  }
0x87: {  	[sflag:s0] =	ssyncadd.tile.s32 @!p0 $0x1;
	_ =	shalt  }
.Lfunc_end2:
_tile_overlayer_lowered:
.L_overlay_start_2:
0x88: {  	(tag) =	ssettag $0x2  }
0x89: {  	s0 =	rddreg [dreg:$0x0];
	s2 =	stileid.u32  }
0x8a: {  	s1 =	rddreg [dreg:$0x1];
	p0 =	sne.s32 s2, $0x0  }
0x8b: {  	s3 =	rddreg [dreg:$0x2];
	[bflag:$0x3] =	sbarrier.arrive $0xFFFF;
	s2 =	simm.s32 @!p0 $0x1C02  }
0x8c: {  	[timem:s3], [sflag:s2] =	dma.local @!p0 [hbm:s0], s1  }
0x8d: {  	s0 =	simm.s32 @!p0 $0x2  }
0x8e: {  	_ =	swait.ge @!p0 [sflag:s0], s1  }
0x8f: {  	s1 =	ssub.s32 @!p0 $0x0, s1;
	[sflag:s0] =	ssyncset.done @!p0 $0x0  }
0x90: {  	[sflag:s0] =	ssyncadd.s32 @!p0 s1  }
0x91: {  	[bflag:$0x3] =	sbarrier.arrive $0xFFFF  }
0x92: {  	_ =	shalt  }

</sc_bundles>
